<compile_context>
chip_gen: v7x
topology: tpu7x:2x2x1
jax: 0.10.2.dev20260603
libtpu: 0.0.44.dev20260713+nightly
codegen_flags: <defaults>
</compile_context>

<pallas_src>
import jax
import jax.numpy as jnp
from jax import lax
from jax.experimental import pallas as pl
from jax.experimental.pallas import tpu as pltpu
from jax.experimental.pallas import tpu_sc as plsc

EMB = 256
L = 16
NCH = EMB // L
N_IDX = 200
N_POS = 20
N_NEG = 32
MARGIN_ = 0.1
EPS_ = 1e-8

N_WORD_TILES = 13
POS_TILE = 13
NEG_TILE0 = 14


def _zeros():
    return tuple(jnp.zeros((L,), jnp.float32) for _ in range(NCH))


def _sum_rows(rows_ref, lo, hi, init):
    def body(i, acc):
        return tuple(acc[c] + rows_ref[i, pl.ds(c * L, L)] for c in range(NCH))
    return lax.fori_loop(lo, hi, body, init)


def _allreduce_sum(x):
    lane = lax.iota(jnp.int32, L)
    for sh in (8, 4, 2, 1):
        x = x + x.at[lane ^ sh].get(mode="promise_in_bounds")
    return x


def _dot(u, v):
    acc = u[0] * v[0]
    for c in range(1, NCH):
        acc = acc + u[c] * v[c]
    return _allreduce_sum(acc)


def _rsqrt_vec(x):
    i = lax.bitcast_convert_type(x, jnp.int32)
    i = jnp.int32(0x5F3759DF) - lax.shift_right_logical(i, 1)
    y = lax.bitcast_convert_type(i, jnp.float32)
    for _ in range(4):
        y = y * (1.5 - 0.5 * x * y * y)
    return y


def _sqrt_vec(x):
    return jnp.where(x > 0.0, x * _rsqrt_vec(x), 0.0)


def _store_part(part_v, acc):
    for c in range(NCH):
        part_v[pl.ds(c * L, L)] = acc[c]


def _body(idx_hbm, tp_hbm, tn_hbm, word_hbm, tag_hbm, out_hbm,
          idx_v, rows_v, part_v, all_v, res_v, shared, sem):
    sid = lax.axis_index("s")

    @pl.when(sid < N_WORD_TILES)
    def _():
        base = pl.multiple_of(jnp.where(sid == 12, N_IDX - 16, L * sid), 8)
        pltpu.sync_copy(idx_hbm.at[pl.ds(base, 16)], idx_v.at[pl.ds(0, 16)])
        pltpu.async_copy(word_hbm.at[idx_v.at[pl.ds(0, 16)]],
                         rows_v.at[pl.ds(0, 16)], sem).wait()
        lo = jnp.where(sid == 12, 200 - 192, 0)
        acc = _sum_rows(rows_v, lo, 16, _zeros())
        _store_part(part_v, acc)
        pltpu.sync_copy(part_v, shared.at[sid])

    @pl.when(sid == POS_TILE)
    def _():
        pltpu.sync_copy(tp_hbm, idx_v.at[pl.ds(0, N_POS)])
        tail = idx_v[pl.ds(16, 16)]
        lane = lax.iota(jnp.int32, L)
        idx_v[pl.ds(16, 16)] = tail.at[
            jnp.where(lane < N_POS - 16, lane, 0)
        ].get(mode="promise_in_bounds")
        pltpu.async_copy(tag_hbm.at[idx_v], rows_v, sem).wait()
        acc = _sum_rows(rows_v, 0, N_POS, _zeros())
        _store_part(part_v, acc)
        pltpu.sync_copy(part_v, shared.at[sid])

    @pl.when(sid >= NEG_TILE0)
    def _():
        base = pl.multiple_of(16 * (sid - NEG_TILE0), 8)
        pltpu.sync_copy(tn_hbm.at[pl.ds(base, 16)], idx_v.at[pl.ds(0, 16)])
        pltpu.async_copy(tag_hbm.at[idx_v.at[pl.ds(0, 16)]],
                         rows_v.at[pl.ds(0, 16)], sem).wait()
        acc = _sum_rows(rows_v, 0, 16, _zeros())
        _store_part(part_v, acc)
        pltpu.sync_copy(part_v, shared.at[sid])

    plsc.subcore_barrier()

    @pl.when(sid == 0)
    def _():
        pltpu.sync_copy(shared, all_v)
        xs = _sum_rows(all_v, 0, N_WORD_TILES, _zeros())
        ys = tuple(all_v[POS_TILE, pl.ds(c * L, L)] for c in range(NCH))
        ng = tuple(all_v[NEG_TILE0, pl.ds(c * L, L)] +
                   all_v[NEG_TILE0 + 1, pl.ds(c * L, L)] for c in range(NCH))

        dot_xn = _dot(xs, ng)
        dot_xy = _dot(xs, ys)
        nx2 = _dot(xs, xs)
        ny2 = _dot(ys, ys)
        nn2 = _dot(ng, ng)

        vnx = _sqrt_vec(nx2)
        vny = _sqrt_vec(ny2)
        vnn = _sqrt_vec(nn2)
        den_n = jnp.maximum(vnx * vnn, EPS_)
        den_y = jnp.maximum(vnx * vny, EPS_)
        crude = dot_xn / den_n - dot_xy / den_y + MARGIN_
        res_v[...] = jnp.maximum(crude, 0.0)
        pltpu.sync_copy(res_v, out_hbm)


def kernel(idx, targets_pos, targets_neg, word_embs, tag_embs):
    mesh = plsc.VectorSubcoreMesh(core_axis_name="c", subcore_axis_name="s",
                                  num_cores=1)
    k = pl.kernel(
        _body,
        mesh=mesh,
        out_type=jax.ShapeDtypeStruct((L,), jnp.float32),
        scratch_types=[
            pltpu.VMEM((32,), jnp.int32),
            pltpu.VMEM((32, EMB), jnp.float32),
            pltpu.VMEM((EMB,), jnp.float32),
            pltpu.VMEM((16, EMB), jnp.float32),
            pltpu.VMEM((L,), jnp.float32),
            pltpu.VMEM_SHARED((16, EMB), jnp.float32),
            pltpu.SemaphoreType.DMA,
        ],
    )
    out = k(idx, targets_pos, targets_neg, word_embs, tag_embs)
    return out[0]

# --- scband reference (transcript-rebuilt; emitter-appended) ---
"""Pipeline reference for scband-tag-space-model-52630529245695 (READ-ONLY COPY).

The authoritative reference and input builder live on the scoring server;
editing this copy changes nothing except your own understanding.
"""

import jax, jax.numpy as jnp
import numpy as np

VOCAB_SIZE = 1000000
TAG_VOCAB_SIZE = 100000
EMB_SIZE = 256
MARGIN = 0.1


def setup_inputs(seed: int = 0) -> dict:
    key = jax.random.key(seed)
    k1, k2, k3, k4, k5 = jax.random.split(key, 5)
    idx = jax.random.randint(k1, (200,), 0, VOCAB_SIZE, dtype=jnp.int64 if jax.config.jax_enable_x64 else jnp.int32).astype(jnp.int32)
    targets_pos = jax.random.randint(k2, (20,), 0, TAG_VOCAB_SIZE).astype(jnp.int32)
    targets_neg = jax.random.randint(k3, (32,), 0, TAG_VOCAB_SIZE).astype(jnp.int32)
    word_embs = jax.random.normal(k4, (VOCAB_SIZE, EMB_SIZE), dtype=jnp.float32)
    tag_embs = jax.random.normal(k5, (TAG_VOCAB_SIZE, EMB_SIZE), dtype=jnp.float32)
    return {"idx": idx, "targets_pos": targets_pos, "targets_neg": targets_neg,
            "word_embs": word_embs, "tag_embs": tag_embs}


def _cosine(a, b, eps=1e-8):
    # torch.nn.CosineSimilarity(dim=0): a.b / max(||a||*||b||, eps)
    denom = jnp.maximum(jnp.linalg.norm(a) * jnp.linalg.norm(b), eps)
    return jnp.dot(a, b) / denom


def reference(idx, targets_pos, targets_neg, word_embs, tag_embs):
    # embedding lookups (gather)
    xs = jnp.take(word_embs, idx, axis=0)       # [200, 256]
    ys = jnp.take(tag_embs, targets_pos, axis=0)  # [20, 256]
    negs = jnp.take(tag_embs, targets_neg, axis=0)  # [32, 256]
    # einsum('ij->j', .) == sum over rows
    xs = jnp.sum(xs, axis=0)
    ys = jnp.sum(ys, axis=0)
    negs = jnp.sum(negs, axis=0)
    crude = _cosine(xs, negs) - _cosine(xs, ys) + MARGIN
    # original: if crude <= 0: return 0.0 else crude  == relu(crude)
    return jnp.maximum(crude, 0.0)

if __name__ == "__main__":
    import jax
    _d = setup_inputs()
    print(jax.jit(kernel)(*tuple(_d.values())))

</pallas_src>

<mosaic_0001>
#map = affine_map<(d0, d1) -> (0)>
#map1 = affine_map<(d0, d1) -> (0, 0)>
module attributes {stable_mosaic.version = 14 : i64} {
  func.func @_body(%arg0: i32, %arg1: i32, %arg2: memref<200xi32, #tpu.memory_space<hbm>>, %arg3: memref<20xi32, #tpu.memory_space<hbm>>, %arg4: memref<32xi32, #tpu.memory_space<hbm>>, %arg5: memref<1000000x256xf32, #tpu.memory_space<hbm>>, %arg6: memref<100000x256xf32, #tpu.memory_space<hbm>>, %arg7: memref<16xf32, #tpu.memory_space<hbm>>, %arg8: memref<32xi32, #tpu.memory_space<vmem>>, %arg9: memref<32x256xf32, #tpu.memory_space<vmem>>, %arg10: memref<256xf32, #tpu.memory_space<vmem>>, %arg11: memref<16x256xf32, #tpu.memory_space<vmem>>, %arg12: memref<16xf32, #tpu.memory_space<vmem>>, %arg13: memref<16x256xf32, #tpu.memory_space<vmem_shared>>, %arg14: memref<!tpu.dma_semaphore, #tpu.memory_space<semaphore_mem>>) attributes {dimension_semantics = [#tpu.dimension_semantics<core_parallel>, #tpu.dimension_semantics<subcore_parallel>], iteration_bounds = array<i64: 1, 16>, scalar_prefetch = 0 : i64, scratch_operands = 7 : i64, tpu.core_type = #tpu.core_type<sc_vector_subcore>, window_params = [{transform_indices = #map}, {transform_indices = #map}, {transform_indices = #map}, {transform_indices = #map1}, {transform_indices = #map1}, {transform_indices = #map}]} {
    %lt3A = arith.constant 13 : i32
    %lt3A_0 = arith.cmpi slt, %arg1, %lt3A : i32
    %convert_element_type3A = arith.extui %lt3A_0 : i1 to i32
    %cond3A = arith.constant 0 : i32
    %cond3A_1 = arith.cmpi ne, %convert_element_type3A, %cond3A : i32
    scf.if %cond3A_1 {
      %eq3A_15 = arith.constant 12 : i32
      %eq3A_16 = arith.cmpi eq, %arg1, %eq3A_15 : i32
      %mul3A = arith.constant 16 : i32
      %mul3A_17 = arith.muli %mul3A, %arg1 : i32
      %jit3A = arith.constant 184 : i32
      %select_n3A = arith.select %eq3A_16, %jit3A, %mul3A_17 : i32
      %multiple_of3A = tpu.assume_multiple %select_n3A, 8 : i32
      "tpu.region"() ({
        %run_scoped3A = tpu.sem_alloc : memref<!tpu.dma_semaphore, #tpu.memory_space<semaphore_mem>>
        %dma_start3A_141 = arith.constant 0 : i32
        %dma_start3A_142 = tpu.memref_slice %arg8[%dma_start3A_141] : memref<32xi32, #tpu.memory_space<vmem>> -> memref<16xi32, #tpu.memory_space<vmem>>
        %dma_start3A_143 = tpu.memref_slice %arg2[%multiple_of3A] : memref<200xi32, #tpu.memory_space<hbm>> -> memref<16xi32, #tpu.memory_space<hbm>>
        %dma_start3A_144 = arith.constant 0 : i32
        %dma_start3A_145 = tpu.memref_slice %arg8[%dma_start3A_144] : memref<32xi32, #tpu.memory_space<vmem>> -> memref<16xi32, #tpu.memory_space<vmem>>
        %dma_start3A_146 = tpu.memref_slice %arg2[%multiple_of3A] : memref<200xi32, #tpu.memory_space<hbm>> -> memref<16xi32, #tpu.memory_space<hbm>>
        tpu.enqueue_dma source(%dma_start3A_146 : memref<16xi32, #tpu.memory_space<hbm>>) target(%dma_start3A_145 : memref<16xi32, #tpu.memory_space<vmem>>) target_semaphore(%run_scoped3A : memref<!tpu.dma_semaphore, #tpu.memory_space<semaphore_mem>>)
        %dma_wait3A_147 = arith.constant 0 : i32
        %dma_wait3A_148 = tpu.memref_slice %arg8[%dma_wait3A_147] : memref<32xi32, #tpu.memory_space<vmem>> -> memref<16xi32, #tpu.memory_space<vmem>>
        %dma_wait3A_149 = tpu.memref_slice %arg2[%multiple_of3A] : memref<200xi32, #tpu.memory_space<hbm>> -> memref<16xi32, #tpu.memory_space<hbm>>
        %dma_wait3A_150 = arith.constant 0 : i32
        %dma_wait3A_151 = tpu.memref_slice %arg8[%dma_wait3A_150] : memref<32xi32, #tpu.memory_space<vmem>> -> memref<16xi32, #tpu.memory_space<vmem>>
        %dma_wait3A_152 = tpu.memref_slice %arg2[%multiple_of3A] : memref<200xi32, #tpu.memory_space<hbm>> -> memref<16xi32, #tpu.memory_space<hbm>>
        tpu.wait_dma2 semaphore(%run_scoped3A : memref<!tpu.dma_semaphore, #tpu.memory_space<semaphore_mem>>) src(%dma_wait3A_152 : memref<16xi32, #tpu.memory_space<hbm>>) dst(%dma_wait3A_151 : memref<16xi32, #tpu.memory_space<vmem>>)
        tpu.yield
      }) : () -> ()
      %dma_start3A = arith.constant 0 : i32
      %dma_start3A_18 = arith.constant 0 : i32
      %dma_start3A_19 = tpu.memref_slice %arg9[%dma_start3A, %dma_start3A_18] : memref<32x256xf32, #tpu.memory_space<vmem>> -> memref<16x256xf32, #tpu.memory_space<vmem>>
      %dma_start3A_20 = arith.constant 0 : i32
      %dma_start3A_21 = tpu.memref_slice %arg8[%dma_start3A_20] : memref<32xi32, #tpu.memory_space<vmem>> -> memref<16xi32, #tpu.memory_space<vmem>>
      %dma_start3A_22 = arith.constant 0 : i32
      %dma_start3A_23 = arith.constant 0 : i32
      %dma_start3A_24 = tpu.memref_slice %arg5[%dma_start3A_22, %dma_start3A_23] : memref<1000000x256xf32, #tpu.memory_space<hbm>> -> memref<1000000x256xf32, #tpu.memory_space<hbm>>
      tpu.enqueue_indirect_dma source(%dma_start3A_24 : memref<1000000x256xf32, #tpu.memory_space<hbm>>) target(%dma_start3A_19 : memref<16x256xf32, #tpu.memory_space<vmem>>) offsets(%dma_start3A_21 : memref<16xi32, #tpu.memory_space<vmem>>) semaphore(%arg14 : memref<!tpu.dma_semaphore, #tpu.memory_space<semaphore_mem>>)
      %dma_wait3A = arith.constant 0 : i32
      %dma_wait3A_25 = arith.constant 0 : i32
      %dma_wait3A_26 = tpu.memref_slice %arg9[%dma_wait3A, %dma_wait3A_25] : memref<32x256xf32, #tpu.memory_space<vmem>> -> memref<16x256xf32, #tpu.memory_space<vmem>>
      %dma_wait3A_27 = arith.constant 0 : i32
      %dma_wait3A_28 = tpu.memref_slice %arg8[%dma_wait3A_27] : memref<32xi32, #tpu.memory_space<vmem>> -> memref<16xi32, #tpu.memory_space<vmem>>
      %dma_wait3A_29 = arith.constant 0 : i32
      %dma_wait3A_30 = arith.constant 0 : i32
      %dma_wait3A_31 = tpu.memref_slice %arg5[%dma_wait3A_29, %dma_wait3A_30] : memref<1000000x256xf32, #tpu.memory_space<hbm>> -> memref<1000000x256xf32, #tpu.memory_space<hbm>>
      tpu.wait_indirect_dma semaphore(%arg14 : memref<!tpu.dma_semaphore, #tpu.memory_space<semaphore_mem>>) src(%dma_wait3A_31 : memref<1000000x256xf32, #tpu.memory_space<hbm>>) dst(%dma_wait3A_26 : memref<16x256xf32, #tpu.memory_space<vmem>>)
      %eq3A_32 = arith.constant 12 : i32
      %eq3A_33 = arith.cmpi eq, %arg1, %eq3A_32 : i32
      %jit3A_34 = arith.constant 8 : i32
      %jit3A_35 = arith.constant 0 : i32
      %select_n3A_36 = arith.select %eq3A_33, %jit3A_34, %jit3A_35 : i32
      %broadcast_in_dim3A = arith.constant 0.000000e+00 : f32
      %broadcast_in_dim3A_37 = vector.broadcast %broadcast_in_dim3A : f32 to vector<16xf32>
      %broadcast_in_dim3A_38 = arith.constant 0.000000e+00 : f32
      %broadcast_in_dim3A_39 = vector.broadcast %broadcast_in_dim3A_38 : f32 to vector<16xf32>
      %broadcast_in_dim3A_40 = arith.constant 0.000000e+00 : f32
      %broadcast_in_dim3A_41 = vector.broadcast %broadcast_in_dim3A_40 : f32 to vector<16xf32>
      %broadcast_in_dim3A_42 = arith.constant 0.000000e+00 : f32
      %broadcast_in_dim3A_43 = vector.broadcast %broadcast_in_dim3A_42 : f32 to vector<16xf32>
      %broadcast_in_dim3A_44 = arith.constant 0.000000e+00 : f32
      %broadcast_in_dim3A_45 = vector.broadcast %broadcast_in_dim3A_44 : f32 to vector<16xf32>
      %broadcast_in_dim3A_46 = arith.constant 0.000000e+00 : f32
      %broadcast_in_dim3A_47 = vector.broadcast %broadcast_in_dim3A_46 : f32 to vector<16xf32>
      %broadcast_in_dim3A_48 = arith.constant 0.000000e+00 : f32
      %broadcast_in_dim3A_49 = vector.broadcast %broadcast_in_dim3A_48 : f32 to vector<16xf32>
      %broadcast_in_dim3A_50 = arith.constant 0.000000e+00 : f32
      %broadcast_in_dim3A_51 = vector.broadcast %broadcast_in_dim3A_50 : f32 to vector<16xf32>
      %broadcast_in_dim3A_52 = arith.constant 0.000000e+00 : f32
      %broadcast_in_dim3A_53 = vector.broadcast %broadcast_in_dim3A_52 : f32 to vector<16xf32>
      %broadcast_in_dim3A_54 = arith.constant 0.000000e+00 : f32
      %broadcast_in_dim3A_55 = vector.broadcast %broadcast_in_dim3A_54 : f32 to vector<16xf32>
      %broadcast_in_dim3A_56 = arith.constant 0.000000e+00 : f32
      %broadcast_in_dim3A_57 = vector.broadcast %broadcast_in_dim3A_56 : f32 to vector<16xf32>
      %broadcast_in_dim3A_58 = arith.constant 0.000000e+00 : f32
      %broadcast_in_dim3A_59 = vector.broadcast %broadcast_in_dim3A_58 : f32 to vector<16xf32>
      %broadcast_in_dim3A_60 = arith.constant 0.000000e+00 : f32
      %broadcast_in_dim3A_61 = vector.broadcast %broadcast_in_dim3A_60 : f32 to vector<16xf32>
      %broadcast_in_dim3A_62 = arith.constant 0.000000e+00 : f32
      %broadcast_in_dim3A_63 = vector.broadcast %broadcast_in_dim3A_62 : f32 to vector<16xf32>
      %broadcast_in_dim3A_64 = arith.constant 0.000000e+00 : f32
      %broadcast_in_dim3A_65 = vector.broadcast %broadcast_in_dim3A_64 : f32 to vector<16xf32>
      %broadcast_in_dim3A_66 = arith.constant 0.000000e+00 : f32
      %broadcast_in_dim3A_67 = vector.broadcast %broadcast_in_dim3A_66 : f32 to vector<16xf32>
      %while3A = arith.constant 16 : i32
      %while3A_68 = arith.subi %while3A, %select_n3A_36 : i32
      %while3A_69 = arith.addi %select_n3A_36, %while3A_68 : i32
      %while3A_70 = arith.constant 1 : i32
      %while3A_71 = arith.divsi %while3A_68, %while3A_70 : i32
      %while3A_72 = arith.muli %while3A_71, %while3A_70 : i32
      %while3A_73 = arith.addi %select_n3A_36, %while3A_72 : i32
      %while3A_74 = arith.constant 1 : i32
      %while3A_75:16 = scf.for %while3A_141 = %select_n3A_36 to %while3A_73 step %while3A_74 iter_args(%while3A_142 = %broadcast_in_dim3A_37, %while3A_143 = %broadcast_in_dim3A_39, %while3A_144 = %broadcast_in_dim3A_41, %while3A_145 = %broadcast_in_dim3A_43, %while3A_146 = %broadcast_in_dim3A_45, %while3A_147 = %broadcast_in_dim3A_47, %while3A_148 = %broadcast_in_dim3A_49, %while3A_149 = %broadcast_in_dim3A_51, %while3A_150 = %broadcast_in_dim3A_53, %while3A_151 = %broadcast_in_dim3A_55, %while3A_152 = %broadcast_in_dim3A_57, %while3A_153 = %broadcast_in_dim3A_59, %while3A_154 = %broadcast_in_dim3A_61, %while3A_155 = %broadcast_in_dim3A_63, %while3A_156 = %broadcast_in_dim3A_65, %while3A_157 = %broadcast_in_dim3A_67) -> (vector<16xf32>, vector<16xf32>, vector<16xf32>, vector<16xf32>, vector<16xf32>, vector<16xf32>, vector<16xf32>, vector<16xf32>, vector<16xf32>, vector<16xf32>, vector<16xf32>, vector<16xf32>, vector<16xf32>, vector<16xf32>, vector<16xf32>, vector<16xf32>)  : i32 {
        %get3A = arith.index_cast %while3A_141 : i32 to index
        %get3A_158 = arith.constant 0 : index
        %get3A_159 = tpu.vector_load %arg9[%get3A, %get3A_158] {strides = array<i32>} : memref<32x256xf32, #tpu.memory_space<vmem>>, vector<1x16xf32>,
        %get3A_160 = vector.shape_cast %get3A_159 : vector<1x16xf32> to vector<16xf32>
        %add3A = arith.addf %while3A_142, %get3A_160 : vector<16xf32>
        %get3A_161 = arith.index_cast %while3A_141 : i32 to index
        %get3A_162 = arith.constant 16 : index
        %get3A_163 = tpu.vector_load %arg9[%get3A_161, %get3A_162] {strides = array<i32>} : memref<32x256xf32, #tpu.memory_space<vmem>>, vector<1x16xf32>,
        %get3A_164 = vector.shape_cast %get3A_163 : vector<1x16xf32> to vector<16xf32>
        %add3A_165 = arith.addf %while3A_143, %get3A_164 : vector<16xf32>
        %get3A_166 = arith.index_cast %while3A_141 : i32 to index
        %get3A_167 = arith.constant 32 : index
        %get3A_168 = tpu.vector_load %arg9[%get3A_166, %get3A_167] {strides = array<i32>} : memref<32x256xf32, #tpu.memory_space<vmem>>, vector<1x16xf32>,
        %get3A_169 = vector.shape_cast %get3A_168 : vector<1x16xf32> to vector<16xf32>
        %add3A_170 = arith.addf %while3A_144, %get3A_169 : vector<16xf32>
        %get3A_171 = arith.index_cast %while3A_141 : i32 to index
        %get3A_172 = arith.constant 48 : index
        %get3A_173 = tpu.vector_load %arg9[%get3A_171, %get3A_172] {strides = array<i32>} : memref<32x256xf32, #tpu.memory_space<vmem>>, vector<1x16xf32>,
        %get3A_174 = vector.shape_cast %get3A_173 : vector<1x16xf32> to vector<16xf32>
        %add3A_175 = arith.addf %while3A_145, %get3A_174 : vector<16xf32>
        %get3A_176 = arith.index_cast %while3A_141 : i32 to index
        %get3A_177 = arith.constant 64 : index
        %get3A_178 = tpu.vector_load %arg9[%get3A_176, %get3A_177] {strides = array<i32>} : memref<32x256xf32, #tpu.memory_space<vmem>>, vector<1x16xf32>,
        %get3A_179 = vector.shape_cast %get3A_178 : vector<1x16xf32> to vector<16xf32>
        %add3A_180 = arith.addf %while3A_146, %get3A_179 : vector<16xf32>
        %get3A_181 = arith.index_cast %while3A_141 : i32 to index
        %get3A_182 = arith.constant 80 : index
        %get3A_183 = tpu.vector_load %arg9[%get3A_181, %get3A_182] {strides = array<i32>} : memref<32x256xf32, #tpu.memory_space<vmem>>, vector<1x16xf32>,
        %get3A_184 = vector.shape_cast %get3A_183 : vector<1x16xf32> to vector<16xf32>
        %add3A_185 = arith.addf %while3A_147, %get3A_184 : vector<16xf32>
        %get3A_186 = arith.index_cast %while3A_141 : i32 to index
        %get3A_187 = arith.constant 96 : index
        %get3A_188 = tpu.vector_load %arg9[%get3A_186, %get3A_187] {strides = array<i32>} : memref<32x256xf32, #tpu.memory_space<vmem>>, vector<1x16xf32>,
        %get3A_189 = vector.shape_cast %get3A_188 : vector<1x16xf32> to vector<16xf32>
        %add3A_190 = arith.addf %while3A_148, %get3A_189 : vector<16xf32>
        %get3A_191 = arith.index_cast %while3A_141 : i32 to index
        %get3A_192 = arith.constant 112 : index
        %get3A_193 = tpu.vector_load %arg9[%get3A_191, %get3A_192] {strides = array<i32>} : memref<32x256xf32, #tpu.memory_space<vmem>>, vector<1x16xf32>,
        %get3A_194 = vector.shape_cast %get3A_193 : vector<1x16xf32> to vector<16xf32>
        %add3A_195 = arith.addf %while3A_149, %get3A_194 : vector<16xf32>
        %get3A_196 = arith.index_cast %while3A_141 : i32 to index
        %get3A_197 = arith.constant 128 : index
        %get3A_198 = tpu.vector_load %arg9[%get3A_196, %get3A_197] {strides = array<i32>} : memref<32x256xf32, #tpu.memory_space<vmem>>, vector<1x16xf32>,
        %get3A_199 = vector.shape_cast %get3A_198 : vector<1x16xf32> to vector<16xf32>
        %add3A_200 = arith.addf %while3A_150, %get3A_199 : vector<16xf32>
        %get3A_201 = arith.index_cast %while3A_141 : i32 to index
        %get3A_202 = arith.constant 144 : index
        %get3A_203 = tpu.vector_load %arg9[%get3A_201, %get3A_202] {strides = array<i32>} : memref<32x256xf32, #tpu.memory_space<vmem>>, vector<1x16xf32>,
        %get3A_204 = vector.shape_cast %get3A_203 : vector<1x16xf32> to vector<16xf32>
        %add3A_205 = arith.addf %while3A_151, %get3A_204 : vector<16xf32>
        %get3A_206 = arith.index_cast %while3A_141 : i32 to index
        %get3A_207 = arith.constant 160 : index
        %get3A_208 = tpu.vector_load %arg9[%get3A_206, %get3A_207] {strides = array<i32>} : memref<32x256xf32, #tpu.memory_space<vmem>>, vector<1x16xf32>,
        %get3A_209 = vector.shape_cast %get3A_208 : vector<1x16xf32> to vector<16xf32>
        %add3A_210 = arith.addf %while3A_152, %get3A_209 : vector<16xf32>
        %get3A_211 = arith.index_cast %while3A_141 : i32 to index
        %get3A_212 = arith.constant 176 : index
        %get3A_213 = tpu.vector_load %arg9[%get3A_211, %get3A_212] {strides = array<i32>} : memref<32x256xf32, #tpu.memory_space<vmem>>, vector<1x16xf32>,
        %get3A_214 = vector.shape_cast %get3A_213 : vector<1x16xf32> to vector<16xf32>
        %add3A_215 = arith.addf %while3A_153, %get3A_214 : vector<16xf32>
        %get3A_216 = arith.index_cast %while3A_141 : i32 to index
        %get3A_217 = arith.constant 192 : index
        %get3A_218 = tpu.vector_load %arg9[%get3A_216, %get3A_217] {strides = array<i32>} : memref<32x256xf32, #tpu.memory_space<vmem>>, vector<1x16xf32>,
        %get3A_219 = vector.shape_cast %get3A_218 : vector<1x16xf32> to vector<16xf32>
        %add3A_220 = arith.addf %while3A_154, %get3A_219 : vector<16xf32>
        %get3A_221 = arith.index_cast %while3A_141 : i32 to index
        %get3A_222 = arith.constant 208 : index
        %get3A_223 = tpu.vector_load %arg9[%get3A_221, %get3A_222] {strides = array<i32>} : memref<32x256xf32, #tpu.memory_space<vmem>>, vector<1x16xf32>,
        %get3A_224 = vector.shape_cast %get3A_223 : vector<1x16xf32> to vector<16xf32>
        %add3A_225 = arith.addf %while3A_155, %get3A_224 : vector<16xf32>
        %get3A_226 = arith.index_cast %while3A_141 : i32 to index
        %get3A_227 = arith.constant 224 : index
        %get3A_228 = tpu.vector_load %arg9[%get3A_226, %get3A_227] {strides = array<i32>} : memref<32x256xf32, #tpu.memory_space<vmem>>, vector<1x16xf32>,
        %get3A_229 = vector.shape_cast %get3A_228 : vector<1x16xf32> to vector<16xf32>
        %add3A_230 = arith.addf %while3A_156, %get3A_229 : vector<16xf32>
        %get3A_231 = arith.index_cast %while3A_141 : i32 to index
        %get3A_232 = arith.constant 240 : index
        %get3A_233 = tpu.vector_load %arg9[%get3A_231, %get3A_232] {strides = array<i32>} : memref<32x256xf32, #tpu.memory_space<vmem>>, vector<1x16xf32>,
        %get3A_234 = vector.shape_cast %get3A_233 : vector<1x16xf32> to vector<16xf32>
        %add3A_235 = arith.addf %while3A_157, %get3A_234 : vector<16xf32>
        scf.yield %add3A, %add3A_165, %add3A_170, %add3A_175, %add3A_180, %add3A_185, %add3A_190, %add3A_195, %add3A_200, %add3A_205, %add3A_210, %add3A_215, %add3A_220, %add3A_225, %add3A_230, %add3A_235 : vector<16xf32>, vector<16xf32>, vector<16xf32>, vector<16xf32>, vector<16xf32>, vector<16xf32>, vector<16xf32>, vector<16xf32>, vector<16xf32>, vector<16xf32>, vector<16xf32>, vector<16xf32>, vector<16xf32>, vector<16xf32>, vector<16xf32>, vector<16xf32>
      }
      %while3A_76 = arith.constant 1 : i32
      %while3A_77:16 = scf.for %while3A_141 = %while3A_73 to %while3A_69 step %while3A_76 iter_args(%while3A_142 = %while3A_75#0, %while3A_143 = %while3A_75#1, %while3A_144 = %while3A_75#2, %while3A_145 = %while3A_75#3, %while3A_146 = %while3A_75#4, %while3A_147 = %while3A_75#5, %while3A_148 = %while3A_75#6, %while3A_149 = %while3A_75#7, %while3A_150 = %while3A_75#8, %while3A_151 = %while3A_75#9, %while3A_152 = %while3A_75#10, %while3A_153 = %while3A_75#11, %while3A_154 = %while3A_75#12, %while3A_155 = %while3A_75#13, %while3A_156 = %while3A_75#14, %while3A_157 = %while3A_75#15) -> (vector<16xf32>, vector<16xf32>, vector<16xf32>, vector<16xf32>, vector<16xf32>, vector<16xf32>, vector<16xf32>, vector<16xf32>, vector<16xf32>, vector<16xf32>, vector<16xf32>, vector<16xf32>, vector<16xf32>, vector<16xf32>, vector<16xf32>, vector<16xf32>)  : i32 {
        %get3A = arith.index_cast %while3A_141 : i32 to index
        %get3A_158 = arith.constant 0 : index
        %get3A_159 = tpu.vector_load %arg9[%get3A, %get3A_158] {strides = array<i32>} : memref<32x256xf32, #tpu.memory_space<vmem>>, vector<1x16xf32>,
        %get3A_160 = vector.shape_cast %get3A_159 : vector<1x16xf32> to vector<16xf32>
        %add3A = arith.addf %while3A_142, %get3A_160 : vector<16xf32>
        %get3A_161 = arith.index_cast %while3A_141 : i32 to index
        %get3A_162 = arith.constant 16 : index
        %get3A_163 = tpu.vector_load %arg9[%get3A_161, %get3A_162] {strides = array<i32>} : memref<32x256xf32, #tpu.memory_space<vmem>>, vector<1x16xf32>,
        %get3A_164 = vector.shape_cast %get3A_163 : vector<1x16xf32> to vector<16xf32>
        %add3A_165 = arith.addf %while3A_143, %get3A_164 : vector<16xf32>
        %get3A_166 = arith.index_cast %while3A_141 : i32 to index
        %get3A_167 = arith.constant 32 : index
        %get3A_168 = tpu.vector_load %arg9[%get3A_166, %get3A_167] {strides = array<i32>} : memref<32x256xf32, #tpu.memory_space<vmem>>, vector<1x16xf32>,
        %get3A_169 = vector.shape_cast %get3A_168 : vector<1x16xf32> to vector<16xf32>
        %add3A_170 = arith.addf %while3A_144, %get3A_169 : vector<16xf32>
        %get3A_171 = arith.index_cast %while3A_141 : i32 to index
        %get3A_172 = arith.constant 48 : index
        %get3A_173 = tpu.vector_load %arg9[%get3A_171, %get3A_172] {strides = array<i32>} : memref<32x256xf32, #tpu.memory_space<vmem>>, vector<1x16xf32>,
        %get3A_174 = vector.shape_cast %get3A_173 : vector<1x16xf32> to vector<16xf32>
        %add3A_175 = arith.addf %while3A_145, %get3A_174 : vector<16xf32>
        %get3A_176 = arith.index_cast %while3A_141 : i32 to index
        %get3A_177 = arith.constant 64 : index
        %get3A_178 = tpu.vector_load %arg9[%get3A_176, %get3A_177] {strides = array<i32>} : memref<32x256xf32, #tpu.memory_space<vmem>>, vector<1x16xf32>,
        %get3A_179 = vector.shape_cast %get3A_178 : vector<1x16xf32> to vector<16xf32>
        %add3A_180 = arith.addf %while3A_146, %get3A_179 : vector<16xf32>
        %get3A_181 = arith.index_cast %while3A_141 : i32 to index
        %get3A_182 = arith.constant 80 : index
        %get3A_183 = tpu.vector_load %arg9[%get3A_181, %get3A_182] {strides = array<i32>} : memref<32x256xf32, #tpu.memory_space<vmem>>, vector<1x16xf32>,
        %get3A_184 = vector.shape_cast %get3A_183 : vector<1x16xf32> to vector<16xf32>
        %add3A_185 = arith.addf %while3A_147, %get3A_184 : vector<16xf32>
        %get3A_186 = arith.index_cast %while3A_141 : i32 to index
        %get3A_187 = arith.constant 96 : index
        %get3A_188 = tpu.vector_load %arg9[%get3A_186, %get3A_187] {strides = array<i32>} : memref<32x256xf32, #tpu.memory_space<vmem>>, vector<1x16xf32>,
        %get3A_189 = vector.shape_cast %get3A_188 : vector<1x16xf32> to vector<16xf32>
        %add3A_190 = arith.addf %while3A_148, %get3A_189 : vector<16xf32>
        %get3A_191 = arith.index_cast %while3A_141 : i32 to index
        %get3A_192 = arith.constant 112 : index
        %get3A_193 = tpu.vector_load %arg9[%get3A_191, %get3A_192] {strides = array<i32>} : memref<32x256xf32, #tpu.memory_space<vmem>>, vector<1x16xf32>,
        %get3A_194 = vector.shape_cast %get3A_193 : vector<1x16xf32> to vector<16xf32>
        %add3A_195 = arith.addf %while3A_149, %get3A_194 : vector<16xf32>
        %get3A_196 = arith.index_cast %while3A_141 : i32 to index
        %get3A_197 = arith.constant 128 : index
        %get3A_198 = tpu.vector_load %arg9[%get3A_196, %get3A_197] {strides = array<i32>} : memref<32x256xf32, #tpu.memory_space<vmem>>, vector<1x16xf32>,
        %get3A_199 = vector.shape_cast %get3A_198 : vector<1x16xf32> to vector<16xf32>
        %add3A_200 = arith.addf %while3A_150, %get3A_199 : vector<16xf32>
        %get3A_201 = arith.index_cast %while3A_141 : i32 to index
        %get3A_202 = arith.constant 144 : index
        %get3A_203 = tpu.vector_load %arg9[%get3A_201, %get3A_202] {strides = array<i32>} : memref<32x256xf32, #tpu.memory_space<vmem>>, vector<1x16xf32>,
        %get3A_204 = vector.shape_cast %get3A_203 : vector<1x16xf32> to vector<16xf32>
        %add3A_205 = arith.addf %while3A_151, %get3A_204 : vector<16xf32>
        %get3A_206 = arith.index_cast %while3A_141 : i32 to index
        %get3A_207 = arith.constant 160 : index
        %get3A_208 = tpu.vector_load %arg9[%get3A_206, %get3A_207] {strides = array<i32>} : memref<32x256xf32, #tpu.memory_space<vmem>>, vector<1x16xf32>,
        %get3A_209 = vector.shape_cast %get3A_208 : vector<1x16xf32> to vector<16xf32>
        %add3A_210 = arith.addf %while3A_152, %get3A_209 : vector<16xf32>
        %get3A_211 = arith.index_cast %while3A_141 : i32 to index
        %get3A_212 = arith.constant 176 : index
        %get3A_213 = tpu.vector_load %arg9[%get3A_211, %get3A_212] {strides = array<i32>} : memref<32x256xf32, #tpu.memory_space<vmem>>, vector<1x16xf32>,
        %get3A_214 = vector.shape_cast %get3A_213 : vector<1x16xf32> to vector<16xf32>
        %add3A_215 = arith.addf %while3A_153, %get3A_214 : vector<16xf32>
        %get3A_216 = arith.index_cast %while3A_141 : i32 to index
        %get3A_217 = arith.constant 192 : index
        %get3A_218 = tpu.vector_load %arg9[%get3A_216, %get3A_217] {strides = array<i32>} : memref<32x256xf32, #tpu.memory_space<vmem>>, vector<1x16xf32>,
        %get3A_219 = vector.shape_cast %get3A_218 : vector<1x16xf32> to vector<16xf32>
        %add3A_220 = arith.addf %while3A_154, %get3A_219 : vector<16xf32>
        %get3A_221 = arith.index_cast %while3A_141 : i32 to index
        %get3A_222 = arith.constant 208 : index
        %get3A_223 = tpu.vector_load %arg9[%get3A_221, %get3A_222] {strides = array<i32>} : memref<32x256xf32, #tpu.memory_space<vmem>>, vector<1x16xf32>,
        %get3A_224 = vector.shape_cast %get3A_223 : vector<1x16xf32> to vector<16xf32>
        %add3A_225 = arith.addf %while3A_155, %get3A_224 : vector<16xf32>
        %get3A_226 = arith.index_cast %while3A_141 : i32 to index
        %get3A_227 = arith.constant 224 : index
        %get3A_228 = tpu.vector_load %arg9[%get3A_226, %get3A_227] {strides = array<i32>} : memref<32x256xf32, #tpu.memory_space<vmem>>, vector<1x16xf32>,
        %get3A_229 = vector.shape_cast %get3A_228 : vector<1x16xf32> to vector<16xf32>
        %add3A_230 = arith.addf %while3A_156, %get3A_229 : vector<16xf32>
        %get3A_231 = arith.index_cast %while3A_141 : i32 to index
        %get3A_232 = arith.constant 240 : index
        %get3A_233 = tpu.vector_load %arg9[%get3A_231, %get3A_232] {strides = array<i32>} : memref<32x256xf32, #tpu.memory_space<vmem>>, vector<1x16xf32>,
        %get3A_234 = vector.shape_cast %get3A_233 : vector<1x16xf32> to vector<16xf32>
        %add3A_235 = arith.addf %while3A_157, %get3A_234 : vector<16xf32>
        scf.yield %add3A, %add3A_165, %add3A_170, %add3A_175, %add3A_180, %add3A_185, %add3A_190, %add3A_195, %add3A_200, %add3A_205, %add3A_210, %add3A_215, %add3A_220, %add3A_225, %add3A_230, %add3A_235 : vector<16xf32>, vector<16xf32>, vector<16xf32>, vector<16xf32>, vector<16xf32>, vector<16xf32>, vector<16xf32>, vector<16xf32>, vector<16xf32>, vector<16xf32>, vector<16xf32>, vector<16xf32>, vector<16xf32>, vector<16xf32>, vector<16xf32>, vector<16xf32>
      }
      %swap3A = arith.constant 0 : index
      %swap3A_78 = tpu.vector_load %arg10[%swap3A] {strides = array<i32>} : memref<256xf32, #tpu.memory_space<vmem>>, vector<16xf32>,
      %swap3A_79 = vector.shape_cast %swap3A_78 : vector<16xf32> to vector<16xf32>
      %swap3A_80 = vector.shape_cast %while3A_77#0 : vector<16xf32> to vector<16xf32>
      tpu.vector_store %arg10[%swap3A], %swap3A_80 {strides = array<i32>} : memref<256xf32, #tpu.memory_space<vmem>>, vector<16xf32>,
      %swap3A_81 = arith.constant 16 : index
      %swap3A_82 = tpu.vector_load %arg10[%swap3A_81] {strides = array<i32>} : memref<256xf32, #tpu.memory_space<vmem>>, vector<16xf32>,
      %swap3A_83 = vector.shape_cast %swap3A_82 : vector<16xf32> to vector<16xf32>
      %swap3A_84 = vector.shape_cast %while3A_77#1 : vector<16xf32> to vector<16xf32>
      tpu.vector_store %arg10[%swap3A_81], %swap3A_84 {strides = array<i32>} : memref<256xf32, #tpu.memory_space<vmem>>, vector<16xf32>,
      %swap3A_85 = arith.constant 32 : index
      %swap3A_86 = tpu.vector_load %arg10[%swap3A_85] {strides = array<i32>} : memref<256xf32, #tpu.memory_space<vmem>>, vector<16xf32>,
      %swap3A_87 = vector.shape_cast %swap3A_86 : vector<16xf32> to vector<16xf32>
      %swap3A_88 = vector.shape_cast %while3A_77#2 : vector<16xf32> to vector<16xf32>
      tpu.vector_store %arg10[%swap3A_85], %swap3A_88 {strides = array<i32>} : memref<256xf32, #tpu.memory_space<vmem>>, vector<16xf32>,
      %swap3A_89 = arith.constant 48 : index
      %swap3A_90 = tpu.vector_load %arg10[%swap3A_89] {strides = array<i32>} : memref<256xf32, #tpu.memory_space<vmem>>, vector<16xf32>,
      %swap3A_91 = vector.shape_cast %swap3A_90 : vector<16xf32> to vector<16xf32>
      %swap3A_92 = vector.shape_cast %while3A_77#3 : vector<16xf32> to vector<16xf32>
      tpu.vector_store %arg10[%swap3A_89], %swap3A_92 {strides = array<i32>} : memref<256xf32, #tpu.memory_space<vmem>>, vector<16xf32>,
      %swap3A_93 = arith.constant 64 : index
      %swap3A_94 = tpu.vector_load %arg10[%swap3A_93] {strides = array<i32>} : memref<256xf32, #tpu.memory_space<vmem>>, vector<16xf32>,
      %swap3A_95 = vector.shape_cast %swap3A_94 : vector<16xf32> to vector<16xf32>
      %swap3A_96 = vector.shape_cast %while3A_77#4 : vector<16xf32> to vector<16xf32>
      tpu.vector_store %arg10[%swap3A_93], %swap3A_96 {strides = array<i32>} : memref<256xf32, #tpu.memory_space<vmem>>, vector<16xf32>,
      %swap3A_97 = arith.constant 80 : index
      %swap3A_98 = tpu.vector_load %arg10[%swap3A_97] {strides = array<i32>} : memref<256xf32, #tpu.memory_space<vmem>>, vector<16xf32>,
      %swap3A_99 = vector.shape_cast %swap3A_98 : vector<16xf32> to vector<16xf32>
      %swap3A_100 = vector.shape_cast %while3A_77#5 : vector<16xf32> to vector<16xf32>
      tpu.vector_store %arg10[%swap3A_97], %swap3A_100 {strides = array<i32>} : memref<256xf32, #tpu.memory_space<vmem>>, vector<16xf32>,
      %swap3A_101 = arith.constant 96 : index
      %swap3A_102 = tpu.vector_load %arg10[%swap3A_101] {strides = array<i32>} : memref<256xf32, #tpu.memory_space<vmem>>, vector<16xf32>,
      %swap3A_103 = vector.shape_cast %swap3A_102 : vector<16xf32> to vector<16xf32>
      %swap3A_104 = vector.shape_cast %while3A_77#6 : vector<16xf32> to vector<16xf32>
      tpu.vector_store %arg10[%swap3A_101], %swap3A_104 {strides = array<i32>} : memref<256xf32, #tpu.memory_space<vmem>>, vector<16xf32>,
      %swap3A_105 = arith.constant 112 : index
      %swap3A_106 = tpu.vector_load %arg10[%swap3A_105] {strides = array<i32>} : memref<256xf32, #tpu.memory_space<vmem>>, vector<16xf32>,
      %swap3A_107 = vector.shape_cast %swap3A_106 : vector<16xf32> to vector<16xf32>
      %swap3A_108 = vector.shape_cast %while3A_77#7 : vector<16xf32> to vector<16xf32>
      tpu.vector_store %arg10[%swap3A_105], %swap3A_108 {strides = array<i32>} : memref<256xf32, #tpu.memory_space<vmem>>, vector<16xf32>,
      %swap3A_109 = arith.constant 128 : index
      %swap3A_110 = tpu.vector_load %arg10[%swap3A_109] {strides = array<i32>} : memref<256xf32, #tpu.memory_space<vmem>>, vector<16xf32>,
      %swap3A_111 = vector.shape_cast %swap3A_110 : vector<16xf32> to vector<16xf32>
      %swap3A_112 = vector.shape_cast %while3A_77#8 : vector<16xf32> to vector<16xf32>
      tpu.vector_store %arg10[%swap3A_109], %swap3A_112 {strides = array<i32>} : memref<256xf32, #tpu.memory_space<vmem>>, vector<16xf32>,
      %swap3A_113 = arith.constant 144 : index
      %swap3A_114 = tpu.vector_load %arg10[%swap3A_113] {strides = array<i32>} : memref<256xf32, #tpu.memory_space<vmem>>, vector<16xf32>,
      %swap3A_115 = vector.shape_cast %swap3A_114 : vector<16xf32> to vector<16xf32>
      %swap3A_116 = vector.shape_cast %while3A_77#9 : vector<16xf32> to vector<16xf32>
      tpu.vector_store %arg10[%swap3A_113], %swap3A_116 {strides = array<i32>} : memref<256xf32, #tpu.memory_space<vmem>>, vector<16xf32>,
      %swap3A_117 = arith.constant 160 : index
      %swap3A_118 = tpu.vector_load %arg10[%swap3A_117] {strides = array<i32>} : memref<256xf32, #tpu.memory_space<vmem>>, vector<16xf32>,
      %swap3A_119 = vector.shape_cast %swap3A_118 : vector<16xf32> to vector<16xf32>
      %swap3A_120 = vector.shape_cast %while3A_77#10 : vector<16xf32> to vector<16xf32>
      tpu.vector_store %arg10[%swap3A_117], %swap3A_120 {strides = array<i32>} : memref<256xf32, #tpu.memory_space<vmem>>, vector<16xf32>,
      %swap3A_121 = arith.constant 176 : index
      %swap3A_122 = tpu.vector_load %arg10[%swap3A_121] {strides = array<i32>} : memref<256xf32, #tpu.memory_space<vmem>>, vector<16xf32>,
      %swap3A_123 = vector.shape_cast %swap3A_122 : vector<16xf32> to vector<16xf32>
      %swap3A_124 = vector.shape_cast %while3A_77#11 : vector<16xf32> to vector<16xf32>
      tpu.vector_store %arg10[%swap3A_121], %swap3A_124 {strides = array<i32>} : memref<256xf32, #tpu.memory_space<vmem>>, vector<16xf32>,
      %swap3A_125 = arith.constant 192 : index
      %swap3A_126 = tpu.vector_load %arg10[%swap3A_125] {strides = array<i32>} : memref<256xf32, #tpu.memory_space<vmem>>, vector<16xf32>,
      %swap3A_127 = vector.shape_cast %swap3A_126 : vector<16xf32> to vector<16xf32>
      %swap3A_128 = vector.shape_cast %while3A_77#12 : vector<16xf32> to vector<16xf32>
      tpu.vector_store %arg10[%swap3A_125], %swap3A_128 {strides = array<i32>} : memref<256xf32, #tpu.memory_space<vmem>>, vector<16xf32>,
      %swap3A_129 = arith.constant 208 : index
      %swap3A_130 = tpu.vector_load %arg10[%swap3A_129] {strides = array<i32>} : memref<256xf32, #tpu.memory_space<vmem>>, vector<16xf32>,
      %swap3A_131 = vector.shape_cast %swap3A_130 : vector<16xf32> to vector<16xf32>
      %swap3A_132 = vector.shape_cast %while3A_77#13 : vector<16xf32> to vector<16xf32>
      tpu.vector_store %arg10[%swap3A_129], %swap3A_132 {strides = array<i32>} : memref<256xf32, #tpu.memory_space<vmem>>, vector<16xf32>,
      %swap3A_133 = arith.constant 224 : index
      %swap3A_134 = tpu.vector_load %arg10[%swap3A_133] {strides = array<i32>} : memref<256xf32, #tpu.memory_space<vmem>>, vector<16xf32>,
      %swap3A_135 = vector.shape_cast %swap3A_134 : vector<16xf32> to vector<16xf32>
      %swap3A_136 = vector.shape_cast %while3A_77#14 : vector<16xf32> to vector<16xf32>
      tpu.vector_store %arg10[%swap3A_133], %swap3A_136 {strides = array<i32>} : memref<256xf32, #tpu.memory_space<vmem>>, vector<16xf32>,
      %swap3A_137 = arith.constant 240 : index
      %swap3A_138 = tpu.vector_load %arg10[%swap3A_137] {strides = array<i32>} : memref<256xf32, #tpu.memory_space<vmem>>, vector<16xf32>,
      %swap3A_139 = vector.shape_cast %swap3A_138 : vector<16xf32> to vector<16xf32>
      %swap3A_140 = vector.shape_cast %while3A_77#15 : vector<16xf32> to vector<16xf32>
      tpu.vector_store %arg10[%swap3A_137], %swap3A_140 {strides = array<i32>} : memref<256xf32, #tpu.memory_space<vmem>>, vector<16xf32>,
      "tpu.region"() ({
        %run_scoped3A = tpu.sem_alloc : memref<!tpu.dma_semaphore, #tpu.memory_space<semaphore_mem>>
        %dma_start3A_141 = arith.constant 0 : i32
        %dma_start3A_142 = tpu.memref_slice %arg13[%arg1, %dma_start3A_141] : memref<16x256xf32, #tpu.memory_space<vmem_shared>> -> memref<1x256xf32, #tpu.memory_space<vmem_shared>>
        %dma_start3A_143 = tpu.memref_squeeze %dma_start3A_142 : memref<1x256xf32, #tpu.memory_space<vmem_shared>> -> memref<256xf32, #tpu.memory_space<vmem_shared>>
        %dma_start3A_144 = arith.constant 0 : i32
        %dma_start3A_145 = tpu.memref_slice %arg13[%arg1, %dma_start3A_144] : memref<16x256xf32, #tpu.memory_space<vmem_shared>> -> memref<1x256xf32, #tpu.memory_space<vmem_shared>>
        %dma_start3A_146 = tpu.memref_squeeze %dma_start3A_145 : memref<1x256xf32, #tpu.memory_space<vmem_shared>> -> memref<256xf32, #tpu.memory_space<vmem_shared>>
        tpu.enqueue_dma source(%arg10 : memref<256xf32, #tpu.memory_space<vmem>>) target(%dma_start3A_146 : memref<256xf32, #tpu.memory_space<vmem_shared>>) target_semaphore(%run_scoped3A : memref<!tpu.dma_semaphore, #tpu.memory_space<semaphore_mem>>)
        %dma_wait3A_147 = arith.constant 0 : i32
        %dma_wait3A_148 = tpu.memref_slice %arg13[%arg1, %dma_wait3A_147] : memref<16x256xf32, #tpu.memory_space<vmem_shared>> -> memref<1x256xf32, #tpu.memory_space<vmem_shared>>
        %dma_wait3A_149 = tpu.memref_squeeze %dma_wait3A_148 : memref<1x256xf32, #tpu.memory_space<vmem_shared>> -> memref<256xf32, #tpu.memory_space<vmem_shared>>
        %dma_wait3A_150 = arith.constant 0 : i32
        %dma_wait3A_151 = tpu.memref_slice %arg13[%arg1, %dma_wait3A_150] : memref<16x256xf32, #tpu.memory_space<vmem_shared>> -> memref<1x256xf32, #tpu.memory_space<vmem_shared>>
        %dma_wait3A_152 = tpu.memref_squeeze %dma_wait3A_151 : memref<1x256xf32, #tpu.memory_space<vmem_shared>> -> memref<256xf32, #tpu.memory_space<vmem_shared>>
        tpu.wait_dma2 semaphore(%run_scoped3A : memref<!tpu.dma_semaphore, #tpu.memory_space<semaphore_mem>>) src(%arg10 : memref<256xf32, #tpu.memory_space<vmem>>) dst(%dma_wait3A_152 : memref<256xf32, #tpu.memory_space<vmem_shared>>)
        tpu.yield
      }) : () -> ()
    } else {
    }
    %eq3A = arith.constant 13 : i32
    %eq3A_2 = arith.cmpi eq, %arg1, %eq3A : i32
    %convert_element_type3A_3 = arith.extui %eq3A_2 : i1 to i32
    %cond3A_4 = arith.constant 0 : i32
    %cond3A_5 = arith.cmpi ne, %convert_element_type3A_3, %cond3A_4 : i32
    scf.if %cond3A_5 {
      "tpu.region"() ({
        %run_scoped3A = tpu.sem_alloc : memref<!tpu.dma_semaphore, #tpu.memory_space<semaphore_mem>>
        %dma_start3A_136 = arith.constant 0 : i32
        %dma_start3A_137 = tpu.memref_slice %arg8[%dma_start3A_136] : memref<32xi32, #tpu.memory_space<vmem>> -> memref<20xi32, #tpu.memory_space<vmem>>
        %dma_start3A_138 = arith.constant 0 : i32
        %dma_start3A_139 = tpu.memref_slice %arg8[%dma_start3A_138] : memref<32xi32, #tpu.memory_space<vmem>> -> memref<20xi32, #tpu.memory_space<vmem>>
        tpu.enqueue_dma source(%arg3 : memref<20xi32, #tpu.memory_space<hbm>>) target(%dma_start3A_139 : memref<20xi32, #tpu.memory_space<vmem>>) target_semaphore(%run_scoped3A : memref<!tpu.dma_semaphore, #tpu.memory_space<semaphore_mem>>)
        %dma_wait3A_140 = arith.constant 0 : i32
        %dma_wait3A_141 = tpu.memref_slice %arg8[%dma_wait3A_140] : memref<32xi32, #tpu.memory_space<vmem>> -> memref<20xi32, #tpu.memory_space<vmem>>
        %dma_wait3A_142 = arith.constant 0 : i32
        %dma_wait3A_143 = tpu.memref_slice %arg8[%dma_wait3A_142] : memref<32xi32, #tpu.memory_space<vmem>> -> memref<20xi32, #tpu.memory_space<vmem>>
        tpu.wait_dma2 semaphore(%run_scoped3A : memref<!tpu.dma_semaphore, #tpu.memory_space<semaphore_mem>>) src(%arg3 : memref<20xi32, #tpu.memory_space<hbm>>) dst(%dma_wait3A_143 : memref<20xi32, #tpu.memory_space<vmem>>)
        tpu.yield
      }) : () -> ()
      %get3A = arith.constant 16 : index
      %get3A_15 = tpu.vector_load %arg8[%get3A] {strides = array<i32>} : memref<32xi32, #tpu.memory_space<vmem>>, vector<16xi32>,
      %get3A_16 = vector.shape_cast %get3A_15 : vector<16xi32> to vector<16xi32>
      %iota3A = tpu.iota {dimensions = array<i32: 0>} : vector<16xi32>
      %lt3A_17 = arith.constant 4 : i32
      %lt3A_18 = vector.broadcast %lt3A_17 : i32 to vector<16xi32>
      %lt3A_19 = arith.cmpi slt, %iota3A, %lt3A_18 : vector<16xi32>
      %jit3A = arith.constant 0 : i32
      %broadcast_in_dim3A = vector.broadcast %jit3A : i32 to vector<16xi32>
      %select_n3A = arith.select %lt3A_19, %iota3A, %broadcast_in_dim3A : vector<16xi1>, vector<16xi32>
      %lt3A_20 = arith.constant 0 : i32
      %lt3A_21 = vector.broadcast %lt3A_20 : i32 to vector<16xi32>
      %lt3A_22 = arith.cmpi slt, %select_n3A, %lt3A_21 : vector<16xi32>
      %add3A = arith.constant 16 : i32
      %add3A_23 = vector.broadcast %add3A : i32 to vector<16xi32>
      %add3A_24 = arith.addi %select_n3A, %add3A_23 : vector<16xi32>
      %select_n3A_25 = arith.select %lt3A_22, %add3A_24, %select_n3A : vector<16xi1>, vector<16xi32>
      %broadcast_in_dim3A_26 = vector.shape_cast %select_n3A_25 : vector<16xi32> to vector<16x1xi32>
      %gather3A = vector.shape_cast %broadcast_in_dim3A_26 : vector<16x1xi32> to vector<16xi32>
      %gather3A_27 = tpu.dynamic_gather %get3A_16[%gather3A] in [0] : vector<16xi32>, vector<16xi32> -> vector<16xi32>
      %swap3A = arith.constant 16 : index
      %swap3A_28 = tpu.vector_load %arg8[%swap3A] {strides = array<i32>} : memref<32xi32, #tpu.memory_space<vmem>>, vector<16xi32>,
      %swap3A_29 = vector.shape_cast %swap3A_28 : vector<16xi32> to vector<16xi32>
      %swap3A_30 = vector.shape_cast %gather3A_27 : vector<16xi32> to vector<16xi32>
      tpu.vector_store %arg8[%swap3A], %swap3A_30 {strides = array<i32>} : memref<32xi32, #tpu.memory_space<vmem>>, vector<16xi32>,
      %dma_start3A = arith.constant 0 : i32
      %dma_start3A_31 = arith.constant 0 : i32
      %dma_start3A_32 = tpu.memref_slice %arg6[%dma_start3A, %dma_start3A_31] : memref<100000x256xf32, #tpu.memory_space<hbm>> -> memref<100000x256xf32, #tpu.memory_space<hbm>>
      tpu.enqueue_indirect_dma source(%dma_start3A_32 : memref<100000x256xf32, #tpu.memory_space<hbm>>) target(%arg9 : memref<32x256xf32, #tpu.memory_space<vmem>>) offsets(%arg8 : memref<32xi32, #tpu.memory_space<vmem>>) semaphore(%arg14 : memref<!tpu.dma_semaphore, #tpu.memory_space<semaphore_mem>>)
      %dma_wait3A = arith.constant 0 : i32
      %dma_wait3A_33 = arith.constant 0 : i32
      %dma_wait3A_34 = tpu.memref_slice %arg6[%dma_wait3A, %dma_wait3A_33] : memref<100000x256xf32, #tpu.memory_space<hbm>> -> memref<100000x256xf32, #tpu.memory_space<hbm>>
      tpu.wait_indirect_dma semaphore(%arg14 : memref<!tpu.dma_semaphore, #tpu.memory_space<semaphore_mem>>) src(%dma_wait3A_34 : memref<100000x256xf32, #tpu.memory_space<hbm>>) dst(%arg9 : memref<32x256xf32, #tpu.memory_space<vmem>>)
      %broadcast_in_dim3A_35 = arith.constant 0.000000e+00 : f32
      %broadcast_in_dim3A_36 = vector.broadcast %broadcast_in_dim3A_35 : f32 to vector<16xf32>
      %broadcast_in_dim3A_37 = arith.constant 0.000000e+00 : f32
      %broadcast_in_dim3A_38 = vector.broadcast %broadcast_in_dim3A_37 : f32 to vector<16xf32>
      %broadcast_in_dim3A_39 = arith.constant 0.000000e+00 : f32
      %broadcast_in_dim3A_40 = vector.broadcast %broadcast_in_dim3A_39 : f32 to vector<16xf32>
      %broadcast_in_dim3A_41 = arith.constant 0.000000e+00 : f32
      %broadcast_in_dim3A_42 = vector.broadcast %broadcast_in_dim3A_41 : f32 to vector<16xf32>
      %broadcast_in_dim3A_43 = arith.constant 0.000000e+00 : f32
      %broadcast_in_dim3A_44 = vector.broadcast %broadcast_in_dim3A_43 : f32 to vector<16xf32>
      %broadcast_in_dim3A_45 = arith.constant 0.000000e+00 : f32
      %broadcast_in_dim3A_46 = vector.broadcast %broadcast_in_dim3A_45 : f32 to vector<16xf32>
      %broadcast_in_dim3A_47 = arith.constant 0.000000e+00 : f32
      %broadcast_in_dim3A_48 = vector.broadcast %broadcast_in_dim3A_47 : f32 to vector<16xf32>
      %broadcast_in_dim3A_49 = arith.constant 0.000000e+00 : f32
      %broadcast_in_dim3A_50 = vector.broadcast %broadcast_in_dim3A_49 : f32 to vector<16xf32>
      %broadcast_in_dim3A_51 = arith.constant 0.000000e+00 : f32
      %broadcast_in_dim3A_52 = vector.broadcast %broadcast_in_dim3A_51 : f32 to vector<16xf32>
      %broadcast_in_dim3A_53 = arith.constant 0.000000e+00 : f32
      %broadcast_in_dim3A_54 = vector.broadcast %broadcast_in_dim3A_53 : f32 to vector<16xf32>
      %broadcast_in_dim3A_55 = arith.constant 0.000000e+00 : f32
      %broadcast_in_dim3A_56 = vector.broadcast %broadcast_in_dim3A_55 : f32 to vector<16xf32>
      %broadcast_in_dim3A_57 = arith.constant 0.000000e+00 : f32
      %broadcast_in_dim3A_58 = vector.broadcast %broadcast_in_dim3A_57 : f32 to vector<16xf32>
      %broadcast_in_dim3A_59 = arith.constant 0.000000e+00 : f32
      %broadcast_in_dim3A_60 = vector.broadcast %broadcast_in_dim3A_59 : f32 to vector<16xf32>
      %broadcast_in_dim3A_61 = arith.constant 0.000000e+00 : f32
      %broadcast_in_dim3A_62 = vector.broadcast %broadcast_in_dim3A_61 : f32 to vector<16xf32>
      %broadcast_in_dim3A_63 = arith.constant 0.000000e+00 : f32
      %broadcast_in_dim3A_64 = vector.broadcast %broadcast_in_dim3A_63 : f32 to vector<16xf32>
      %broadcast_in_dim3A_65 = arith.constant 0.000000e+00 : f32
      %broadcast_in_dim3A_66 = vector.broadcast %broadcast_in_dim3A_65 : f32 to vector<16xf32>
      %scan3A = arith.constant 0 : i32
      %scan3A_67 = arith.constant 20 : i32
      %scan3A_68 = arith.addi %scan3A, %scan3A_67 : i32
      %scan3A_69 = arith.constant 1 : i32
      %scan3A_70:16 = scf.for %scan3A_136 = %scan3A to %scan3A_68 step %scan3A_69 iter_args(%scan3A_137 = %broadcast_in_dim3A_36, %scan3A_138 = %broadcast_in_dim3A_38, %scan3A_139 = %broadcast_in_dim3A_40, %scan3A_140 = %broadcast_in_dim3A_42, %scan3A_141 = %broadcast_in_dim3A_44, %scan3A_142 = %broadcast_in_dim3A_46, %scan3A_143 = %broadcast_in_dim3A_48, %scan3A_144 = %broadcast_in_dim3A_50, %scan3A_145 = %broadcast_in_dim3A_52, %scan3A_146 = %broadcast_in_dim3A_54, %scan3A_147 = %broadcast_in_dim3A_56, %scan3A_148 = %broadcast_in_dim3A_58, %scan3A_149 = %broadcast_in_dim3A_60, %scan3A_150 = %broadcast_in_dim3A_62, %scan3A_151 = %broadcast_in_dim3A_64, %scan3A_152 = %broadcast_in_dim3A_66) -> (vector<16xf32>, vector<16xf32>, vector<16xf32>, vector<16xf32>, vector<16xf32>, vector<16xf32>, vector<16xf32>, vector<16xf32>, vector<16xf32>, vector<16xf32>, vector<16xf32>, vector<16xf32>, vector<16xf32>, vector<16xf32>, vector<16xf32>, vector<16xf32>)  : i32 {
        %get3A_153 = arith.index_cast %scan3A_136 : i32 to index
        %get3A_154 = arith.constant 0 : index
        %get3A_155 = tpu.vector_load %arg9[%get3A_153, %get3A_154] {strides = array<i32>} : memref<32x256xf32, #tpu.memory_space<vmem>>, vector<1x16xf32>,
        %get3A_156 = vector.shape_cast %get3A_155 : vector<1x16xf32> to vector<16xf32>
        %add3A_157 = arith.addf %scan3A_137, %get3A_156 : vector<16xf32>
        %get3A_158 = arith.index_cast %scan3A_136 : i32 to index
        %get3A_159 = arith.constant 16 : index
        %get3A_160 = tpu.vector_load %arg9[%get3A_158, %get3A_159] {strides = array<i32>} : memref<32x256xf32, #tpu.memory_space<vmem>>, vector<1x16xf32>,
        %get3A_161 = vector.shape_cast %get3A_160 : vector<1x16xf32> to vector<16xf32>
        %add3A_162 = arith.addf %scan3A_138, %get3A_161 : vector<16xf32>
        %get3A_163 = arith.index_cast %scan3A_136 : i32 to index
        %get3A_164 = arith.constant 32 : index
        %get3A_165 = tpu.vector_load %arg9[%get3A_163, %get3A_164] {strides = array<i32>} : memref<32x256xf32, #tpu.memory_space<vmem>>, vector<1x16xf32>,
        %get3A_166 = vector.shape_cast %get3A_165 : vector<1x16xf32> to vector<16xf32>
        %add3A_167 = arith.addf %scan3A_139, %get3A_166 : vector<16xf32>
        %get3A_168 = arith.index_cast %scan3A_136 : i32 to index
        %get3A_169 = arith.constant 48 : index
        %get3A_170 = tpu.vector_load %arg9[%get3A_168, %get3A_169] {strides = array<i32>} : memref<32x256xf32, #tpu.memory_space<vmem>>, vector<1x16xf32>,
        %get3A_171 = vector.shape_cast %get3A_170 : vector<1x16xf32> to vector<16xf32>
        %add3A_172 = arith.addf %scan3A_140, %get3A_171 : vector<16xf32>
        %get3A_173 = arith.index_cast %scan3A_136 : i32 to index
        %get3A_174 = arith.constant 64 : index
        %get3A_175 = tpu.vector_load %arg9[%get3A_173, %get3A_174] {strides = array<i32>} : memref<32x256xf32, #tpu.memory_space<vmem>>, vector<1x16xf32>,
        %get3A_176 = vector.shape_cast %get3A_175 : vector<1x16xf32> to vector<16xf32>
        %add3A_177 = arith.addf %scan3A_141, %get3A_176 : vector<16xf32>
        %get3A_178 = arith.index_cast %scan3A_136 : i32 to index
        %get3A_179 = arith.constant 80 : index
        %get3A_180 = tpu.vector_load %arg9[%get3A_178, %get3A_179] {strides = array<i32>} : memref<32x256xf32, #tpu.memory_space<vmem>>, vector<1x16xf32>,
        %get3A_181 = vector.shape_cast %get3A_180 : vector<1x16xf32> to vector<16xf32>
        %add3A_182 = arith.addf %scan3A_142, %get3A_181 : vector<16xf32>
        %get3A_183 = arith.index_cast %scan3A_136 : i32 to index
        %get3A_184 = arith.constant 96 : index
        %get3A_185 = tpu.vector_load %arg9[%get3A_183, %get3A_184] {strides = array<i32>} : memref<32x256xf32, #tpu.memory_space<vmem>>, vector<1x16xf32>,
        %get3A_186 = vector.shape_cast %get3A_185 : vector<1x16xf32> to vector<16xf32>
        %add3A_187 = arith.addf %scan3A_143, %get3A_186 : vector<16xf32>
        %get3A_188 = arith.index_cast %scan3A_136 : i32 to index
        %get3A_189 = arith.constant 112 : index
        %get3A_190 = tpu.vector_load %arg9[%get3A_188, %get3A_189] {strides = array<i32>} : memref<32x256xf32, #tpu.memory_space<vmem>>, vector<1x16xf32>,
        %get3A_191 = vector.shape_cast %get3A_190 : vector<1x16xf32> to vector<16xf32>
        %add3A_192 = arith.addf %scan3A_144, %get3A_191 : vector<16xf32>
        %get3A_193 = arith.index_cast %scan3A_136 : i32 to index
        %get3A_194 = arith.constant 128 : index
        %get3A_195 = tpu.vector_load %arg9[%get3A_193, %get3A_194] {strides = array<i32>} : memref<32x256xf32, #tpu.memory_space<vmem>>, vector<1x16xf32>,
        %get3A_196 = vector.shape_cast %get3A_195 : vector<1x16xf32> to vector<16xf32>
        %add3A_197 = arith.addf %scan3A_145, %get3A_196 : vector<16xf32>
        %get3A_198 = arith.index_cast %scan3A_136 : i32 to index
        %get3A_199 = arith.constant 144 : index
        %get3A_200 = tpu.vector_load %arg9[%get3A_198, %get3A_199] {strides = array<i32>} : memref<32x256xf32, #tpu.memory_space<vmem>>, vector<1x16xf32>,
        %get3A_201 = vector.shape_cast %get3A_200 : vector<1x16xf32> to vector<16xf32>
        %add3A_202 = arith.addf %scan3A_146, %get3A_201 : vector<16xf32>
        %get3A_203 = arith.index_cast %scan3A_136 : i32 to index
        %get3A_204 = arith.constant 160 : index
        %get3A_205 = tpu.vector_load %arg9[%get3A_203, %get3A_204] {strides = array<i32>} : memref<32x256xf32, #tpu.memory_space<vmem>>, vector<1x16xf32>,
        %get3A_206 = vector.shape_cast %get3A_205 : vector<1x16xf32> to vector<16xf32>
        %add3A_207 = arith.addf %scan3A_147, %get3A_206 : vector<16xf32>
        %get3A_208 = arith.index_cast %scan3A_136 : i32 to index
        %get3A_209 = arith.constant 176 : index
        %get3A_210 = tpu.vector_load %arg9[%get3A_208, %get3A_209] {strides = array<i32>} : memref<32x256xf32, #tpu.memory_space<vmem>>, vector<1x16xf32>,
        %get3A_211 = vector.shape_cast %get3A_210 : vector<1x16xf32> to vector<16xf32>
        %add3A_212 = arith.addf %scan3A_148, %get3A_211 : vector<16xf32>
        %get3A_213 = arith.index_cast %scan3A_136 : i32 to index
        %get3A_214 = arith.constant 192 : index
        %get3A_215 = tpu.vector_load %arg9[%get3A_213, %get3A_214] {strides = array<i32>} : memref<32x256xf32, #tpu.memory_space<vmem>>, vector<1x16xf32>,
        %get3A_216 = vector.shape_cast %get3A_215 : vector<1x16xf32> to vector<16xf32>
        %add3A_217 = arith.addf %scan3A_149, %get3A_216 : vector<16xf32>
        %get3A_218 = arith.index_cast %scan3A_136 : i32 to index
        %get3A_219 = arith.constant 208 : index
        %get3A_220 = tpu.vector_load %arg9[%get3A_218, %get3A_219] {strides = array<i32>} : memref<32x256xf32, #tpu.memory_space<vmem>>, vector<1x16xf32>,
        %get3A_221 = vector.shape_cast %get3A_220 : vector<1x16xf32> to vector<16xf32>
        %add3A_222 = arith.addf %scan3A_150, %get3A_221 : vector<16xf32>
        %get3A_223 = arith.index_cast %scan3A_136 : i32 to index
        %get3A_224 = arith.constant 224 : index
        %get3A_225 = tpu.vector_load %arg9[%get3A_223, %get3A_224] {strides = array<i32>} : memref<32x256xf32, #tpu.memory_space<vmem>>, vector<1x16xf32>,
        %get3A_226 = vector.shape_cast %get3A_225 : vector<1x16xf32> to vector<16xf32>
        %add3A_227 = arith.addf %scan3A_151, %get3A_226 : vector<16xf32>
        %get3A_228 = arith.index_cast %scan3A_136 : i32 to index
        %get3A_229 = arith.constant 240 : index
        %get3A_230 = tpu.vector_load %arg9[%get3A_228, %get3A_229] {strides = array<i32>} : memref<32x256xf32, #tpu.memory_space<vmem>>, vector<1x16xf32>,
        %get3A_231 = vector.shape_cast %get3A_230 : vector<1x16xf32> to vector<16xf32>
        %add3A_232 = arith.addf %scan3A_152, %get3A_231 : vector<16xf32>
        scf.yield %add3A_157, %add3A_162, %add3A_167, %add3A_172, %add3A_177, %add3A_182, %add3A_187, %add3A_192, %add3A_197, %add3A_202, %add3A_207, %add3A_212, %add3A_217, %add3A_222, %add3A_227, %add3A_232 : vector<16xf32>, vector<16xf32>, vector<16xf32>, vector<16xf32>, vector<16xf32>, vector<16xf32>, vector<16xf32>, vector<16xf32>, vector<16xf32>, vector<16xf32>, vector<16xf32>, vector<16xf32>, vector<16xf32>, vector<16xf32>, vector<16xf32>, vector<16xf32>
      }
      %scan3A_71 = arith.constant 20 : i32
      %swap3A_72 = arith.constant 0 : index
      %swap3A_73 = tpu.vector_load %arg10[%swap3A_72] {strides = array<i32>} : memref<256xf32, #tpu.memory_space<vmem>>, vector<16xf32>,
      %swap3A_74 = vector.shape_cast %swap3A_73 : vector<16xf32> to vector<16xf32>
      %swap3A_75 = vector.shape_cast %scan3A_70#0 : vector<16xf32> to vector<16xf32>
      tpu.vector_store %arg10[%swap3A_72], %swap3A_75 {strides = array<i32>} : memref<256xf32, #tpu.memory_space<vmem>>, vector<16xf32>,
      %swap3A_76 = arith.constant 16 : index
      %swap3A_77 = tpu.vector_load %arg10[%swap3A_76] {strides = array<i32>} : memref<256xf32, #tpu.memory_space<vmem>>, vector<16xf32>,
      %swap3A_78 = vector.shape_cast %swap3A_77 : vector<16xf32> to vector<16xf32>
      %swap3A_79 = vector.shape_cast %scan3A_70#1 : vector<16xf32> to vector<16xf32>
      tpu.vector_store %arg10[%swap3A_76], %swap3A_79 {strides = array<i32>} : memref<256xf32, #tpu.memory_space<vmem>>, vector<16xf32>,
      %swap3A_80 = arith.constant 32 : index
      %swap3A_81 = tpu.vector_load %arg10[%swap3A_80] {strides = array<i32>} : memref<256xf32, #tpu.memory_space<vmem>>, vector<16xf32>,
      %swap3A_82 = vector.shape_cast %swap3A_81 : vector<16xf32> to vector<16xf32>
      %swap3A_83 = vector.shape_cast %scan3A_70#2 : vector<16xf32> to vector<16xf32>
      tpu.vector_store %arg10[%swap3A_80], %swap3A_83 {strides = array<i32>} : memref<256xf32, #tpu.memory_space<vmem>>, vector<16xf32>,
      %swap3A_84 = arith.constant 48 : index
      %swap3A_85 = tpu.vector_load %arg10[%swap3A_84] {strides = array<i32>} : memref<256xf32, #tpu.memory_space<vmem>>, vector<16xf32>,
      %swap3A_86 = vector.shape_cast %swap3A_85 : vector<16xf32> to vector<16xf32>
      %swap3A_87 = vector.shape_cast %scan3A_70#3 : vector<16xf32> to vector<16xf32>
      tpu.vector_store %arg10[%swap3A_84], %swap3A_87 {strides = array<i32>} : memref<256xf32, #tpu.memory_space<vmem>>, vector<16xf32>,
      %swap3A_88 = arith.constant 64 : index
      %swap3A_89 = tpu.vector_load %arg10[%swap3A_88] {strides = array<i32>} : memref<256xf32, #tpu.memory_space<vmem>>, vector<16xf32>,
      %swap3A_90 = vector.shape_cast %swap3A_89 : vector<16xf32> to vector<16xf32>
      %swap3A_91 = vector.shape_cast %scan3A_70#4 : vector<16xf32> to vector<16xf32>
      tpu.vector_store %arg10[%swap3A_88], %swap3A_91 {strides = array<i32>} : memref<256xf32, #tpu.memory_space<vmem>>, vector<16xf32>,
      %swap3A_92 = arith.constant 80 : index
      %swap3A_93 = tpu.vector_load %arg10[%swap3A_92] {strides = array<i32>} : memref<256xf32, #tpu.memory_space<vmem>>, vector<16xf32>,
      %swap3A_94 = vector.shape_cast %swap3A_93 : vector<16xf32> to vector<16xf32>
      %swap3A_95 = vector.shape_cast %scan3A_70#5 : vector<16xf32> to vector<16xf32>
      tpu.vector_store %arg10[%swap3A_92], %swap3A_95 {strides = array<i32>} : memref<256xf32, #tpu.memory_space<vmem>>, vector<16xf32>,
      %swap3A_96 = arith.constant 96 : index
      %swap3A_97 = tpu.vector_load %arg10[%swap3A_96] {strides = array<i32>} : memref<256xf32, #tpu.memory_space<vmem>>, vector<16xf32>,
      %swap3A_98 = vector.shape_cast %swap3A_97 : vector<16xf32> to vector<16xf32>
      %swap3A_99 = vector.shape_cast %scan3A_70#6 : vector<16xf32> to vector<16xf32>
      tpu.vector_store %arg10[%swap3A_96], %swap3A_99 {strides = array<i32>} : memref<256xf32, #tpu.memory_space<vmem>>, vector<16xf32>,
      %swap3A_100 = arith.constant 112 : index
      %swap3A_101 = tpu.vector_load %arg10[%swap3A_100] {strides = array<i32>} : memref<256xf32, #tpu.memory_space<vmem>>, vector<16xf32>,
      %swap3A_102 = vector.shape_cast %swap3A_101 : vector<16xf32> to vector<16xf32>
      %swap3A_103 = vector.shape_cast %scan3A_70#7 : vector<16xf32> to vector<16xf32>
      tpu.vector_store %arg10[%swap3A_100], %swap3A_103 {strides = array<i32>} : memref<256xf32, #tpu.memory_space<vmem>>, vector<16xf32>,
      %swap3A_104 = arith.constant 128 : index
      %swap3A_105 = tpu.vector_load %arg10[%swap3A_104] {strides = array<i32>} : memref<256xf32, #tpu.memory_space<vmem>>, vector<16xf32>,
      %swap3A_106 = vector.shape_cast %swap3A_105 : vector<16xf32> to vector<16xf32>
      %swap3A_107 = vector.shape_cast %scan3A_70#8 : vector<16xf32> to vector<16xf32>
      tpu.vector_store %arg10[%swap3A_104], %swap3A_107 {strides = array<i32>} : memref<256xf32, #tpu.memory_space<vmem>>, vector<16xf32>,
      %swap3A_108 = arith.constant 144 : index
      %swap3A_109 = tpu.vector_load %arg10[%swap3A_108] {strides = array<i32>} : memref<256xf32, #tpu.memory_space<vmem>>, vector<16xf32>,
      %swap3A_110 = vector.shape_cast %swap3A_109 : vector<16xf32> to vector<16xf32>
      %swap3A_111 = vector.shape_cast %scan3A_70#9 : vector<16xf32> to vector<16xf32>
      tpu.vector_store %arg10[%swap3A_108], %swap3A_111 {strides = array<i32>} : memref<256xf32, #tpu.memory_space<vmem>>, vector<16xf32>,
      %swap3A_112 = arith.constant 160 : index
      %swap3A_113 = tpu.vector_load %arg10[%swap3A_112] {strides = array<i32>} : memref<256xf32, #tpu.memory_space<vmem>>, vector<16xf32>,
      %swap3A_114 = vector.shape_cast %swap3A_113 : vector<16xf32> to vector<16xf32>
      %swap3A_115 = vector.shape_cast %scan3A_70#10 : vector<16xf32> to vector<16xf32>
      tpu.vector_store %arg10[%swap3A_112], %swap3A_115 {strides = array<i32>} : memref<256xf32, #tpu.memory_space<vmem>>, vector<16xf32>,
      %swap3A_116 = arith.constant 176 : index
      %swap3A_117 = tpu.vector_load %arg10[%swap3A_116] {strides = array<i32>} : memref<256xf32, #tpu.memory_space<vmem>>, vector<16xf32>,
      %swap3A_118 = vector.shape_cast %swap3A_117 : vector<16xf32> to vector<16xf32>
      %swap3A_119 = vector.shape_cast %scan3A_70#11 : vector<16xf32> to vector<16xf32>
      tpu.vector_store %arg10[%swap3A_116], %swap3A_119 {strides = array<i32>} : memref<256xf32, #tpu.memory_space<vmem>>, vector<16xf32>,
      %swap3A_120 = arith.constant 192 : index
      %swap3A_121 = tpu.vector_load %arg10[%swap3A_120] {strides = array<i32>} : memref<256xf32, #tpu.memory_space<vmem>>, vector<16xf32>,
      %swap3A_122 = vector.shape_cast %swap3A_121 : vector<16xf32> to vector<16xf32>
      %swap3A_123 = vector.shape_cast %scan3A_70#12 : vector<16xf32> to vector<16xf32>
      tpu.vector_store %arg10[%swap3A_120], %swap3A_123 {strides = array<i32>} : memref<256xf32, #tpu.memory_space<vmem>>, vector<16xf32>,
      %swap3A_124 = arith.constant 208 : index
      %swap3A_125 = tpu.vector_load %arg10[%swap3A_124] {strides = array<i32>} : memref<256xf32, #tpu.memory_space<vmem>>, vector<16xf32>,
      %swap3A_126 = vector.shape_cast %swap3A_125 : vector<16xf32> to vector<16xf32>
      %swap3A_127 = vector.shape_cast %scan3A_70#13 : vector<16xf32> to vector<16xf32>
      tpu.vector_store %arg10[%swap3A_124], %swap3A_127 {strides = array<i32>} : memref<256xf32, #tpu.memory_space<vmem>>, vector<16xf32>,
      %swap3A_128 = arith.constant 224 : index
      %swap3A_129 = tpu.vector_load %arg10[%swap3A_128] {strides = array<i32>} : memref<256xf32, #tpu.memory_space<vmem>>, vector<16xf32>,
      %swap3A_130 = vector.shape_cast %swap3A_129 : vector<16xf32> to vector<16xf32>
      %swap3A_131 = vector.shape_cast %scan3A_70#14 : vector<16xf32> to vector<16xf32>
      tpu.vector_store %arg10[%swap3A_128], %swap3A_131 {strides = array<i32>} : memref<256xf32, #tpu.memory_space<vmem>>, vector<16xf32>,
      %swap3A_132 = arith.constant 240 : index
      %swap3A_133 = tpu.vector_load %arg10[%swap3A_132] {strides = array<i32>} : memref<256xf32, #tpu.memory_space<vmem>>, vector<16xf32>,
      %swap3A_134 = vector.shape_cast %swap3A_133 : vector<16xf32> to vector<16xf32>
      %swap3A_135 = vector.shape_cast %scan3A_70#15 : vector<16xf32> to vector<16xf32>
      tpu.vector_store %arg10[%swap3A_132], %swap3A_135 {strides = array<i32>} : memref<256xf32, #tpu.memory_space<vmem>>, vector<16xf32>,
      "tpu.region"() ({
        %run_scoped3A = tpu.sem_alloc : memref<!tpu.dma_semaphore, #tpu.memory_space<semaphore_mem>>
        %dma_start3A_136 = arith.constant 0 : i32
        %dma_start3A_137 = tpu.memref_slice %arg13[%arg1, %dma_start3A_136] : memref<16x256xf32, #tpu.memory_space<vmem_shared>> -> memref<1x256xf32, #tpu.memory_space<vmem_shared>>
        %dma_start3A_138 = tpu.memref_squeeze %dma_start3A_137 : memref<1x256xf32, #tpu.memory_space<vmem_shared>> -> memref<256xf32, #tpu.memory_space<vmem_shared>>
        %dma_start3A_139 = arith.constant 0 : i32
        %dma_start3A_140 = tpu.memref_slice %arg13[%arg1, %dma_start3A_139] : memref<16x256xf32, #tpu.memory_space<vmem_shared>> -> memref<1x256xf32, #tpu.memory_space<vmem_shared>>
        %dma_start3A_141 = tpu.memref_squeeze %dma_start3A_140 : memref<1x256xf32, #tpu.memory_space<vmem_shared>> -> memref<256xf32, #tpu.memory_space<vmem_shared>>
        tpu.enqueue_dma source(%arg10 : memref<256xf32, #tpu.memory_space<vmem>>) target(%dma_start3A_141 : memref<256xf32, #tpu.memory_space<vmem_shared>>) target_semaphore(%run_scoped3A : memref<!tpu.dma_semaphore, #tpu.memory_space<semaphore_mem>>)
        %dma_wait3A_142 = arith.constant 0 : i32
        %dma_wait3A_143 = tpu.memref_slice %arg13[%arg1, %dma_wait3A_142] : memref<16x256xf32, #tpu.memory_space<vmem_shared>> -> memref<1x256xf32, #tpu.memory_space<vmem_shared>>
        %dma_wait3A_144 = tpu.memref_squeeze %dma_wait3A_143 : memref<1x256xf32, #tpu.memory_space<vmem_shared>> -> memref<256xf32, #tpu.memory_space<vmem_shared>>
        %dma_wait3A_145 = arith.constant 0 : i32
        %dma_wait3A_146 = tpu.memref_slice %arg13[%arg1, %dma_wait3A_145] : memref<16x256xf32, #tpu.memory_space<vmem_shared>> -> memref<1x256xf32, #tpu.memory_space<vmem_shared>>
        %dma_wait3A_147 = tpu.memref_squeeze %dma_wait3A_146 : memref<1x256xf32, #tpu.memory_space<vmem_shared>> -> memref<256xf32, #tpu.memory_space<vmem_shared>>
        tpu.wait_dma2 semaphore(%run_scoped3A : memref<!tpu.dma_semaphore, #tpu.memory_space<semaphore_mem>>) src(%arg10 : memref<256xf32, #tpu.memory_space<vmem>>) dst(%dma_wait3A_147 : memref<256xf32, #tpu.memory_space<vmem_shared>>)
        tpu.yield
      }) : () -> ()
    } else {
    }
    %ge3A = arith.constant 14 : i32
    %ge3A_6 = arith.cmpi sge, %arg1, %ge3A : i32
    %convert_element_type3A_7 = arith.extui %ge3A_6 : i1 to i32
    %cond3A_8 = arith.constant 0 : i32
    %cond3A_9 = arith.cmpi ne, %convert_element_type3A_7, %cond3A_8 : i32
    scf.if %cond3A_9 {
      %sub3A = arith.constant 14 : i32
      %sub3A_15 = arith.subi %arg1, %sub3A : i32
      %mul3A = arith.constant 16 : i32
      %mul3A_16 = arith.muli %mul3A, %sub3A_15 : i32
      %multiple_of3A = tpu.assume_multiple %mul3A_16, 8 : i32
      "tpu.region"() ({
        %run_scoped3A = tpu.sem_alloc : memref<!tpu.dma_semaphore, #tpu.memory_space<semaphore_mem>>
        %dma_start3A_130 = arith.constant 0 : i32
        %dma_start3A_131 = tpu.memref_slice %arg8[%dma_start3A_130] : memref<32xi32, #tpu.memory_space<vmem>> -> memref<16xi32, #tpu.memory_space<vmem>>
        %dma_start3A_132 = tpu.memref_slice %arg4[%multiple_of3A] : memref<32xi32, #tpu.memory_space<hbm>> -> memref<16xi32, #tpu.memory_space<hbm>>
        %dma_start3A_133 = arith.constant 0 : i32
        %dma_start3A_134 = tpu.memref_slice %arg8[%dma_start3A_133] : memref<32xi32, #tpu.memory_space<vmem>> -> memref<16xi32, #tpu.memory_space<vmem>>
        %dma_start3A_135 = tpu.memref_slice %arg4[%multiple_of3A] : memref<32xi32, #tpu.memory_space<hbm>> -> memref<16xi32, #tpu.memory_space<hbm>>
        tpu.enqueue_dma source(%dma_start3A_135 : memref<16xi32, #tpu.memory_space<hbm>>) target(%dma_start3A_134 : memref<16xi32, #tpu.memory_space<vmem>>) target_semaphore(%run_scoped3A : memref<!tpu.dma_semaphore, #tpu.memory_space<semaphore_mem>>)
        %dma_wait3A_136 = arith.constant 0 : i32
        %dma_wait3A_137 = tpu.memref_slice %arg8[%dma_wait3A_136] : memref<32xi32, #tpu.memory_space<vmem>> -> memref<16xi32, #tpu.memory_space<vmem>>
        %dma_wait3A_138 = tpu.memref_slice %arg4[%multiple_of3A] : memref<32xi32, #tpu.memory_space<hbm>> -> memref<16xi32, #tpu.memory_space<hbm>>
        %dma_wait3A_139 = arith.constant 0 : i32
        %dma_wait3A_140 = tpu.memref_slice %arg8[%dma_wait3A_139] : memref<32xi32, #tpu.memory_space<vmem>> -> memref<16xi32, #tpu.memory_space<vmem>>
        %dma_wait3A_141 = tpu.memref_slice %arg4[%multiple_of3A] : memref<32xi32, #tpu.memory_space<hbm>> -> memref<16xi32, #tpu.memory_space<hbm>>
        tpu.wait_dma2 semaphore(%run_scoped3A : memref<!tpu.dma_semaphore, #tpu.memory_space<semaphore_mem>>) src(%dma_wait3A_141 : memref<16xi32, #tpu.memory_space<hbm>>) dst(%dma_wait3A_140 : memref<16xi32, #tpu.memory_space<vmem>>)
        tpu.yield
      }) : () -> ()
      %dma_start3A = arith.constant 0 : i32
      %dma_start3A_17 = arith.constant 0 : i32
      %dma_start3A_18 = tpu.memref_slice %arg9[%dma_start3A, %dma_start3A_17] : memref<32x256xf32, #tpu.memory_space<vmem>> -> memref<16x256xf32, #tpu.memory_space<vmem>>
      %dma_start3A_19 = arith.constant 0 : i32
      %dma_start3A_20 = tpu.memref_slice %arg8[%dma_start3A_19] : memref<32xi32, #tpu.memory_space<vmem>> -> memref<16xi32, #tpu.memory_space<vmem>>
      %dma_start3A_21 = arith.constant 0 : i32
      %dma_start3A_22 = arith.constant 0 : i32
      %dma_start3A_23 = tpu.memref_slice %arg6[%dma_start3A_21, %dma_start3A_22] : memref<100000x256xf32, #tpu.memory_space<hbm>> -> memref<100000x256xf32, #tpu.memory_space<hbm>>
      tpu.enqueue_indirect_dma source(%dma_start3A_23 : memref<100000x256xf32, #tpu.memory_space<hbm>>) target(%dma_start3A_18 : memref<16x256xf32, #tpu.memory_space<vmem>>) offsets(%dma_start3A_20 : memref<16xi32, #tpu.memory_space<vmem>>) semaphore(%arg14 : memref<!tpu.dma_semaphore, #tpu.memory_space<semaphore_mem>>)
      %dma_wait3A = arith.constant 0 : i32
      %dma_wait3A_24 = arith.constant 0 : i32
      %dma_wait3A_25 = tpu.memref_slice %arg9[%dma_wait3A, %dma_wait3A_24] : memref<32x256xf32, #tpu.memory_space<vmem>> -> memref<16x256xf32, #tpu.memory_space<vmem>>
      %dma_wait3A_26 = arith.constant 0 : i32
      %dma_wait3A_27 = tpu.memref_slice %arg8[%dma_wait3A_26] : memref<32xi32, #tpu.memory_space<vmem>> -> memref<16xi32, #tpu.memory_space<vmem>>
      %dma_wait3A_28 = arith.constant 0 : i32
      %dma_wait3A_29 = arith.constant 0 : i32
      %dma_wait3A_30 = tpu.memref_slice %arg6[%dma_wait3A_28, %dma_wait3A_29] : memref<100000x256xf32, #tpu.memory_space<hbm>> -> memref<100000x256xf32, #tpu.memory_space<hbm>>
      tpu.wait_indirect_dma semaphore(%arg14 : memref<!tpu.dma_semaphore, #tpu.memory_space<semaphore_mem>>) src(%dma_wait3A_30 : memref<100000x256xf32, #tpu.memory_space<hbm>>) dst(%dma_wait3A_25 : memref<16x256xf32, #tpu.memory_space<vmem>>)
      %broadcast_in_dim3A = arith.constant 0.000000e+00 : f32
      %broadcast_in_dim3A_31 = vector.broadcast %broadcast_in_dim3A : f32 to vector<16xf32>
      %broadcast_in_dim3A_32 = arith.constant 0.000000e+00 : f32
      %broadcast_in_dim3A_33 = vector.broadcast %broadcast_in_dim3A_32 : f32 to vector<16xf32>
      %broadcast_in_dim3A_34 = arith.constant 0.000000e+00 : f32
      %broadcast_in_dim3A_35 = vector.broadcast %broadcast_in_dim3A_34 : f32 to vector<16xf32>
      %broadcast_in_dim3A_36 = arith.constant 0.000000e+00 : f32
      %broadcast_in_dim3A_37 = vector.broadcast %broadcast_in_dim3A_36 : f32 to vector<16xf32>
      %broadcast_in_dim3A_38 = arith.constant 0.000000e+00 : f32
      %broadcast_in_dim3A_39 = vector.broadcast %broadcast_in_dim3A_38 : f32 to vector<16xf32>
      %broadcast_in_dim3A_40 = arith.constant 0.000000e+00 : f32
      %broadcast_in_dim3A_41 = vector.broadcast %broadcast_in_dim3A_40 : f32 to vector<16xf32>
      %broadcast_in_dim3A_42 = arith.constant 0.000000e+00 : f32
      %broadcast_in_dim3A_43 = vector.broadcast %broadcast_in_dim3A_42 : f32 to vector<16xf32>
      %broadcast_in_dim3A_44 = arith.constant 0.000000e+00 : f32
      %broadcast_in_dim3A_45 = vector.broadcast %broadcast_in_dim3A_44 : f32 to vector<16xf32>
      %broadcast_in_dim3A_46 = arith.constant 0.000000e+00 : f32
      %broadcast_in_dim3A_47 = vector.broadcast %broadcast_in_dim3A_46 : f32 to vector<16xf32>
      %broadcast_in_dim3A_48 = arith.constant 0.000000e+00 : f32
      %broadcast_in_dim3A_49 = vector.broadcast %broadcast_in_dim3A_48 : f32 to vector<16xf32>
      %broadcast_in_dim3A_50 = arith.constant 0.000000e+00 : f32
      %broadcast_in_dim3A_51 = vector.broadcast %broadcast_in_dim3A_50 : f32 to vector<16xf32>
      %broadcast_in_dim3A_52 = arith.constant 0.000000e+00 : f32
      %broadcast_in_dim3A_53 = vector.broadcast %broadcast_in_dim3A_52 : f32 to vector<16xf32>
      %broadcast_in_dim3A_54 = arith.constant 0.000000e+00 : f32
      %broadcast_in_dim3A_55 = vector.broadcast %broadcast_in_dim3A_54 : f32 to vector<16xf32>
      %broadcast_in_dim3A_56 = arith.constant 0.000000e+00 : f32
      %broadcast_in_dim3A_57 = vector.broadcast %broadcast_in_dim3A_56 : f32 to vector<16xf32>
      %broadcast_in_dim3A_58 = arith.constant 0.000000e+00 : f32
      %broadcast_in_dim3A_59 = vector.broadcast %broadcast_in_dim3A_58 : f32 to vector<16xf32>
      %broadcast_in_dim3A_60 = arith.constant 0.000000e+00 : f32
      %broadcast_in_dim3A_61 = vector.broadcast %broadcast_in_dim3A_60 : f32 to vector<16xf32>
      %scan3A = arith.constant 0 : i32
      %scan3A_62 = arith.constant 16 : i32
      %scan3A_63 = arith.addi %scan3A, %scan3A_62 : i32
      %scan3A_64 = arith.constant 1 : i32
      %scan3A_65:16 = scf.for %scan3A_130 = %scan3A to %scan3A_63 step %scan3A_64 iter_args(%scan3A_131 = %broadcast_in_dim3A_31, %scan3A_132 = %broadcast_in_dim3A_33, %scan3A_133 = %broadcast_in_dim3A_35, %scan3A_134 = %broadcast_in_dim3A_37, %scan3A_135 = %broadcast_in_dim3A_39, %scan3A_136 = %broadcast_in_dim3A_41, %scan3A_137 = %broadcast_in_dim3A_43, %scan3A_138 = %broadcast_in_dim3A_45, %scan3A_139 = %broadcast_in_dim3A_47, %scan3A_140 = %broadcast_in_dim3A_49, %scan3A_141 = %broadcast_in_dim3A_51, %scan3A_142 = %broadcast_in_dim3A_53, %scan3A_143 = %broadcast_in_dim3A_55, %scan3A_144 = %broadcast_in_dim3A_57, %scan3A_145 = %broadcast_in_dim3A_59, %scan3A_146 = %broadcast_in_dim3A_61) -> (vector<16xf32>, vector<16xf32>, vector<16xf32>, vector<16xf32>, vector<16xf32>, vector<16xf32>, vector<16xf32>, vector<16xf32>, vector<16xf32>, vector<16xf32>, vector<16xf32>, vector<16xf32>, vector<16xf32>, vector<16xf32>, vector<16xf32>, vector<16xf32>)  : i32 {
        %get3A = arith.index_cast %scan3A_130 : i32 to index
        %get3A_147 = arith.constant 0 : index
        %get3A_148 = tpu.vector_load %arg9[%get3A, %get3A_147] {strides = array<i32>} : memref<32x256xf32, #tpu.memory_space<vmem>>, vector<1x16xf32>,
        %get3A_149 = vector.shape_cast %get3A_148 : vector<1x16xf32> to vector<16xf32>
        %add3A = arith.addf %scan3A_131, %get3A_149 : vector<16xf32>
        %get3A_150 = arith.index_cast %scan3A_130 : i32 to index
        %get3A_151 = arith.constant 16 : index
        %get3A_152 = tpu.vector_load %arg9[%get3A_150, %get3A_151] {strides = array<i32>} : memref<32x256xf32, #tpu.memory_space<vmem>>, vector<1x16xf32>,
        %get3A_153 = vector.shape_cast %get3A_152 : vector<1x16xf32> to vector<16xf32>
        %add3A_154 = arith.addf %scan3A_132, %get3A_153 : vector<16xf32>
        %get3A_155 = arith.index_cast %scan3A_130 : i32 to index
        %get3A_156 = arith.constant 32 : index
        %get3A_157 = tpu.vector_load %arg9[%get3A_155, %get3A_156] {strides = array<i32>} : memref<32x256xf32, #tpu.memory_space<vmem>>, vector<1x16xf32>,
        %get3A_158 = vector.shape_cast %get3A_157 : vector<1x16xf32> to vector<16xf32>
        %add3A_159 = arith.addf %scan3A_133, %get3A_158 : vector<16xf32>
        %get3A_160 = arith.index_cast %scan3A_130 : i32 to index
        %get3A_161 = arith.constant 48 : index
        %get3A_162 = tpu.vector_load %arg9[%get3A_160, %get3A_161] {strides = array<i32>} : memref<32x256xf32, #tpu.memory_space<vmem>>, vector<1x16xf32>,
        %get3A_163 = vector.shape_cast %get3A_162 : vector<1x16xf32> to vector<16xf32>
        %add3A_164 = arith.addf %scan3A_134, %get3A_163 : vector<16xf32>
        %get3A_165 = arith.index_cast %scan3A_130 : i32 to index
        %get3A_166 = arith.constant 64 : index
        %get3A_167 = tpu.vector_load %arg9[%get3A_165, %get3A_166] {strides = array<i32>} : memref<32x256xf32, #tpu.memory_space<vmem>>, vector<1x16xf32>,
        %get3A_168 = vector.shape_cast %get3A_167 : vector<1x16xf32> to vector<16xf32>
        %add3A_169 = arith.addf %scan3A_135, %get3A_168 : vector<16xf32>
        %get3A_170 = arith.index_cast %scan3A_130 : i32 to index
        %get3A_171 = arith.constant 80 : index
        %get3A_172 = tpu.vector_load %arg9[%get3A_170, %get3A_171] {strides = array<i32>} : memref<32x256xf32, #tpu.memory_space<vmem>>, vector<1x16xf32>,
        %get3A_173 = vector.shape_cast %get3A_172 : vector<1x16xf32> to vector<16xf32>
        %add3A_174 = arith.addf %scan3A_136, %get3A_173 : vector<16xf32>
        %get3A_175 = arith.index_cast %scan3A_130 : i32 to index
        %get3A_176 = arith.constant 96 : index
        %get3A_177 = tpu.vector_load %arg9[%get3A_175, %get3A_176] {strides = array<i32>} : memref<32x256xf32, #tpu.memory_space<vmem>>, vector<1x16xf32>,
        %get3A_178 = vector.shape_cast %get3A_177 : vector<1x16xf32> to vector<16xf32>
        %add3A_179 = arith.addf %scan3A_137, %get3A_178 : vector<16xf32>
        %get3A_180 = arith.index_cast %scan3A_130 : i32 to index
        %get3A_181 = arith.constant 112 : index
        %get3A_182 = tpu.vector_load %arg9[%get3A_180, %get3A_181] {strides = array<i32>} : memref<32x256xf32, #tpu.memory_space<vmem>>, vector<1x16xf32>,
        %get3A_183 = vector.shape_cast %get3A_182 : vector<1x16xf32> to vector<16xf32>
        %add3A_184 = arith.addf %scan3A_138, %get3A_183 : vector<16xf32>
        %get3A_185 = arith.index_cast %scan3A_130 : i32 to index
        %get3A_186 = arith.constant 128 : index
        %get3A_187 = tpu.vector_load %arg9[%get3A_185, %get3A_186] {strides = array<i32>} : memref<32x256xf32, #tpu.memory_space<vmem>>, vector<1x16xf32>,
        %get3A_188 = vector.shape_cast %get3A_187 : vector<1x16xf32> to vector<16xf32>
        %add3A_189 = arith.addf %scan3A_139, %get3A_188 : vector<16xf32>
        %get3A_190 = arith.index_cast %scan3A_130 : i32 to index
        %get3A_191 = arith.constant 144 : index
        %get3A_192 = tpu.vector_load %arg9[%get3A_190, %get3A_191] {strides = array<i32>} : memref<32x256xf32, #tpu.memory_space<vmem>>, vector<1x16xf32>,
        %get3A_193 = vector.shape_cast %get3A_192 : vector<1x16xf32> to vector<16xf32>
        %add3A_194 = arith.addf %scan3A_140, %get3A_193 : vector<16xf32>
        %get3A_195 = arith.index_cast %scan3A_130 : i32 to index
        %get3A_196 = arith.constant 160 : index
        %get3A_197 = tpu.vector_load %arg9[%get3A_195, %get3A_196] {strides = array<i32>} : memref<32x256xf32, #tpu.memory_space<vmem>>, vector<1x16xf32>,
        %get3A_198 = vector.shape_cast %get3A_197 : vector<1x16xf32> to vector<16xf32>
        %add3A_199 = arith.addf %scan3A_141, %get3A_198 : vector<16xf32>
        %get3A_200 = arith.index_cast %scan3A_130 : i32 to index
        %get3A_201 = arith.constant 176 : index
        %get3A_202 = tpu.vector_load %arg9[%get3A_200, %get3A_201] {strides = array<i32>} : memref<32x256xf32, #tpu.memory_space<vmem>>, vector<1x16xf32>,
        %get3A_203 = vector.shape_cast %get3A_202 : vector<1x16xf32> to vector<16xf32>
        %add3A_204 = arith.addf %scan3A_142, %get3A_203 : vector<16xf32>
        %get3A_205 = arith.index_cast %scan3A_130 : i32 to index
        %get3A_206 = arith.constant 192 : index
        %get3A_207 = tpu.vector_load %arg9[%get3A_205, %get3A_206] {strides = array<i32>} : memref<32x256xf32, #tpu.memory_space<vmem>>, vector<1x16xf32>,
        %get3A_208 = vector.shape_cast %get3A_207 : vector<1x16xf32> to vector<16xf32>
        %add3A_209 = arith.addf %scan3A_143, %get3A_208 : vector<16xf32>
        %get3A_210 = arith.index_cast %scan3A_130 : i32 to index
        %get3A_211 = arith.constant 208 : index
        %get3A_212 = tpu.vector_load %arg9[%get3A_210, %get3A_211] {strides = array<i32>} : memref<32x256xf32, #tpu.memory_space<vmem>>, vector<1x16xf32>,
        %get3A_213 = vector.shape_cast %get3A_212 : vector<1x16xf32> to vector<16xf32>
        %add3A_214 = arith.addf %scan3A_144, %get3A_213 : vector<16xf32>
        %get3A_215 = arith.index_cast %scan3A_130 : i32 to index
        %get3A_216 = arith.constant 224 : index
        %get3A_217 = tpu.vector_load %arg9[%get3A_215, %get3A_216] {strides = array<i32>} : memref<32x256xf32, #tpu.memory_space<vmem>>, vector<1x16xf32>,
        %get3A_218 = vector.shape_cast %get3A_217 : vector<1x16xf32> to vector<16xf32>
        %add3A_219 = arith.addf %scan3A_145, %get3A_218 : vector<16xf32>
        %get3A_220 = arith.index_cast %scan3A_130 : i32 to index
        %get3A_221 = arith.constant 240 : index
        %get3A_222 = tpu.vector_load %arg9[%get3A_220, %get3A_221] {strides = array<i32>} : memref<32x256xf32, #tpu.memory_space<vmem>>, vector<1x16xf32>,
        %get3A_223 = vector.shape_cast %get3A_222 : vector<1x16xf32> to vector<16xf32>
        %add3A_224 = arith.addf %scan3A_146, %get3A_223 : vector<16xf32>
        scf.yield %add3A, %add3A_154, %add3A_159, %add3A_164, %add3A_169, %add3A_174, %add3A_179, %add3A_184, %add3A_189, %add3A_194, %add3A_199, %add3A_204, %add3A_209, %add3A_214, %add3A_219, %add3A_224 : vector<16xf32>, vector<16xf32>, vector<16xf32>, vector<16xf32>, vector<16xf32>, vector<16xf32>, vector<16xf32>, vector<16xf32>, vector<16xf32>, vector<16xf32>, vector<16xf32>, vector<16xf32>, vector<16xf32>, vector<16xf32>, vector<16xf32>, vector<16xf32>
      }
      %scan3A_66 = arith.constant 16 : i32
      %swap3A = arith.constant 0 : index
      %swap3A_67 = tpu.vector_load %arg10[%swap3A] {strides = array<i32>} : memref<256xf32, #tpu.memory_space<vmem>>, vector<16xf32>,
      %swap3A_68 = vector.shape_cast %swap3A_67 : vector<16xf32> to vector<16xf32>
      %swap3A_69 = vector.shape_cast %scan3A_65#0 : vector<16xf32> to vector<16xf32>
      tpu.vector_store %arg10[%swap3A], %swap3A_69 {strides = array<i32>} : memref<256xf32, #tpu.memory_space<vmem>>, vector<16xf32>,
      %swap3A_70 = arith.constant 16 : index
      %swap3A_71 = tpu.vector_load %arg10[%swap3A_70] {strides = array<i32>} : memref<256xf32, #tpu.memory_space<vmem>>, vector<16xf32>,
      %swap3A_72 = vector.shape_cast %swap3A_71 : vector<16xf32> to vector<16xf32>
      %swap3A_73 = vector.shape_cast %scan3A_65#1 : vector<16xf32> to vector<16xf32>
      tpu.vector_store %arg10[%swap3A_70], %swap3A_73 {strides = array<i32>} : memref<256xf32, #tpu.memory_space<vmem>>, vector<16xf32>,
      %swap3A_74 = arith.constant 32 : index
      %swap3A_75 = tpu.vector_load %arg10[%swap3A_74] {strides = array<i32>} : memref<256xf32, #tpu.memory_space<vmem>>, vector<16xf32>,
      %swap3A_76 = vector.shape_cast %swap3A_75 : vector<16xf32> to vector<16xf32>
      %swap3A_77 = vector.shape_cast %scan3A_65#2 : vector<16xf32> to vector<16xf32>
      tpu.vector_store %arg10[%swap3A_74], %swap3A_77 {strides = array<i32>} : memref<256xf32, #tpu.memory_space<vmem>>, vector<16xf32>,
      %swap3A_78 = arith.constant 48 : index
      %swap3A_79 = tpu.vector_load %arg10[%swap3A_78] {strides = array<i32>} : memref<256xf32, #tpu.memory_space<vmem>>, vector<16xf32>,
      %swap3A_80 = vector.shape_cast %swap3A_79 : vector<16xf32> to vector<16xf32>
      %swap3A_81 = vector.shape_cast %scan3A_65#3 : vector<16xf32> to vector<16xf32>
      tpu.vector_store %arg10[%swap3A_78], %swap3A_81 {strides = array<i32>} : memref<256xf32, #tpu.memory_space<vmem>>, vector<16xf32>,
      %swap3A_82 = arith.constant 64 : index
      %swap3A_83 = tpu.vector_load %arg10[%swap3A_82] {strides = array<i32>} : memref<256xf32, #tpu.memory_space<vmem>>, vector<16xf32>,
      %swap3A_84 = vector.shape_cast %swap3A_83 : vector<16xf32> to vector<16xf32>
      %swap3A_85 = vector.shape_cast %scan3A_65#4 : vector<16xf32> to vector<16xf32>
      tpu.vector_store %arg10[%swap3A_82], %swap3A_85 {strides = array<i32>} : memref<256xf32, #tpu.memory_space<vmem>>, vector<16xf32>,
      %swap3A_86 = arith.constant 80 : index
      %swap3A_87 = tpu.vector_load %arg10[%swap3A_86] {strides = array<i32>} : memref<256xf32, #tpu.memory_space<vmem>>, vector<16xf32>,
      %swap3A_88 = vector.shape_cast %swap3A_87 : vector<16xf32> to vector<16xf32>
      %swap3A_89 = vector.shape_cast %scan3A_65#5 : vector<16xf32> to vector<16xf32>
      tpu.vector_store %arg10[%swap3A_86], %swap3A_89 {strides = array<i32>} : memref<256xf32, #tpu.memory_space<vmem>>, vector<16xf32>,
      %swap3A_90 = arith.constant 96 : index
      %swap3A_91 = tpu.vector_load %arg10[%swap3A_90] {strides = array<i32>} : memref<256xf32, #tpu.memory_space<vmem>>, vector<16xf32>,
      %swap3A_92 = vector.shape_cast %swap3A_91 : vector<16xf32> to vector<16xf32>
      %swap3A_93 = vector.shape_cast %scan3A_65#6 : vector<16xf32> to vector<16xf32>
      tpu.vector_store %arg10[%swap3A_90], %swap3A_93 {strides = array<i32>} : memref<256xf32, #tpu.memory_space<vmem>>, vector<16xf32>,
      %swap3A_94 = arith.constant 112 : index
      %swap3A_95 = tpu.vector_load %arg10[%swap3A_94] {strides = array<i32>} : memref<256xf32, #tpu.memory_space<vmem>>, vector<16xf32>,
      %swap3A_96 = vector.shape_cast %swap3A_95 : vector<16xf32> to vector<16xf32>
      %swap3A_97 = vector.shape_cast %scan3A_65#7 : vector<16xf32> to vector<16xf32>
      tpu.vector_store %arg10[%swap3A_94], %swap3A_97 {strides = array<i32>} : memref<256xf32, #tpu.memory_space<vmem>>, vector<16xf32>,
      %swap3A_98 = arith.constant 128 : index
      %swap3A_99 = tpu.vector_load %arg10[%swap3A_98] {strides = array<i32>} : memref<256xf32, #tpu.memory_space<vmem>>, vector<16xf32>,
      %swap3A_100 = vector.shape_cast %swap3A_99 : vector<16xf32> to vector<16xf32>
      %swap3A_101 = vector.shape_cast %scan3A_65#8 : vector<16xf32> to vector<16xf32>
      tpu.vector_store %arg10[%swap3A_98], %swap3A_101 {strides = array<i32>} : memref<256xf32, #tpu.memory_space<vmem>>, vector<16xf32>,
      %swap3A_102 = arith.constant 144 : index
      %swap3A_103 = tpu.vector_load %arg10[%swap3A_102] {strides = array<i32>} : memref<256xf32, #tpu.memory_space<vmem>>, vector<16xf32>,
      %swap3A_104 = vector.shape_cast %swap3A_103 : vector<16xf32> to vector<16xf32>
      %swap3A_105 = vector.shape_cast %scan3A_65#9 : vector<16xf32> to vector<16xf32>
      tpu.vector_store %arg10[%swap3A_102], %swap3A_105 {strides = array<i32>} : memref<256xf32, #tpu.memory_space<vmem>>, vector<16xf32>,
      %swap3A_106 = arith.constant 160 : index
      %swap3A_107 = tpu.vector_load %arg10[%swap3A_106] {strides = array<i32>} : memref<256xf32, #tpu.memory_space<vmem>>, vector<16xf32>,
      %swap3A_108 = vector.shape_cast %swap3A_107 : vector<16xf32> to vector<16xf32>
      %swap3A_109 = vector.shape_cast %scan3A_65#10 : vector<16xf32> to vector<16xf32>
      tpu.vector_store %arg10[%swap3A_106], %swap3A_109 {strides = array<i32>} : memref<256xf32, #tpu.memory_space<vmem>>, vector<16xf32>,
      %swap3A_110 = arith.constant 176 : index
      %swap3A_111 = tpu.vector_load %arg10[%swap3A_110] {strides = array<i32>} : memref<256xf32, #tpu.memory_space<vmem>>, vector<16xf32>,
      %swap3A_112 = vector.shape_cast %swap3A_111 : vector<16xf32> to vector<16xf32>
      %swap3A_113 = vector.shape_cast %scan3A_65#11 : vector<16xf32> to vector<16xf32>
      tpu.vector_store %arg10[%swap3A_110], %swap3A_113 {strides = array<i32>} : memref<256xf32, #tpu.memory_space<vmem>>, vector<16xf32>,
      %swap3A_114 = arith.constant 192 : index
      %swap3A_115 = tpu.vector_load %arg10[%swap3A_114] {strides = array<i32>} : memref<256xf32, #tpu.memory_space<vmem>>, vector<16xf32>,
      %swap3A_116 = vector.shape_cast %swap3A_115 : vector<16xf32> to vector<16xf32>
      %swap3A_117 = vector.shape_cast %scan3A_65#12 : vector<16xf32> to vector<16xf32>
      tpu.vector_store %arg10[%swap3A_114], %swap3A_117 {strides = array<i32>} : memref<256xf32, #tpu.memory_space<vmem>>, vector<16xf32>,
      %swap3A_118 = arith.constant 208 : index
      %swap3A_119 = tpu.vector_load %arg10[%swap3A_118] {strides = array<i32>} : memref<256xf32, #tpu.memory_space<vmem>>, vector<16xf32>,
      %swap3A_120 = vector.shape_cast %swap3A_119 : vector<16xf32> to vector<16xf32>
      %swap3A_121 = vector.shape_cast %scan3A_65#13 : vector<16xf32> to vector<16xf32>
      tpu.vector_store %arg10[%swap3A_118], %swap3A_121 {strides = array<i32>} : memref<256xf32, #tpu.memory_space<vmem>>, vector<16xf32>,
      %swap3A_122 = arith.constant 224 : index
      %swap3A_123 = tpu.vector_load %arg10[%swap3A_122] {strides = array<i32>} : memref<256xf32, #tpu.memory_space<vmem>>, vector<16xf32>,
      %swap3A_124 = vector.shape_cast %swap3A_123 : vector<16xf32> to vector<16xf32>
      %swap3A_125 = vector.shape_cast %scan3A_65#14 : vector<16xf32> to vector<16xf32>
      tpu.vector_store %arg10[%swap3A_122], %swap3A_125 {strides = array<i32>} : memref<256xf32, #tpu.memory_space<vmem>>, vector<16xf32>,
      %swap3A_126 = arith.constant 240 : index
      %swap3A_127 = tpu.vector_load %arg10[%swap3A_126] {strides = array<i32>} : memref<256xf32, #tpu.memory_space<vmem>>, vector<16xf32>,
      %swap3A_128 = vector.shape_cast %swap3A_127 : vector<16xf32> to vector<16xf32>
      %swap3A_129 = vector.shape_cast %scan3A_65#15 : vector<16xf32> to vector<16xf32>
      tpu.vector_store %arg10[%swap3A_126], %swap3A_129 {strides = array<i32>} : memref<256xf32, #tpu.memory_space<vmem>>, vector<16xf32>,
      "tpu.region"() ({
        %run_scoped3A = tpu.sem_alloc : memref<!tpu.dma_semaphore, #tpu.memory_space<semaphore_mem>>
        %dma_start3A_130 = arith.constant 0 : i32
        %dma_start3A_131 = tpu.memref_slice %arg13[%arg1, %dma_start3A_130] : memref<16x256xf32, #tpu.memory_space<vmem_shared>> -> memref<1x256xf32, #tpu.memory_space<vmem_shared>>
        %dma_start3A_132 = tpu.memref_squeeze %dma_start3A_131 : memref<1x256xf32, #tpu.memory_space<vmem_shared>> -> memref<256xf32, #tpu.memory_space<vmem_shared>>
        %dma_start3A_133 = arith.constant 0 : i32
        %dma_start3A_134 = tpu.memref_slice %arg13[%arg1, %dma_start3A_133] : memref<16x256xf32, #tpu.memory_space<vmem_shared>> -> memref<1x256xf32, #tpu.memory_space<vmem_shared>>
        %dma_start3A_135 = tpu.memref_squeeze %dma_start3A_134 : memref<1x256xf32, #tpu.memory_space<vmem_shared>> -> memref<256xf32, #tpu.memory_space<vmem_shared>>
        tpu.enqueue_dma source(%arg10 : memref<256xf32, #tpu.memory_space<vmem>>) target(%dma_start3A_135 : memref<256xf32, #tpu.memory_space<vmem_shared>>) target_semaphore(%run_scoped3A : memref<!tpu.dma_semaphore, #tpu.memory_space<semaphore_mem>>)
        %dma_wait3A_136 = arith.constant 0 : i32
        %dma_wait3A_137 = tpu.memref_slice %arg13[%arg1, %dma_wait3A_136] : memref<16x256xf32, #tpu.memory_space<vmem_shared>> -> memref<1x256xf32, #tpu.memory_space<vmem_shared>>
        %dma_wait3A_138 = tpu.memref_squeeze %dma_wait3A_137 : memref<1x256xf32, #tpu.memory_space<vmem_shared>> -> memref<256xf32, #tpu.memory_space<vmem_shared>>
        %dma_wait3A_139 = arith.constant 0 : i32
        %dma_wait3A_140 = tpu.memref_slice %arg13[%arg1, %dma_wait3A_139] : memref<16x256xf32, #tpu.memory_space<vmem_shared>> -> memref<1x256xf32, #tpu.memory_space<vmem_shared>>
        %dma_wait3A_141 = tpu.memref_squeeze %dma_wait3A_140 : memref<1x256xf32, #tpu.memory_space<vmem_shared>> -> memref<256xf32, #tpu.memory_space<vmem_shared>>
        tpu.wait_dma2 semaphore(%run_scoped3A : memref<!tpu.dma_semaphore, #tpu.memory_space<semaphore_mem>>) src(%arg10 : memref<256xf32, #tpu.memory_space<vmem>>) dst(%dma_wait3A_141 : memref<256xf32, #tpu.memory_space<vmem_shared>>)
        tpu.yield
      }) : () -> ()
    } else {
    }
    %barrier3A = arith.constant 0 : index
    tpu.barrier barrier_id(%barrier3A)
    %eq3A_10 = arith.constant 0 : i32
    %eq3A_11 = arith.cmpi eq, %arg1, %eq3A_10 : i32
    %convert_element_type3A_12 = arith.extui %eq3A_11 : i1 to i32
    %cond3A_13 = arith.constant 0 : i32
    %cond3A_14 = arith.cmpi ne, %convert_element_type3A_12, %cond3A_13 : i32
    scf.if %cond3A_14 {
      "tpu.region"() ({
        %run_scoped3A = tpu.sem_alloc : memref<!tpu.dma_semaphore, #tpu.memory_space<semaphore_mem>>
        tpu.enqueue_dma source(%arg13 : memref<16x256xf32, #tpu.memory_space<vmem_shared>>) target(%arg11 : memref<16x256xf32, #tpu.memory_space<vmem>>) target_semaphore(%run_scoped3A : memref<!tpu.dma_semaphore, #tpu.memory_space<semaphore_mem>>)
        tpu.wait_dma2 semaphore(%run_scoped3A : memref<!tpu.dma_semaphore, #tpu.memory_space<semaphore_mem>>) src(%arg13 : memref<16x256xf32, #tpu.memory_space<vmem_shared>>) dst(%arg11 : memref<16x256xf32, #tpu.memory_space<vmem>>)
        tpu.yield
      }) : () -> ()
      %broadcast_in_dim3A = arith.constant 0.000000e+00 : f32
      %broadcast_in_dim3A_15 = vector.broadcast %broadcast_in_dim3A : f32 to vector<16xf32>
      %broadcast_in_dim3A_16 = arith.constant 0.000000e+00 : f32
      %broadcast_in_dim3A_17 = vector.broadcast %broadcast_in_dim3A_16 : f32 to vector<16xf32>
      %broadcast_in_dim3A_18 = arith.constant 0.000000e+00 : f32
      %broadcast_in_dim3A_19 = vector.broadcast %broadcast_in_dim3A_18 : f32 to vector<16xf32>
      %broadcast_in_dim3A_20 = arith.constant 0.000000e+00 : f32
      %broadcast_in_dim3A_21 = vector.broadcast %broadcast_in_dim3A_20 : f32 to vector<16xf32>
      %broadcast_in_dim3A_22 = arith.constant 0.000000e+00 : f32
      %broadcast_in_dim3A_23 = vector.broadcast %broadcast_in_dim3A_22 : f32 to vector<16xf32>
      %broadcast_in_dim3A_24 = arith.constant 0.000000e+00 : f32
      %broadcast_in_dim3A_25 = vector.broadcast %broadcast_in_dim3A_24 : f32 to vector<16xf32>
      %broadcast_in_dim3A_26 = arith.constant 0.000000e+00 : f32
      %broadcast_in_dim3A_27 = vector.broadcast %broadcast_in_dim3A_26 : f32 to vector<16xf32>
      %broadcast_in_dim3A_28 = arith.constant 0.000000e+00 : f32
      %broadcast_in_dim3A_29 = vector.broadcast %broadcast_in_dim3A_28 : f32 to vector<16xf32>
      %broadcast_in_dim3A_30 = arith.constant 0.000000e+00 : f32
      %broadcast_in_dim3A_31 = vector.broadcast %broadcast_in_dim3A_30 : f32 to vector<16xf32>
      %broadcast_in_dim3A_32 = arith.constant 0.000000e+00 : f32
      %broadcast_in_dim3A_33 = vector.broadcast %broadcast_in_dim3A_32 : f32 to vector<16xf32>
      %broadcast_in_dim3A_34 = arith.constant 0.000000e+00 : f32
      %broadcast_in_dim3A_35 = vector.broadcast %broadcast_in_dim3A_34 : f32 to vector<16xf32>
      %broadcast_in_dim3A_36 = arith.constant 0.000000e+00 : f32
      %broadcast_in_dim3A_37 = vector.broadcast %broadcast_in_dim3A_36 : f32 to vector<16xf32>
      %broadcast_in_dim3A_38 = arith.constant 0.000000e+00 : f32
      %broadcast_in_dim3A_39 = vector.broadcast %broadcast_in_dim3A_38 : f32 to vector<16xf32>
      %broadcast_in_dim3A_40 = arith.constant 0.000000e+00 : f32
      %broadcast_in_dim3A_41 = vector.broadcast %broadcast_in_dim3A_40 : f32 to vector<16xf32>
      %broadcast_in_dim3A_42 = arith.constant 0.000000e+00 : f32
      %broadcast_in_dim3A_43 = vector.broadcast %broadcast_in_dim3A_42 : f32 to vector<16xf32>
      %broadcast_in_dim3A_44 = arith.constant 0.000000e+00 : f32
      %broadcast_in_dim3A_45 = vector.broadcast %broadcast_in_dim3A_44 : f32 to vector<16xf32>
      %scan3A = arith.constant 0 : i32
      %scan3A_46 = arith.constant 13 : i32
      %scan3A_47 = arith.addi %scan3A, %scan3A_46 : i32
      %scan3A_48 = arith.constant 1 : i32
      %scan3A_49:16 = scf.for %scan3A_906 = %scan3A to %scan3A_47 step %scan3A_48 iter_args(%scan3A_907 = %broadcast_in_dim3A_15, %scan3A_908 = %broadcast_in_dim3A_17, %scan3A_909 = %broadcast_in_dim3A_19, %scan3A_910 = %broadcast_in_dim3A_21, %scan3A_911 = %broadcast_in_dim3A_23, %scan3A_912 = %broadcast_in_dim3A_25, %scan3A_913 = %broadcast_in_dim3A_27, %scan3A_914 = %broadcast_in_dim3A_29, %scan3A_915 = %broadcast_in_dim3A_31, %scan3A_916 = %broadcast_in_dim3A_33, %scan3A_917 = %broadcast_in_dim3A_35, %scan3A_918 = %broadcast_in_dim3A_37, %scan3A_919 = %broadcast_in_dim3A_39, %scan3A_920 = %broadcast_in_dim3A_41, %scan3A_921 = %broadcast_in_dim3A_43, %scan3A_922 = %broadcast_in_dim3A_45) -> (vector<16xf32>, vector<16xf32>, vector<16xf32>, vector<16xf32>, vector<16xf32>, vector<16xf32>, vector<16xf32>, vector<16xf32>, vector<16xf32>, vector<16xf32>, vector<16xf32>, vector<16xf32>, vector<16xf32>, vector<16xf32>, vector<16xf32>, vector<16xf32>)  : i32 {
        %get3A_923 = arith.index_cast %scan3A_906 : i32 to index
        %get3A_924 = arith.constant 0 : index
        %get3A_925 = tpu.vector_load %arg11[%get3A_923, %get3A_924] {strides = array<i32>} : memref<16x256xf32, #tpu.memory_space<vmem>>, vector<1x16xf32>,
        %get3A_926 = vector.shape_cast %get3A_925 : vector<1x16xf32> to vector<16xf32>
        %add3A_927 = arith.addf %scan3A_907, %get3A_926 : vector<16xf32>
        %get3A_928 = arith.index_cast %scan3A_906 : i32 to index
        %get3A_929 = arith.constant 16 : index
        %get3A_930 = tpu.vector_load %arg11[%get3A_928, %get3A_929] {strides = array<i32>} : memref<16x256xf32, #tpu.memory_space<vmem>>, vector<1x16xf32>,
        %get3A_931 = vector.shape_cast %get3A_930 : vector<1x16xf32> to vector<16xf32>
        %add3A_932 = arith.addf %scan3A_908, %get3A_931 : vector<16xf32>
        %get3A_933 = arith.index_cast %scan3A_906 : i32 to index
        %get3A_934 = arith.constant 32 : index
        %get3A_935 = tpu.vector_load %arg11[%get3A_933, %get3A_934] {strides = array<i32>} : memref<16x256xf32, #tpu.memory_space<vmem>>, vector<1x16xf32>,
        %get3A_936 = vector.shape_cast %get3A_935 : vector<1x16xf32> to vector<16xf32>
        %add3A_937 = arith.addf %scan3A_909, %get3A_936 : vector<16xf32>
        %get3A_938 = arith.index_cast %scan3A_906 : i32 to index
        %get3A_939 = arith.constant 48 : index
        %get3A_940 = tpu.vector_load %arg11[%get3A_938, %get3A_939] {strides = array<i32>} : memref<16x256xf32, #tpu.memory_space<vmem>>, vector<1x16xf32>,
        %get3A_941 = vector.shape_cast %get3A_940 : vector<1x16xf32> to vector<16xf32>
        %add3A_942 = arith.addf %scan3A_910, %get3A_941 : vector<16xf32>
        %get3A_943 = arith.index_cast %scan3A_906 : i32 to index
        %get3A_944 = arith.constant 64 : index
        %get3A_945 = tpu.vector_load %arg11[%get3A_943, %get3A_944] {strides = array<i32>} : memref<16x256xf32, #tpu.memory_space<vmem>>, vector<1x16xf32>,
        %get3A_946 = vector.shape_cast %get3A_945 : vector<1x16xf32> to vector<16xf32>
        %add3A_947 = arith.addf %scan3A_911, %get3A_946 : vector<16xf32>
        %get3A_948 = arith.index_cast %scan3A_906 : i32 to index
        %get3A_949 = arith.constant 80 : index
        %get3A_950 = tpu.vector_load %arg11[%get3A_948, %get3A_949] {strides = array<i32>} : memref<16x256xf32, #tpu.memory_space<vmem>>, vector<1x16xf32>,
        %get3A_951 = vector.shape_cast %get3A_950 : vector<1x16xf32> to vector<16xf32>
        %add3A_952 = arith.addf %scan3A_912, %get3A_951 : vector<16xf32>
        %get3A_953 = arith.index_cast %scan3A_906 : i32 to index
        %get3A_954 = arith.constant 96 : index
        %get3A_955 = tpu.vector_load %arg11[%get3A_953, %get3A_954] {strides = array<i32>} : memref<16x256xf32, #tpu.memory_space<vmem>>, vector<1x16xf32>,
        %get3A_956 = vector.shape_cast %get3A_955 : vector<1x16xf32> to vector<16xf32>
        %add3A_957 = arith.addf %scan3A_913, %get3A_956 : vector<16xf32>
        %get3A_958 = arith.index_cast %scan3A_906 : i32 to index
        %get3A_959 = arith.constant 112 : index
        %get3A_960 = tpu.vector_load %arg11[%get3A_958, %get3A_959] {strides = array<i32>} : memref<16x256xf32, #tpu.memory_space<vmem>>, vector<1x16xf32>,
        %get3A_961 = vector.shape_cast %get3A_960 : vector<1x16xf32> to vector<16xf32>
        %add3A_962 = arith.addf %scan3A_914, %get3A_961 : vector<16xf32>
        %get3A_963 = arith.index_cast %scan3A_906 : i32 to index
        %get3A_964 = arith.constant 128 : index
        %get3A_965 = tpu.vector_load %arg11[%get3A_963, %get3A_964] {strides = array<i32>} : memref<16x256xf32, #tpu.memory_space<vmem>>, vector<1x16xf32>,
        %get3A_966 = vector.shape_cast %get3A_965 : vector<1x16xf32> to vector<16xf32>
        %add3A_967 = arith.addf %scan3A_915, %get3A_966 : vector<16xf32>
        %get3A_968 = arith.index_cast %scan3A_906 : i32 to index
        %get3A_969 = arith.constant 144 : index
        %get3A_970 = tpu.vector_load %arg11[%get3A_968, %get3A_969] {strides = array<i32>} : memref<16x256xf32, #tpu.memory_space<vmem>>, vector<1x16xf32>,
        %get3A_971 = vector.shape_cast %get3A_970 : vector<1x16xf32> to vector<16xf32>
        %add3A_972 = arith.addf %scan3A_916, %get3A_971 : vector<16xf32>
        %get3A_973 = arith.index_cast %scan3A_906 : i32 to index
        %get3A_974 = arith.constant 160 : index
        %get3A_975 = tpu.vector_load %arg11[%get3A_973, %get3A_974] {strides = array<i32>} : memref<16x256xf32, #tpu.memory_space<vmem>>, vector<1x16xf32>,
        %get3A_976 = vector.shape_cast %get3A_975 : vector<1x16xf32> to vector<16xf32>
        %add3A_977 = arith.addf %scan3A_917, %get3A_976 : vector<16xf32>
        %get3A_978 = arith.index_cast %scan3A_906 : i32 to index
        %get3A_979 = arith.constant 176 : index
        %get3A_980 = tpu.vector_load %arg11[%get3A_978, %get3A_979] {strides = array<i32>} : memref<16x256xf32, #tpu.memory_space<vmem>>, vector<1x16xf32>,
        %get3A_981 = vector.shape_cast %get3A_980 : vector<1x16xf32> to vector<16xf32>
        %add3A_982 = arith.addf %scan3A_918, %get3A_981 : vector<16xf32>
        %get3A_983 = arith.index_cast %scan3A_906 : i32 to index
        %get3A_984 = arith.constant 192 : index
        %get3A_985 = tpu.vector_load %arg11[%get3A_983, %get3A_984] {strides = array<i32>} : memref<16x256xf32, #tpu.memory_space<vmem>>, vector<1x16xf32>,
        %get3A_986 = vector.shape_cast %get3A_985 : vector<1x16xf32> to vector<16xf32>
        %add3A_987 = arith.addf %scan3A_919, %get3A_986 : vector<16xf32>
        %get3A_988 = arith.index_cast %scan3A_906 : i32 to index
        %get3A_989 = arith.constant 208 : index
        %get3A_990 = tpu.vector_load %arg11[%get3A_988, %get3A_989] {strides = array<i32>} : memref<16x256xf32, #tpu.memory_space<vmem>>, vector<1x16xf32>,
        %get3A_991 = vector.shape_cast %get3A_990 : vector<1x16xf32> to vector<16xf32>
        %add3A_992 = arith.addf %scan3A_920, %get3A_991 : vector<16xf32>
        %get3A_993 = arith.index_cast %scan3A_906 : i32 to index
        %get3A_994 = arith.constant 224 : index
        %get3A_995 = tpu.vector_load %arg11[%get3A_993, %get3A_994] {strides = array<i32>} : memref<16x256xf32, #tpu.memory_space<vmem>>, vector<1x16xf32>,
        %get3A_996 = vector.shape_cast %get3A_995 : vector<1x16xf32> to vector<16xf32>
        %add3A_997 = arith.addf %scan3A_921, %get3A_996 : vector<16xf32>
        %get3A_998 = arith.index_cast %scan3A_906 : i32 to index
        %get3A_999 = arith.constant 240 : index
        %get3A_1000 = tpu.vector_load %arg11[%get3A_998, %get3A_999] {strides = array<i32>} : memref<16x256xf32, #tpu.memory_space<vmem>>, vector<1x16xf32>,
        %get3A_1001 = vector.shape_cast %get3A_1000 : vector<1x16xf32> to vector<16xf32>
        %add3A_1002 = arith.addf %scan3A_922, %get3A_1001 : vector<16xf32>
        scf.yield %add3A_927, %add3A_932, %add3A_937, %add3A_942, %add3A_947, %add3A_952, %add3A_957, %add3A_962, %add3A_967, %add3A_972, %add3A_977, %add3A_982, %add3A_987, %add3A_992, %add3A_997, %add3A_1002 : vector<16xf32>, vector<16xf32>, vector<16xf32>, vector<16xf32>, vector<16xf32>, vector<16xf32>, vector<16xf32>, vector<16xf32>, vector<16xf32>, vector<16xf32>, vector<16xf32>, vector<16xf32>, vector<16xf32>, vector<16xf32>, vector<16xf32>, vector<16xf32>
      }
      %scan3A_50 = arith.constant 13 : i32
      %get3A = arith.constant 13 : i32
      %get3A_51 = arith.index_cast %get3A : i32 to index
      %get3A_52 = arith.constant 0 : index
      %get3A_53 = tpu.vector_load %arg11[%get3A_51, %get3A_52] {strides = array<i32>} : memref<16x256xf32, #tpu.memory_space<vmem>>, vector<1x16xf32>,
      %get3A_54 = vector.shape_cast %get3A_53 : vector<1x16xf32> to vector<16xf32>
      %get3A_55 = arith.constant 13 : i32
      %get3A_56 = arith.index_cast %get3A_55 : i32 to index
      %get3A_57 = arith.constant 16 : index
      %get3A_58 = tpu.vector_load %arg11[%get3A_56, %get3A_57] {strides = array<i32>} : memref<16x256xf32, #tpu.memory_space<vmem>>, vector<1x16xf32>,
      %get3A_59 = vector.shape_cast %get3A_58 : vector<1x16xf32> to vector<16xf32>
      %get3A_60 = arith.constant 13 : i32
      %get3A_61 = arith.index_cast %get3A_60 : i32 to index
      %get3A_62 = arith.constant 32 : index
      %get3A_63 = tpu.vector_load %arg11[%get3A_61, %get3A_62] {strides = array<i32>} : memref<16x256xf32, #tpu.memory_space<vmem>>, vector<1x16xf32>,
      %get3A_64 = vector.shape_cast %get3A_63 : vector<1x16xf32> to vector<16xf32>
      %get3A_65 = arith.constant 13 : i32
      %get3A_66 = arith.index_cast %get3A_65 : i32 to index
      %get3A_67 = arith.constant 48 : index
      %get3A_68 = tpu.vector_load %arg11[%get3A_66, %get3A_67] {strides = array<i32>} : memref<16x256xf32, #tpu.memory_space<vmem>>, vector<1x16xf32>,
      %get3A_69 = vector.shape_cast %get3A_68 : vector<1x16xf32> to vector<16xf32>
      %get3A_70 = arith.constant 13 : i32
      %get3A_71 = arith.index_cast %get3A_70 : i32 to index
      %get3A_72 = arith.constant 64 : index
      %get3A_73 = tpu.vector_load %arg11[%get3A_71, %get3A_72] {strides = array<i32>} : memref<16x256xf32, #tpu.memory_space<vmem>>, vector<1x16xf32>,
      %get3A_74 = vector.shape_cast %get3A_73 : vector<1x16xf32> to vector<16xf32>
      %get3A_75 = arith.constant 13 : i32
      %get3A_76 = arith.index_cast %get3A_75 : i32 to index
      %get3A_77 = arith.constant 80 : index
      %get3A_78 = tpu.vector_load %arg11[%get3A_76, %get3A_77] {strides = array<i32>} : memref<16x256xf32, #tpu.memory_space<vmem>>, vector<1x16xf32>,
      %get3A_79 = vector.shape_cast %get3A_78 : vector<1x16xf32> to vector<16xf32>
      %get3A_80 = arith.constant 13 : i32
      %get3A_81 = arith.index_cast %get3A_80 : i32 to index
      %get3A_82 = arith.constant 96 : index
      %get3A_83 = tpu.vector_load %arg11[%get3A_81, %get3A_82] {strides = array<i32>} : memref<16x256xf32, #tpu.memory_space<vmem>>, vector<1x16xf32>,
      %get3A_84 = vector.shape_cast %get3A_83 : vector<1x16xf32> to vector<16xf32>
      %get3A_85 = arith.constant 13 : i32
      %get3A_86 = arith.index_cast %get3A_85 : i32 to index
      %get3A_87 = arith.constant 112 : index
      %get3A_88 = tpu.vector_load %arg11[%get3A_86, %get3A_87] {strides = array<i32>} : memref<16x256xf32, #tpu.memory_space<vmem>>, vector<1x16xf32>,
      %get3A_89 = vector.shape_cast %get3A_88 : vector<1x16xf32> to vector<16xf32>
      %get3A_90 = arith.constant 13 : i32
      %get3A_91 = arith.index_cast %get3A_90 : i32 to index
      %get3A_92 = arith.constant 128 : index
      %get3A_93 = tpu.vector_load %arg11[%get3A_91, %get3A_92] {strides = array<i32>} : memref<16x256xf32, #tpu.memory_space<vmem>>, vector<1x16xf32>,
      %get3A_94 = vector.shape_cast %get3A_93 : vector<1x16xf32> to vector<16xf32>
      %get3A_95 = arith.constant 13 : i32
      %get3A_96 = arith.index_cast %get3A_95 : i32 to index
      %get3A_97 = arith.constant 144 : index
      %get3A_98 = tpu.vector_load %arg11[%get3A_96, %get3A_97] {strides = array<i32>} : memref<16x256xf32, #tpu.memory_space<vmem>>, vector<1x16xf32>,
      %get3A_99 = vector.shape_cast %get3A_98 : vector<1x16xf32> to vector<16xf32>
      %get3A_100 = arith.constant 13 : i32
      %get3A_101 = arith.index_cast %get3A_100 : i32 to index
      %get3A_102 = arith.constant 160 : index
      %get3A_103 = tpu.vector_load %arg11[%get3A_101, %get3A_102] {strides = array<i32>} : memref<16x256xf32, #tpu.memory_space<vmem>>, vector<1x16xf32>,
      %get3A_104 = vector.shape_cast %get3A_103 : vector<1x16xf32> to vector<16xf32>
      %get3A_105 = arith.constant 13 : i32
      %get3A_106 = arith.index_cast %get3A_105 : i32 to index
      %get3A_107 = arith.constant 176 : index
      %get3A_108 = tpu.vector_load %arg11[%get3A_106, %get3A_107] {strides = array<i32>} : memref<16x256xf32, #tpu.memory_space<vmem>>, vector<1x16xf32>,
      %get3A_109 = vector.shape_cast %get3A_108 : vector<1x16xf32> to vector<16xf32>
      %get3A_110 = arith.constant 13 : i32
      %get3A_111 = arith.index_cast %get3A_110 : i32 to index
      %get3A_112 = arith.constant 192 : index
      %get3A_113 = tpu.vector_load %arg11[%get3A_111, %get3A_112] {strides = array<i32>} : memref<16x256xf32, #tpu.memory_space<vmem>>, vector<1x16xf32>,
      %get3A_114 = vector.shape_cast %get3A_113 : vector<1x16xf32> to vector<16xf32>
      %get3A_115 = arith.constant 13 : i32
      %get3A_116 = arith.index_cast %get3A_115 : i32 to index
      %get3A_117 = arith.constant 208 : index
      %get3A_118 = tpu.vector_load %arg11[%get3A_116, %get3A_117] {strides = array<i32>} : memref<16x256xf32, #tpu.memory_space<vmem>>, vector<1x16xf32>,
      %get3A_119 = vector.shape_cast %get3A_118 : vector<1x16xf32> to vector<16xf32>
      %get3A_120 = arith.constant 13 : i32
      %get3A_121 = arith.index_cast %get3A_120 : i32 to index
      %get3A_122 = arith.constant 224 : index
      %get3A_123 = tpu.vector_load %arg11[%get3A_121, %get3A_122] {strides = array<i32>} : memref<16x256xf32, #tpu.memory_space<vmem>>, vector<1x16xf32>,
      %get3A_124 = vector.shape_cast %get3A_123 : vector<1x16xf32> to vector<16xf32>
      %get3A_125 = arith.constant 13 : i32
      %get3A_126 = arith.index_cast %get3A_125 : i32 to index
      %get3A_127 = arith.constant 240 : index
      %get3A_128 = tpu.vector_load %arg11[%get3A_126, %get3A_127] {strides = array<i32>} : memref<16x256xf32, #tpu.memory_space<vmem>>, vector<1x16xf32>,
      %get3A_129 = vector.shape_cast %get3A_128 : vector<1x16xf32> to vector<16xf32>
      %get3A_130 = arith.constant 14 : i32
      %get3A_131 = arith.index_cast %get3A_130 : i32 to index
      %get3A_132 = arith.constant 0 : index
      %get3A_133 = tpu.vector_load %arg11[%get3A_131, %get3A_132] {strides = array<i32>} : memref<16x256xf32, #tpu.memory_space<vmem>>, vector<1x16xf32>,
      %get3A_134 = vector.shape_cast %get3A_133 : vector<1x16xf32> to vector<16xf32>
      %get3A_135 = arith.constant 15 : i32
      %get3A_136 = arith.index_cast %get3A_135 : i32 to index
      %get3A_137 = arith.constant 0 : index
      %get3A_138 = tpu.vector_load %arg11[%get3A_136, %get3A_137] {strides = array<i32>} : memref<16x256xf32, #tpu.memory_space<vmem>>, vector<1x16xf32>,
      %get3A_139 = vector.shape_cast %get3A_138 : vector<1x16xf32> to vector<16xf32>
      %add3A = arith.addf %get3A_134, %get3A_139 : vector<16xf32>
      %get3A_140 = arith.constant 14 : i32
      %get3A_141 = arith.index_cast %get3A_140 : i32 to index
      %get3A_142 = arith.constant 16 : index
      %get3A_143 = tpu.vector_load %arg11[%get3A_141, %get3A_142] {strides = array<i32>} : memref<16x256xf32, #tpu.memory_space<vmem>>, vector<1x16xf32>,
      %get3A_144 = vector.shape_cast %get3A_143 : vector<1x16xf32> to vector<16xf32>
      %get3A_145 = arith.constant 15 : i32
      %get3A_146 = arith.index_cast %get3A_145 : i32 to index
      %get3A_147 = arith.constant 16 : index
      %get3A_148 = tpu.vector_load %arg11[%get3A_146, %get3A_147] {strides = array<i32>} : memref<16x256xf32, #tpu.memory_space<vmem>>, vector<1x16xf32>,
      %get3A_149 = vector.shape_cast %get3A_148 : vector<1x16xf32> to vector<16xf32>
      %add3A_150 = arith.addf %get3A_144, %get3A_149 : vector<16xf32>
      %get3A_151 = arith.constant 14 : i32
      %get3A_152 = arith.index_cast %get3A_151 : i32 to index
      %get3A_153 = arith.constant 32 : index
      %get3A_154 = tpu.vector_load %arg11[%get3A_152, %get3A_153] {strides = array<i32>} : memref<16x256xf32, #tpu.memory_space<vmem>>, vector<1x16xf32>,
      %get3A_155 = vector.shape_cast %get3A_154 : vector<1x16xf32> to vector<16xf32>
      %get3A_156 = arith.constant 15 : i32
      %get3A_157 = arith.index_cast %get3A_156 : i32 to index
      %get3A_158 = arith.constant 32 : index
      %get3A_159 = tpu.vector_load %arg11[%get3A_157, %get3A_158] {strides = array<i32>} : memref<16x256xf32, #tpu.memory_space<vmem>>, vector<1x16xf32>,
      %get3A_160 = vector.shape_cast %get3A_159 : vector<1x16xf32> to vector<16xf32>
      %add3A_161 = arith.addf %get3A_155, %get3A_160 : vector<16xf32>
      %get3A_162 = arith.constant 14 : i32
      %get3A_163 = arith.index_cast %get3A_162 : i32 to index
      %get3A_164 = arith.constant 48 : index
      %get3A_165 = tpu.vector_load %arg11[%get3A_163, %get3A_164] {strides = array<i32>} : memref<16x256xf32, #tpu.memory_space<vmem>>, vector<1x16xf32>,
      %get3A_166 = vector.shape_cast %get3A_165 : vector<1x16xf32> to vector<16xf32>
      %get3A_167 = arith.constant 15 : i32
      %get3A_168 = arith.index_cast %get3A_167 : i32 to index
      %get3A_169 = arith.constant 48 : index
      %get3A_170 = tpu.vector_load %arg11[%get3A_168, %get3A_169] {strides = array<i32>} : memref<16x256xf32, #tpu.memory_space<vmem>>, vector<1x16xf32>,
      %get3A_171 = vector.shape_cast %get3A_170 : vector<1x16xf32> to vector<16xf32>
      %add3A_172 = arith.addf %get3A_166, %get3A_171 : vector<16xf32>
      %get3A_173 = arith.constant 14 : i32
      %get3A_174 = arith.index_cast %get3A_173 : i32 to index
      %get3A_175 = arith.constant 64 : index
      %get3A_176 = tpu.vector_load %arg11[%get3A_174, %get3A_175] {strides = array<i32>} : memref<16x256xf32, #tpu.memory_space<vmem>>, vector<1x16xf32>,
      %get3A_177 = vector.shape_cast %get3A_176 : vector<1x16xf32> to vector<16xf32>
      %get3A_178 = arith.constant 15 : i32
      %get3A_179 = arith.index_cast %get3A_178 : i32 to index
      %get3A_180 = arith.constant 64 : index
      %get3A_181 = tpu.vector_load %arg11[%get3A_179, %get3A_180] {strides = array<i32>} : memref<16x256xf32, #tpu.memory_space<vmem>>, vector<1x16xf32>,
      %get3A_182 = vector.shape_cast %get3A_181 : vector<1x16xf32> to vector<16xf32>
      %add3A_183 = arith.addf %get3A_177, %get3A_182 : vector<16xf32>
      %get3A_184 = arith.constant 14 : i32
      %get3A_185 = arith.index_cast %get3A_184 : i32 to index
      %get3A_186 = arith.constant 80 : index
      %get3A_187 = tpu.vector_load %arg11[%get3A_185, %get3A_186] {strides = array<i32>} : memref<16x256xf32, #tpu.memory_space<vmem>>, vector<1x16xf32>,
      %get3A_188 = vector.shape_cast %get3A_187 : vector<1x16xf32> to vector<16xf32>
      %get3A_189 = arith.constant 15 : i32
      %get3A_190 = arith.index_cast %get3A_189 : i32 to index
      %get3A_191 = arith.constant 80 : index
      %get3A_192 = tpu.vector_load %arg11[%get3A_190, %get3A_191] {strides = array<i32>} : memref<16x256xf32, #tpu.memory_space<vmem>>, vector<1x16xf32>,
      %get3A_193 = vector.shape_cast %get3A_192 : vector<1x16xf32> to vector<16xf32>
      %add3A_194 = arith.addf %get3A_188, %get3A_193 : vector<16xf32>
      %get3A_195 = arith.constant 14 : i32
      %get3A_196 = arith.index_cast %get3A_195 : i32 to index
      %get3A_197 = arith.constant 96 : index
      %get3A_198 = tpu.vector_load %arg11[%get3A_196, %get3A_197] {strides = array<i32>} : memref<16x256xf32, #tpu.memory_space<vmem>>, vector<1x16xf32>,
      %get3A_199 = vector.shape_cast %get3A_198 : vector<1x16xf32> to vector<16xf32>
      %get3A_200 = arith.constant 15 : i32
      %get3A_201 = arith.index_cast %get3A_200 : i32 to index
      %get3A_202 = arith.constant 96 : index
      %get3A_203 = tpu.vector_load %arg11[%get3A_201, %get3A_202] {strides = array<i32>} : memref<16x256xf32, #tpu.memory_space<vmem>>, vector<1x16xf32>,
      %get3A_204 = vector.shape_cast %get3A_203 : vector<1x16xf32> to vector<16xf32>
      %add3A_205 = arith.addf %get3A_199, %get3A_204 : vector<16xf32>
      %get3A_206 = arith.constant 14 : i32
      %get3A_207 = arith.index_cast %get3A_206 : i32 to index
      %get3A_208 = arith.constant 112 : index
      %get3A_209 = tpu.vector_load %arg11[%get3A_207, %get3A_208] {strides = array<i32>} : memref<16x256xf32, #tpu.memory_space<vmem>>, vector<1x16xf32>,
      %get3A_210 = vector.shape_cast %get3A_209 : vector<1x16xf32> to vector<16xf32>
      %get3A_211 = arith.constant 15 : i32
      %get3A_212 = arith.index_cast %get3A_211 : i32 to index
      %get3A_213 = arith.constant 112 : index
      %get3A_214 = tpu.vector_load %arg11[%get3A_212, %get3A_213] {strides = array<i32>} : memref<16x256xf32, #tpu.memory_space<vmem>>, vector<1x16xf32>,
      %get3A_215 = vector.shape_cast %get3A_214 : vector<1x16xf32> to vector<16xf32>
      %add3A_216 = arith.addf %get3A_210, %get3A_215 : vector<16xf32>
      %get3A_217 = arith.constant 14 : i32
      %get3A_218 = arith.index_cast %get3A_217 : i32 to index
      %get3A_219 = arith.constant 128 : index
      %get3A_220 = tpu.vector_load %arg11[%get3A_218, %get3A_219] {strides = array<i32>} : memref<16x256xf32, #tpu.memory_space<vmem>>, vector<1x16xf32>,
      %get3A_221 = vector.shape_cast %get3A_220 : vector<1x16xf32> to vector<16xf32>
      %get3A_222 = arith.constant 15 : i32
      %get3A_223 = arith.index_cast %get3A_222 : i32 to index
      %get3A_224 = arith.constant 128 : index
      %get3A_225 = tpu.vector_load %arg11[%get3A_223, %get3A_224] {strides = array<i32>} : memref<16x256xf32, #tpu.memory_space<vmem>>, vector<1x16xf32>,
      %get3A_226 = vector.shape_cast %get3A_225 : vector<1x16xf32> to vector<16xf32>
      %add3A_227 = arith.addf %get3A_221, %get3A_226 : vector<16xf32>
      %get3A_228 = arith.constant 14 : i32
      %get3A_229 = arith.index_cast %get3A_228 : i32 to index
      %get3A_230 = arith.constant 144 : index
      %get3A_231 = tpu.vector_load %arg11[%get3A_229, %get3A_230] {strides = array<i32>} : memref<16x256xf32, #tpu.memory_space<vmem>>, vector<1x16xf32>,
      %get3A_232 = vector.shape_cast %get3A_231 : vector<1x16xf32> to vector<16xf32>
      %get3A_233 = arith.constant 15 : i32
      %get3A_234 = arith.index_cast %get3A_233 : i32 to index
      %get3A_235 = arith.constant 144 : index
      %get3A_236 = tpu.vector_load %arg11[%get3A_234, %get3A_235] {strides = array<i32>} : memref<16x256xf32, #tpu.memory_space<vmem>>, vector<1x16xf32>,
      %get3A_237 = vector.shape_cast %get3A_236 : vector<1x16xf32> to vector<16xf32>
      %add3A_238 = arith.addf %get3A_232, %get3A_237 : vector<16xf32>
      %get3A_239 = arith.constant 14 : i32
      %get3A_240 = arith.index_cast %get3A_239 : i32 to index
      %get3A_241 = arith.constant 160 : index
      %get3A_242 = tpu.vector_load %arg11[%get3A_240, %get3A_241] {strides = array<i32>} : memref<16x256xf32, #tpu.memory_space<vmem>>, vector<1x16xf32>,
      %get3A_243 = vector.shape_cast %get3A_242 : vector<1x16xf32> to vector<16xf32>
      %get3A_244 = arith.constant 15 : i32
      %get3A_245 = arith.index_cast %get3A_244 : i32 to index
      %get3A_246 = arith.constant 160 : index
      %get3A_247 = tpu.vector_load %arg11[%get3A_245, %get3A_246] {strides = array<i32>} : memref<16x256xf32, #tpu.memory_space<vmem>>, vector<1x16xf32>,
      %get3A_248 = vector.shape_cast %get3A_247 : vector<1x16xf32> to vector<16xf32>
      %add3A_249 = arith.addf %get3A_243, %get3A_248 : vector<16xf32>
      %get3A_250 = arith.constant 14 : i32
      %get3A_251 = arith.index_cast %get3A_250 : i32 to index
      %get3A_252 = arith.constant 176 : index
      %get3A_253 = tpu.vector_load %arg11[%get3A_251, %get3A_252] {strides = array<i32>} : memref<16x256xf32, #tpu.memory_space<vmem>>, vector<1x16xf32>,
      %get3A_254 = vector.shape_cast %get3A_253 : vector<1x16xf32> to vector<16xf32>
      %get3A_255 = arith.constant 15 : i32
      %get3A_256 = arith.index_cast %get3A_255 : i32 to index
      %get3A_257 = arith.constant 176 : index
      %get3A_258 = tpu.vector_load %arg11[%get3A_256, %get3A_257] {strides = array<i32>} : memref<16x256xf32, #tpu.memory_space<vmem>>, vector<1x16xf32>,
      %get3A_259 = vector.shape_cast %get3A_258 : vector<1x16xf32> to vector<16xf32>
      %add3A_260 = arith.addf %get3A_254, %get3A_259 : vector<16xf32>
      %get3A_261 = arith.constant 14 : i32
      %get3A_262 = arith.index_cast %get3A_261 : i32 to index
      %get3A_263 = arith.constant 192 : index
      %get3A_264 = tpu.vector_load %arg11[%get3A_262, %get3A_263] {strides = array<i32>} : memref<16x256xf32, #tpu.memory_space<vmem>>, vector<1x16xf32>,
      %get3A_265 = vector.shape_cast %get3A_264 : vector<1x16xf32> to vector<16xf32>
      %get3A_266 = arith.constant 15 : i32
      %get3A_267 = arith.index_cast %get3A_266 : i32 to index
      %get3A_268 = arith.constant 192 : index
      %get3A_269 = tpu.vector_load %arg11[%get3A_267, %get3A_268] {strides = array<i32>} : memref<16x256xf32, #tpu.memory_space<vmem>>, vector<1x16xf32>,
      %get3A_270 = vector.shape_cast %get3A_269 : vector<1x16xf32> to vector<16xf32>
      %add3A_271 = arith.addf %get3A_265, %get3A_270 : vector<16xf32>
      %get3A_272 = arith.constant 14 : i32
      %get3A_273 = arith.index_cast %get3A_272 : i32 to index
      %get3A_274 = arith.constant 208 : index
      %get3A_275 = tpu.vector_load %arg11[%get3A_273, %get3A_274] {strides = array<i32>} : memref<16x256xf32, #tpu.memory_space<vmem>>, vector<1x16xf32>,
      %get3A_276 = vector.shape_cast %get3A_275 : vector<1x16xf32> to vector<16xf32>
      %get3A_277 = arith.constant 15 : i32
      %get3A_278 = arith.index_cast %get3A_277 : i32 to index
      %get3A_279 = arith.constant 208 : index
      %get3A_280 = tpu.vector_load %arg11[%get3A_278, %get3A_279] {strides = array<i32>} : memref<16x256xf32, #tpu.memory_space<vmem>>, vector<1x16xf32>,
      %get3A_281 = vector.shape_cast %get3A_280 : vector<1x16xf32> to vector<16xf32>
      %add3A_282 = arith.addf %get3A_276, %get3A_281 : vector<16xf32>
      %get3A_283 = arith.constant 14 : i32
      %get3A_284 = arith.index_cast %get3A_283 : i32 to index
      %get3A_285 = arith.constant 224 : index
      %get3A_286 = tpu.vector_load %arg11[%get3A_284, %get3A_285] {strides = array<i32>} : memref<16x256xf32, #tpu.memory_space<vmem>>, vector<1x16xf32>,
      %get3A_287 = vector.shape_cast %get3A_286 : vector<1x16xf32> to vector<16xf32>
      %get3A_288 = arith.constant 15 : i32
      %get3A_289 = arith.index_cast %get3A_288 : i32 to index
      %get3A_290 = arith.constant 224 : index
      %get3A_291 = tpu.vector_load %arg11[%get3A_289, %get3A_290] {strides = array<i32>} : memref<16x256xf32, #tpu.memory_space<vmem>>, vector<1x16xf32>,
      %get3A_292 = vector.shape_cast %get3A_291 : vector<1x16xf32> to vector<16xf32>
      %add3A_293 = arith.addf %get3A_287, %get3A_292 : vector<16xf32>
      %get3A_294 = arith.constant 14 : i32
      %get3A_295 = arith.index_cast %get3A_294 : i32 to index
      %get3A_296 = arith.constant 240 : index
      %get3A_297 = tpu.vector_load %arg11[%get3A_295, %get3A_296] {strides = array<i32>} : memref<16x256xf32, #tpu.memory_space<vmem>>, vector<1x16xf32>,
      %get3A_298 = vector.shape_cast %get3A_297 : vector<1x16xf32> to vector<16xf32>
      %get3A_299 = arith.constant 15 : i32
      %get3A_300 = arith.index_cast %get3A_299 : i32 to index
      %get3A_301 = arith.constant 240 : index
      %get3A_302 = tpu.vector_load %arg11[%get3A_300, %get3A_301] {strides = array<i32>} : memref<16x256xf32, #tpu.memory_space<vmem>>, vector<1x16xf32>,
      %get3A_303 = vector.shape_cast %get3A_302 : vector<1x16xf32> to vector<16xf32>
      %add3A_304 = arith.addf %get3A_298, %get3A_303 : vector<16xf32>
      %mul3A = arith.mulf %scan3A_49#0, %add3A : vector<16xf32>
      %mul3A_305 = arith.mulf %scan3A_49#1, %add3A_150 : vector<16xf32>
      %add3A_306 = arith.addf %mul3A, %mul3A_305 : vector<16xf32>
      %mul3A_307 = arith.mulf %scan3A_49#2, %add3A_161 : vector<16xf32>
      %add3A_308 = arith.addf %add3A_306, %mul3A_307 : vector<16xf32>
      %mul3A_309 = arith.mulf %scan3A_49#3, %add3A_172 : vector<16xf32>
      %add3A_310 = arith.addf %add3A_308, %mul3A_309 : vector<16xf32>
      %mul3A_311 = arith.mulf %scan3A_49#4, %add3A_183 : vector<16xf32>
      %add3A_312 = arith.addf %add3A_310, %mul3A_311 : vector<16xf32>
      %mul3A_313 = arith.mulf %scan3A_49#5, %add3A_194 : vector<16xf32>
      %add3A_314 = arith.addf %add3A_312, %mul3A_313 : vector<16xf32>
      %mul3A_315 = arith.mulf %scan3A_49#6, %add3A_205 : vector<16xf32>
      %add3A_316 = arith.addf %add3A_314, %mul3A_315 : vector<16xf32>
      %mul3A_317 = arith.mulf %scan3A_49#7, %add3A_216 : vector<16xf32>
      %add3A_318 = arith.addf %add3A_316, %mul3A_317 : vector<16xf32>
      %mul3A_319 = arith.mulf %scan3A_49#8, %add3A_227 : vector<16xf32>
      %add3A_320 = arith.addf %add3A_318, %mul3A_319 : vector<16xf32>
      %mul3A_321 = arith.mulf %scan3A_49#9, %add3A_238 : vector<16xf32>
      %add3A_322 = arith.addf %add3A_320, %mul3A_321 : vector<16xf32>
      %mul3A_323 = arith.mulf %scan3A_49#10, %add3A_249 : vector<16xf32>
      %add3A_324 = arith.addf %add3A_322, %mul3A_323 : vector<16xf32>
      %mul3A_325 = arith.mulf %scan3A_49#11, %add3A_260 : vector<16xf32>
      %add3A_326 = arith.addf %add3A_324, %mul3A_325 : vector<16xf32>
      %mul3A_327 = arith.mulf %scan3A_49#12, %add3A_271 : vector<16xf32>
      %add3A_328 = arith.addf %add3A_326, %mul3A_327 : vector<16xf32>
      %mul3A_329 = arith.mulf %scan3A_49#13, %add3A_282 : vector<16xf32>
      %add3A_330 = arith.addf %add3A_328, %mul3A_329 : vector<16xf32>
      %mul3A_331 = arith.mulf %scan3A_49#14, %add3A_293 : vector<16xf32>
      %add3A_332 = arith.addf %add3A_330, %mul3A_331 : vector<16xf32>
      %mul3A_333 = arith.mulf %scan3A_49#15, %add3A_304 : vector<16xf32>
      %add3A_334 = arith.addf %add3A_332, %mul3A_333 : vector<16xf32>
      %iota3A = tpu.iota {dimensions = array<i32: 0>} : vector<16xi32>
      %xor3A = arith.constant 8 : i32
      %xor3A_335 = vector.broadcast %xor3A : i32 to vector<16xi32>
      %xor3A_336 = arith.xori %iota3A, %xor3A_335 : vector<16xi32>
      %lt3A_337 = arith.constant 0 : i32
      %lt3A_338 = vector.broadcast %lt3A_337 : i32 to vector<16xi32>
      %lt3A_339 = arith.cmpi slt, %xor3A_336, %lt3A_338 : vector<16xi32>
      %add3A_340 = arith.constant 16 : i32
      %add3A_341 = vector.broadcast %add3A_340 : i32 to vector<16xi32>
      %add3A_342 = arith.addi %xor3A_336, %add3A_341 : vector<16xi32>
      %select_n3A = arith.select %lt3A_339, %add3A_342, %xor3A_336 : vector<16xi1>, vector<16xi32>
      %broadcast_in_dim3A_343 = vector.shape_cast %select_n3A : vector<16xi32> to vector<16x1xi32>
      %gather3A = vector.shape_cast %broadcast_in_dim3A_343 : vector<16x1xi32> to vector<16xi32>
      %gather3A_344 = tpu.dynamic_gather %add3A_334[%gather3A] in [0] : vector<16xf32>, vector<16xi32> -> vector<16xf32>
      %add3A_345 = arith.addf %add3A_334, %gather3A_344 : vector<16xf32>
      %xor3A_346 = arith.constant 4 : i32
      %xor3A_347 = vector.broadcast %xor3A_346 : i32 to vector<16xi32>
      %xor3A_348 = arith.xori %iota3A, %xor3A_347 : vector<16xi32>
      %lt3A_349 = arith.constant 0 : i32
      %lt3A_350 = vector.broadcast %lt3A_349 : i32 to vector<16xi32>
      %lt3A_351 = arith.cmpi slt, %xor3A_348, %lt3A_350 : vector<16xi32>
      %add3A_352 = arith.constant 16 : i32
      %add3A_353 = vector.broadcast %add3A_352 : i32 to vector<16xi32>
      %add3A_354 = arith.addi %xor3A_348, %add3A_353 : vector<16xi32>
      %select_n3A_355 = arith.select %lt3A_351, %add3A_354, %xor3A_348 : vector<16xi1>, vector<16xi32>
      %broadcast_in_dim3A_356 = vector.shape_cast %select_n3A_355 : vector<16xi32> to vector<16x1xi32>
      %gather3A_357 = vector.shape_cast %broadcast_in_dim3A_356 : vector<16x1xi32> to vector<16xi32>
      %gather3A_358 = tpu.dynamic_gather %add3A_345[%gather3A_357] in [0] : vector<16xf32>, vector<16xi32> -> vector<16xf32>
      %add3A_359 = arith.addf %add3A_345, %gather3A_358 : vector<16xf32>
      %xor3A_360 = arith.constant 2 : i32
      %xor3A_361 = vector.broadcast %xor3A_360 : i32 to vector<16xi32>
      %xor3A_362 = arith.xori %iota3A, %xor3A_361 : vector<16xi32>
      %lt3A_363 = arith.constant 0 : i32
      %lt3A_364 = vector.broadcast %lt3A_363 : i32 to vector<16xi32>
      %lt3A_365 = arith.cmpi slt, %xor3A_362, %lt3A_364 : vector<16xi32>
      %add3A_366 = arith.constant 16 : i32
      %add3A_367 = vector.broadcast %add3A_366 : i32 to vector<16xi32>
      %add3A_368 = arith.addi %xor3A_362, %add3A_367 : vector<16xi32>
      %select_n3A_369 = arith.select %lt3A_365, %add3A_368, %xor3A_362 : vector<16xi1>, vector<16xi32>
      %broadcast_in_dim3A_370 = vector.shape_cast %select_n3A_369 : vector<16xi32> to vector<16x1xi32>
      %gather3A_371 = vector.shape_cast %broadcast_in_dim3A_370 : vector<16x1xi32> to vector<16xi32>
      %gather3A_372 = tpu.dynamic_gather %add3A_359[%gather3A_371] in [0] : vector<16xf32>, vector<16xi32> -> vector<16xf32>
      %add3A_373 = arith.addf %add3A_359, %gather3A_372 : vector<16xf32>
      %xor3A_374 = arith.constant 1 : i32
      %xor3A_375 = vector.broadcast %xor3A_374 : i32 to vector<16xi32>
      %xor3A_376 = arith.xori %iota3A, %xor3A_375 : vector<16xi32>
      %lt3A_377 = arith.constant 0 : i32
      %lt3A_378 = vector.broadcast %lt3A_377 : i32 to vector<16xi32>
      %lt3A_379 = arith.cmpi slt, %xor3A_376, %lt3A_378 : vector<16xi32>
      %add3A_380 = arith.constant 16 : i32
      %add3A_381 = vector.broadcast %add3A_380 : i32 to vector<16xi32>
      %add3A_382 = arith.addi %xor3A_376, %add3A_381 : vector<16xi32>
      %select_n3A_383 = arith.select %lt3A_379, %add3A_382, %xor3A_376 : vector<16xi1>, vector<16xi32>
      %broadcast_in_dim3A_384 = vector.shape_cast %select_n3A_383 : vector<16xi32> to vector<16x1xi32>
      %gather3A_385 = vector.shape_cast %broadcast_in_dim3A_384 : vector<16x1xi32> to vector<16xi32>
      %gather3A_386 = tpu.dynamic_gather %add3A_373[%gather3A_385] in [0] : vector<16xf32>, vector<16xi32> -> vector<16xf32>
      %add3A_387 = arith.addf %add3A_373, %gather3A_386 : vector<16xf32>
      %mul3A_388 = arith.mulf %scan3A_49#0, %get3A_54 : vector<16xf32>
      %mul3A_389 = arith.mulf %scan3A_49#1, %get3A_59 : vector<16xf32>
      %add3A_390 = arith.addf %mul3A_388, %mul3A_389 : vector<16xf32>
      %mul3A_391 = arith.mulf %scan3A_49#2, %get3A_64 : vector<16xf32>
      %add3A_392 = arith.addf %add3A_390, %mul3A_391 : vector<16xf32>
      %mul3A_393 = arith.mulf %scan3A_49#3, %get3A_69 : vector<16xf32>
      %add3A_394 = arith.addf %add3A_392, %mul3A_393 : vector<16xf32>
      %mul3A_395 = arith.mulf %scan3A_49#4, %get3A_74 : vector<16xf32>
      %add3A_396 = arith.addf %add3A_394, %mul3A_395 : vector<16xf32>
      %mul3A_397 = arith.mulf %scan3A_49#5, %get3A_79 : vector<16xf32>
      %add3A_398 = arith.addf %add3A_396, %mul3A_397 : vector<16xf32>
      %mul3A_399 = arith.mulf %scan3A_49#6, %get3A_84 : vector<16xf32>
      %add3A_400 = arith.addf %add3A_398, %mul3A_399 : vector<16xf32>
      %mul3A_401 = arith.mulf %scan3A_49#7, %get3A_89 : vector<16xf32>
      %add3A_402 = arith.addf %add3A_400, %mul3A_401 : vector<16xf32>
      %mul3A_403 = arith.mulf %scan3A_49#8, %get3A_94 : vector<16xf32>
      %add3A_404 = arith.addf %add3A_402, %mul3A_403 : vector<16xf32>
      %mul3A_405 = arith.mulf %scan3A_49#9, %get3A_99 : vector<16xf32>
      %add3A_406 = arith.addf %add3A_404, %mul3A_405 : vector<16xf32>
      %mul3A_407 = arith.mulf %scan3A_49#10, %get3A_104 : vector<16xf32>
      %add3A_408 = arith.addf %add3A_406, %mul3A_407 : vector<16xf32>
      %mul3A_409 = arith.mulf %scan3A_49#11, %get3A_109 : vector<16xf32>
      %add3A_410 = arith.addf %add3A_408, %mul3A_409 : vector<16xf32>
      %mul3A_411 = arith.mulf %scan3A_49#12, %get3A_114 : vector<16xf32>
      %add3A_412 = arith.addf %add3A_410, %mul3A_411 : vector<16xf32>
      %mul3A_413 = arith.mulf %scan3A_49#13, %get3A_119 : vector<16xf32>
      %add3A_414 = arith.addf %add3A_412, %mul3A_413 : vector<16xf32>
      %mul3A_415 = arith.mulf %scan3A_49#14, %get3A_124 : vector<16xf32>
      %add3A_416 = arith.addf %add3A_414, %mul3A_415 : vector<16xf32>
      %mul3A_417 = arith.mulf %scan3A_49#15, %get3A_129 : vector<16xf32>
      %add3A_418 = arith.addf %add3A_416, %mul3A_417 : vector<16xf32>
      %iota3A_419 = tpu.iota {dimensions = array<i32: 0>} : vector<16xi32>
      %xor3A_420 = arith.constant 8 : i32
      %xor3A_421 = vector.broadcast %xor3A_420 : i32 to vector<16xi32>
      %xor3A_422 = arith.xori %iota3A_419, %xor3A_421 : vector<16xi32>
      %lt3A_423 = arith.constant 0 : i32
      %lt3A_424 = vector.broadcast %lt3A_423 : i32 to vector<16xi32>
      %lt3A_425 = arith.cmpi slt, %xor3A_422, %lt3A_424 : vector<16xi32>
      %add3A_426 = arith.constant 16 : i32
      %add3A_427 = vector.broadcast %add3A_426 : i32 to vector<16xi32>
      %add3A_428 = arith.addi %xor3A_422, %add3A_427 : vector<16xi32>
      %select_n3A_429 = arith.select %lt3A_425, %add3A_428, %xor3A_422 : vector<16xi1>, vector<16xi32>
      %broadcast_in_dim3A_430 = vector.shape_cast %select_n3A_429 : vector<16xi32> to vector<16x1xi32>
      %gather3A_431 = vector.shape_cast %broadcast_in_dim3A_430 : vector<16x1xi32> to vector<16xi32>
      %gather3A_432 = tpu.dynamic_gather %add3A_418[%gather3A_431] in [0] : vector<16xf32>, vector<16xi32> -> vector<16xf32>
      %add3A_433 = arith.addf %add3A_418, %gather3A_432 : vector<16xf32>
      %xor3A_434 = arith.constant 4 : i32
      %xor3A_435 = vector.broadcast %xor3A_434 : i32 to vector<16xi32>
      %xor3A_436 = arith.xori %iota3A_419, %xor3A_435 : vector<16xi32>
      %lt3A_437 = arith.constant 0 : i32
      %lt3A_438 = vector.broadcast %lt3A_437 : i32 to vector<16xi32>
      %lt3A_439 = arith.cmpi slt, %xor3A_436, %lt3A_438 : vector<16xi32>
      %add3A_440 = arith.constant 16 : i32
      %add3A_441 = vector.broadcast %add3A_440 : i32 to vector<16xi32>
      %add3A_442 = arith.addi %xor3A_436, %add3A_441 : vector<16xi32>
      %select_n3A_443 = arith.select %lt3A_439, %add3A_442, %xor3A_436 : vector<16xi1>, vector<16xi32>
      %broadcast_in_dim3A_444 = vector.shape_cast %select_n3A_443 : vector<16xi32> to vector<16x1xi32>
      %gather3A_445 = vector.shape_cast %broadcast_in_dim3A_444 : vector<16x1xi32> to vector<16xi32>
      %gather3A_446 = tpu.dynamic_gather %add3A_433[%gather3A_445] in [0] : vector<16xf32>, vector<16xi32> -> vector<16xf32>
      %add3A_447 = arith.addf %add3A_433, %gather3A_446 : vector<16xf32>
      %xor3A_448 = arith.constant 2 : i32
      %xor3A_449 = vector.broadcast %xor3A_448 : i32 to vector<16xi32>
      %xor3A_450 = arith.xori %iota3A_419, %xor3A_449 : vector<16xi32>
      %lt3A_451 = arith.constant 0 : i32
      %lt3A_452 = vector.broadcast %lt3A_451 : i32 to vector<16xi32>
      %lt3A_453 = arith.cmpi slt, %xor3A_450, %lt3A_452 : vector<16xi32>
      %add3A_454 = arith.constant 16 : i32
      %add3A_455 = vector.broadcast %add3A_454 : i32 to vector<16xi32>
      %add3A_456 = arith.addi %xor3A_450, %add3A_455 : vector<16xi32>
      %select_n3A_457 = arith.select %lt3A_453, %add3A_456, %xor3A_450 : vector<16xi1>, vector<16xi32>
      %broadcast_in_dim3A_458 = vector.shape_cast %select_n3A_457 : vector<16xi32> to vector<16x1xi32>
      %gather3A_459 = vector.shape_cast %broadcast_in_dim3A_458 : vector<16x1xi32> to vector<16xi32>
      %gather3A_460 = tpu.dynamic_gather %add3A_447[%gather3A_459] in [0] : vector<16xf32>, vector<16xi32> -> vector<16xf32>
      %add3A_461 = arith.addf %add3A_447, %gather3A_460 : vector<16xf32>
      %xor3A_462 = arith.constant 1 : i32
      %xor3A_463 = vector.broadcast %xor3A_462 : i32 to vector<16xi32>
      %xor3A_464 = arith.xori %iota3A_419, %xor3A_463 : vector<16xi32>
      %lt3A_465 = arith.constant 0 : i32
      %lt3A_466 = vector.broadcast %lt3A_465 : i32 to vector<16xi32>
      %lt3A_467 = arith.cmpi slt, %xor3A_464, %lt3A_466 : vector<16xi32>
      %add3A_468 = arith.constant 16 : i32
      %add3A_469 = vector.broadcast %add3A_468 : i32 to vector<16xi32>
      %add3A_470 = arith.addi %xor3A_464, %add3A_469 : vector<16xi32>
      %select_n3A_471 = arith.select %lt3A_467, %add3A_470, %xor3A_464 : vector<16xi1>, vector<16xi32>
      %broadcast_in_dim3A_472 = vector.shape_cast %select_n3A_471 : vector<16xi32> to vector<16x1xi32>
      %gather3A_473 = vector.shape_cast %broadcast_in_dim3A_472 : vector<16x1xi32> to vector<16xi32>
      %gather3A_474 = tpu.dynamic_gather %add3A_461[%gather3A_473] in [0] : vector<16xf32>, vector<16xi32> -> vector<16xf32>
      %add3A_475 = arith.addf %add3A_461, %gather3A_474 : vector<16xf32>
      %mul3A_476 = arith.mulf %scan3A_49#0, %scan3A_49#0 : vector<16xf32>
      %mul3A_477 = arith.mulf %scan3A_49#1, %scan3A_49#1 : vector<16xf32>
      %add3A_478 = arith.addf %mul3A_476, %mul3A_477 : vector<16xf32>
      %mul3A_479 = arith.mulf %scan3A_49#2, %scan3A_49#2 : vector<16xf32>
      %add3A_480 = arith.addf %add3A_478, %mul3A_479 : vector<16xf32>
      %mul3A_481 = arith.mulf %scan3A_49#3, %scan3A_49#3 : vector<16xf32>
      %add3A_482 = arith.addf %add3A_480, %mul3A_481 : vector<16xf32>
      %mul3A_483 = arith.mulf %scan3A_49#4, %scan3A_49#4 : vector<16xf32>
      %add3A_484 = arith.addf %add3A_482, %mul3A_483 : vector<16xf32>
      %mul3A_485 = arith.mulf %scan3A_49#5, %scan3A_49#5 : vector<16xf32>
      %add3A_486 = arith.addf %add3A_484, %mul3A_485 : vector<16xf32>
      %mul3A_487 = arith.mulf %scan3A_49#6, %scan3A_49#6 : vector<16xf32>
      %add3A_488 = arith.addf %add3A_486, %mul3A_487 : vector<16xf32>
      %mul3A_489 = arith.mulf %scan3A_49#7, %scan3A_49#7 : vector<16xf32>
      %add3A_490 = arith.addf %add3A_488, %mul3A_489 : vector<16xf32>
      %mul3A_491 = arith.mulf %scan3A_49#8, %scan3A_49#8 : vector<16xf32>
      %add3A_492 = arith.addf %add3A_490, %mul3A_491 : vector<16xf32>
      %mul3A_493 = arith.mulf %scan3A_49#9, %scan3A_49#9 : vector<16xf32>
      %add3A_494 = arith.addf %add3A_492, %mul3A_493 : vector<16xf32>
      %mul3A_495 = arith.mulf %scan3A_49#10, %scan3A_49#10 : vector<16xf32>
      %add3A_496 = arith.addf %add3A_494, %mul3A_495 : vector<16xf32>
      %mul3A_497 = arith.mulf %scan3A_49#11, %scan3A_49#11 : vector<16xf32>
      %add3A_498 = arith.addf %add3A_496, %mul3A_497 : vector<16xf32>
      %mul3A_499 = arith.mulf %scan3A_49#12, %scan3A_49#12 : vector<16xf32>
      %add3A_500 = arith.addf %add3A_498, %mul3A_499 : vector<16xf32>
      %mul3A_501 = arith.mulf %scan3A_49#13, %scan3A_49#13 : vector<16xf32>
      %add3A_502 = arith.addf %add3A_500, %mul3A_501 : vector<16xf32>
      %mul3A_503 = arith.mulf %scan3A_49#14, %scan3A_49#14 : vector<16xf32>
      %add3A_504 = arith.addf %add3A_502, %mul3A_503 : vector<16xf32>
      %mul3A_505 = arith.mulf %scan3A_49#15, %scan3A_49#15 : vector<16xf32>
      %add3A_506 = arith.addf %add3A_504, %mul3A_505 : vector<16xf32>
      %iota3A_507 = tpu.iota {dimensions = array<i32: 0>} : vector<16xi32>
      %xor3A_508 = arith.constant 8 : i32
      %xor3A_509 = vector.broadcast %xor3A_508 : i32 to vector<16xi32>
      %xor3A_510 = arith.xori %iota3A_507, %xor3A_509 : vector<16xi32>
      %lt3A_511 = arith.constant 0 : i32
      %lt3A_512 = vector.broadcast %lt3A_511 : i32 to vector<16xi32>
      %lt3A_513 = arith.cmpi slt, %xor3A_510, %lt3A_512 : vector<16xi32>
      %add3A_514 = arith.constant 16 : i32
      %add3A_515 = vector.broadcast %add3A_514 : i32 to vector<16xi32>
      %add3A_516 = arith.addi %xor3A_510, %add3A_515 : vector<16xi32>
      %select_n3A_517 = arith.select %lt3A_513, %add3A_516, %xor3A_510 : vector<16xi1>, vector<16xi32>
      %broadcast_in_dim3A_518 = vector.shape_cast %select_n3A_517 : vector<16xi32> to vector<16x1xi32>
      %gather3A_519 = vector.shape_cast %broadcast_in_dim3A_518 : vector<16x1xi32> to vector<16xi32>
      %gather3A_520 = tpu.dynamic_gather %add3A_506[%gather3A_519] in [0] : vector<16xf32>, vector<16xi32> -> vector<16xf32>
      %add3A_521 = arith.addf %add3A_506, %gather3A_520 : vector<16xf32>
      %xor3A_522 = arith.constant 4 : i32
      %xor3A_523 = vector.broadcast %xor3A_522 : i32 to vector<16xi32>
      %xor3A_524 = arith.xori %iota3A_507, %xor3A_523 : vector<16xi32>
      %lt3A_525 = arith.constant 0 : i32
      %lt3A_526 = vector.broadcast %lt3A_525 : i32 to vector<16xi32>
      %lt3A_527 = arith.cmpi slt, %xor3A_524, %lt3A_526 : vector<16xi32>
      %add3A_528 = arith.constant 16 : i32
      %add3A_529 = vector.broadcast %add3A_528 : i32 to vector<16xi32>
      %add3A_530 = arith.addi %xor3A_524, %add3A_529 : vector<16xi32>
      %select_n3A_531 = arith.select %lt3A_527, %add3A_530, %xor3A_524 : vector<16xi1>, vector<16xi32>
      %broadcast_in_dim3A_532 = vector.shape_cast %select_n3A_531 : vector<16xi32> to vector<16x1xi32>
      %gather3A_533 = vector.shape_cast %broadcast_in_dim3A_532 : vector<16x1xi32> to vector<16xi32>
      %gather3A_534 = tpu.dynamic_gather %add3A_521[%gather3A_533] in [0] : vector<16xf32>, vector<16xi32> -> vector<16xf32>
      %add3A_535 = arith.addf %add3A_521, %gather3A_534 : vector<16xf32>
      %xor3A_536 = arith.constant 2 : i32
      %xor3A_537 = vector.broadcast %xor3A_536 : i32 to vector<16xi32>
      %xor3A_538 = arith.xori %iota3A_507, %xor3A_537 : vector<16xi32>
      %lt3A_539 = arith.constant 0 : i32
      %lt3A_540 = vector.broadcast %lt3A_539 : i32 to vector<16xi32>
      %lt3A_541 = arith.cmpi slt, %xor3A_538, %lt3A_540 : vector<16xi32>
      %add3A_542 = arith.constant 16 : i32
      %add3A_543 = vector.broadcast %add3A_542 : i32 to vector<16xi32>
      %add3A_544 = arith.addi %xor3A_538, %add3A_543 : vector<16xi32>
      %select_n3A_545 = arith.select %lt3A_541, %add3A_544, %xor3A_538 : vector<16xi1>, vector<16xi32>
      %broadcast_in_dim3A_546 = vector.shape_cast %select_n3A_545 : vector<16xi32> to vector<16x1xi32>
      %gather3A_547 = vector.shape_cast %broadcast_in_dim3A_546 : vector<16x1xi32> to vector<16xi32>
      %gather3A_548 = tpu.dynamic_gather %add3A_535[%gather3A_547] in [0] : vector<16xf32>, vector<16xi32> -> vector<16xf32>
      %add3A_549 = arith.addf %add3A_535, %gather3A_548 : vector<16xf32>
      %xor3A_550 = arith.constant 1 : i32
      %xor3A_551 = vector.broadcast %xor3A_550 : i32 to vector<16xi32>
      %xor3A_552 = arith.xori %iota3A_507, %xor3A_551 : vector<16xi32>
      %lt3A_553 = arith.constant 0 : i32
      %lt3A_554 = vector.broadcast %lt3A_553 : i32 to vector<16xi32>
      %lt3A_555 = arith.cmpi slt, %xor3A_552, %lt3A_554 : vector<16xi32>
      %add3A_556 = arith.constant 16 : i32
      %add3A_557 = vector.broadcast %add3A_556 : i32 to vector<16xi32>
      %add3A_558 = arith.addi %xor3A_552, %add3A_557 : vector<16xi32>
      %select_n3A_559 = arith.select %lt3A_555, %add3A_558, %xor3A_552 : vector<16xi1>, vector<16xi32>
      %broadcast_in_dim3A_560 = vector.shape_cast %select_n3A_559 : vector<16xi32> to vector<16x1xi32>
      %gather3A_561 = vector.shape_cast %broadcast_in_dim3A_560 : vector<16x1xi32> to vector<16xi32>
      %gather3A_562 = tpu.dynamic_gather %add3A_549[%gather3A_561] in [0] : vector<16xf32>, vector<16xi32> -> vector<16xf32>
      %add3A_563 = arith.addf %add3A_549, %gather3A_562 : vector<16xf32>
      %mul3A_564 = arith.mulf %get3A_54, %get3A_54 : vector<16xf32>
      %mul3A_565 = arith.mulf %get3A_59, %get3A_59 : vector<16xf32>
      %add3A_566 = arith.addf %mul3A_564, %mul3A_565 : vector<16xf32>
      %mul3A_567 = arith.mulf %get3A_64, %get3A_64 : vector<16xf32>
      %add3A_568 = arith.addf %add3A_566, %mul3A_567 : vector<16xf32>
      %mul3A_569 = arith.mulf %get3A_69, %get3A_69 : vector<16xf32>
      %add3A_570 = arith.addf %add3A_568, %mul3A_569 : vector<16xf32>
      %mul3A_571 = arith.mulf %get3A_74, %get3A_74 : vector<16xf32>
      %add3A_572 = arith.addf %add3A_570, %mul3A_571 : vector<16xf32>
      %mul3A_573 = arith.mulf %get3A_79, %get3A_79 : vector<16xf32>
      %add3A_574 = arith.addf %add3A_572, %mul3A_573 : vector<16xf32>
      %mul3A_575 = arith.mulf %get3A_84, %get3A_84 : vector<16xf32>
      %add3A_576 = arith.addf %add3A_574, %mul3A_575 : vector<16xf32>
      %mul3A_577 = arith.mulf %get3A_89, %get3A_89 : vector<16xf32>
      %add3A_578 = arith.addf %add3A_576, %mul3A_577 : vector<16xf32>
      %mul3A_579 = arith.mulf %get3A_94, %get3A_94 : vector<16xf32>
      %add3A_580 = arith.addf %add3A_578, %mul3A_579 : vector<16xf32>
      %mul3A_581 = arith.mulf %get3A_99, %get3A_99 : vector<16xf32>
      %add3A_582 = arith.addf %add3A_580, %mul3A_581 : vector<16xf32>
      %mul3A_583 = arith.mulf %get3A_104, %get3A_104 : vector<16xf32>
      %add3A_584 = arith.addf %add3A_582, %mul3A_583 : vector<16xf32>
      %mul3A_585 = arith.mulf %get3A_109, %get3A_109 : vector<16xf32>
      %add3A_586 = arith.addf %add3A_584, %mul3A_585 : vector<16xf32>
      %mul3A_587 = arith.mulf %get3A_114, %get3A_114 : vector<16xf32>
      %add3A_588 = arith.addf %add3A_586, %mul3A_587 : vector<16xf32>
      %mul3A_589 = arith.mulf %get3A_119, %get3A_119 : vector<16xf32>
      %add3A_590 = arith.addf %add3A_588, %mul3A_589 : vector<16xf32>
      %mul3A_591 = arith.mulf %get3A_124, %get3A_124 : vector<16xf32>
      %add3A_592 = arith.addf %add3A_590, %mul3A_591 : vector<16xf32>
      %mul3A_593 = arith.mulf %get3A_129, %get3A_129 : vector<16xf32>
      %add3A_594 = arith.addf %add3A_592, %mul3A_593 : vector<16xf32>
      %iota3A_595 = tpu.iota {dimensions = array<i32: 0>} : vector<16xi32>
      %xor3A_596 = arith.constant 8 : i32
      %xor3A_597 = vector.broadcast %xor3A_596 : i32 to vector<16xi32>
      %xor3A_598 = arith.xori %iota3A_595, %xor3A_597 : vector<16xi32>
      %lt3A_599 = arith.constant 0 : i32
      %lt3A_600 = vector.broadcast %lt3A_599 : i32 to vector<16xi32>
      %lt3A_601 = arith.cmpi slt, %xor3A_598, %lt3A_600 : vector<16xi32>
      %add3A_602 = arith.constant 16 : i32
      %add3A_603 = vector.broadcast %add3A_602 : i32 to vector<16xi32>
      %add3A_604 = arith.addi %xor3A_598, %add3A_603 : vector<16xi32>
      %select_n3A_605 = arith.select %lt3A_601, %add3A_604, %xor3A_598 : vector<16xi1>, vector<16xi32>
      %broadcast_in_dim3A_606 = vector.shape_cast %select_n3A_605 : vector<16xi32> to vector<16x1xi32>
      %gather3A_607 = vector.shape_cast %broadcast_in_dim3A_606 : vector<16x1xi32> to vector<16xi32>
      %gather3A_608 = tpu.dynamic_gather %add3A_594[%gather3A_607] in [0] : vector<16xf32>, vector<16xi32> -> vector<16xf32>
      %add3A_609 = arith.addf %add3A_594, %gather3A_608 : vector<16xf32>
      %xor3A_610 = arith.constant 4 : i32
      %xor3A_611 = vector.broadcast %xor3A_610 : i32 to vector<16xi32>
      %xor3A_612 = arith.xori %iota3A_595, %xor3A_611 : vector<16xi32>
      %lt3A_613 = arith.constant 0 : i32
      %lt3A_614 = vector.broadcast %lt3A_613 : i32 to vector<16xi32>
      %lt3A_615 = arith.cmpi slt, %xor3A_612, %lt3A_614 : vector<16xi32>
      %add3A_616 = arith.constant 16 : i32
      %add3A_617 = vector.broadcast %add3A_616 : i32 to vector<16xi32>
      %add3A_618 = arith.addi %xor3A_612, %add3A_617 : vector<16xi32>
      %select_n3A_619 = arith.select %lt3A_615, %add3A_618, %xor3A_612 : vector<16xi1>, vector<16xi32>
      %broadcast_in_dim3A_620 = vector.shape_cast %select_n3A_619 : vector<16xi32> to vector<16x1xi32>
      %gather3A_621 = vector.shape_cast %broadcast_in_dim3A_620 : vector<16x1xi32> to vector<16xi32>
      %gather3A_622 = tpu.dynamic_gather %add3A_609[%gather3A_621] in [0] : vector<16xf32>, vector<16xi32> -> vector<16xf32>
      %add3A_623 = arith.addf %add3A_609, %gather3A_622 : vector<16xf32>
      %xor3A_624 = arith.constant 2 : i32
      %xor3A_625 = vector.broadcast %xor3A_624 : i32 to vector<16xi32>
      %xor3A_626 = arith.xori %iota3A_595, %xor3A_625 : vector<16xi32>
      %lt3A_627 = arith.constant 0 : i32
      %lt3A_628 = vector.broadcast %lt3A_627 : i32 to vector<16xi32>
      %lt3A_629 = arith.cmpi slt, %xor3A_626, %lt3A_628 : vector<16xi32>
      %add3A_630 = arith.constant 16 : i32
      %add3A_631 = vector.broadcast %add3A_630 : i32 to vector<16xi32>
      %add3A_632 = arith.addi %xor3A_626, %add3A_631 : vector<16xi32>
      %select_n3A_633 = arith.select %lt3A_629, %add3A_632, %xor3A_626 : vector<16xi1>, vector<16xi32>
      %broadcast_in_dim3A_634 = vector.shape_cast %select_n3A_633 : vector<16xi32> to vector<16x1xi32>
      %gather3A_635 = vector.shape_cast %broadcast_in_dim3A_634 : vector<16x1xi32> to vector<16xi32>
      %gather3A_636 = tpu.dynamic_gather %add3A_623[%gather3A_635] in [0] : vector<16xf32>, vector<16xi32> -> vector<16xf32>
      %add3A_637 = arith.addf %add3A_623, %gather3A_636 : vector<16xf32>
      %xor3A_638 = arith.constant 1 : i32
      %xor3A_639 = vector.broadcast %xor3A_638 : i32 to vector<16xi32>
      %xor3A_640 = arith.xori %iota3A_595, %xor3A_639 : vector<16xi32>
      %lt3A_641 = arith.constant 0 : i32
      %lt3A_642 = vector.broadcast %lt3A_641 : i32 to vector<16xi32>
      %lt3A_643 = arith.cmpi slt, %xor3A_640, %lt3A_642 : vector<16xi32>
      %add3A_644 = arith.constant 16 : i32
      %add3A_645 = vector.broadcast %add3A_644 : i32 to vector<16xi32>
      %add3A_646 = arith.addi %xor3A_640, %add3A_645 : vector<16xi32>
      %select_n3A_647 = arith.select %lt3A_643, %add3A_646, %xor3A_640 : vector<16xi1>, vector<16xi32>
      %broadcast_in_dim3A_648 = vector.shape_cast %select_n3A_647 : vector<16xi32> to vector<16x1xi32>
      %gather3A_649 = vector.shape_cast %broadcast_in_dim3A_648 : vector<16x1xi32> to vector<16xi32>
      %gather3A_650 = tpu.dynamic_gather %add3A_637[%gather3A_649] in [0] : vector<16xf32>, vector<16xi32> -> vector<16xf32>
      %add3A_651 = arith.addf %add3A_637, %gather3A_650 : vector<16xf32>
      %mul3A_652 = arith.mulf %add3A, %add3A : vector<16xf32>
      %mul3A_653 = arith.mulf %add3A_150, %add3A_150 : vector<16xf32>
      %add3A_654 = arith.addf %mul3A_652, %mul3A_653 : vector<16xf32>
      %mul3A_655 = arith.mulf %add3A_161, %add3A_161 : vector<16xf32>
      %add3A_656 = arith.addf %add3A_654, %mul3A_655 : vector<16xf32>
      %mul3A_657 = arith.mulf %add3A_172, %add3A_172 : vector<16xf32>
      %add3A_658 = arith.addf %add3A_656, %mul3A_657 : vector<16xf32>
      %mul3A_659 = arith.mulf %add3A_183, %add3A_183 : vector<16xf32>
      %add3A_660 = arith.addf %add3A_658, %mul3A_659 : vector<16xf32>
      %mul3A_661 = arith.mulf %add3A_194, %add3A_194 : vector<16xf32>
      %add3A_662 = arith.addf %add3A_660, %mul3A_661 : vector<16xf32>
      %mul3A_663 = arith.mulf %add3A_205, %add3A_205 : vector<16xf32>
      %add3A_664 = arith.addf %add3A_662, %mul3A_663 : vector<16xf32>
      %mul3A_665 = arith.mulf %add3A_216, %add3A_216 : vector<16xf32>
      %add3A_666 = arith.addf %add3A_664, %mul3A_665 : vector<16xf32>
      %mul3A_667 = arith.mulf %add3A_227, %add3A_227 : vector<16xf32>
      %add3A_668 = arith.addf %add3A_666, %mul3A_667 : vector<16xf32>
      %mul3A_669 = arith.mulf %add3A_238, %add3A_238 : vector<16xf32>
      %add3A_670 = arith.addf %add3A_668, %mul3A_669 : vector<16xf32>
      %mul3A_671 = arith.mulf %add3A_249, %add3A_249 : vector<16xf32>
      %add3A_672 = arith.addf %add3A_670, %mul3A_671 : vector<16xf32>
      %mul3A_673 = arith.mulf %add3A_260, %add3A_260 : vector<16xf32>
      %add3A_674 = arith.addf %add3A_672, %mul3A_673 : vector<16xf32>
      %mul3A_675 = arith.mulf %add3A_271, %add3A_271 : vector<16xf32>
      %add3A_676 = arith.addf %add3A_674, %mul3A_675 : vector<16xf32>
      %mul3A_677 = arith.mulf %add3A_282, %add3A_282 : vector<16xf32>
      %add3A_678 = arith.addf %add3A_676, %mul3A_677 : vector<16xf32>
      %mul3A_679 = arith.mulf %add3A_293, %add3A_293 : vector<16xf32>
      %add3A_680 = arith.addf %add3A_678, %mul3A_679 : vector<16xf32>
      %mul3A_681 = arith.mulf %add3A_304, %add3A_304 : vector<16xf32>
      %add3A_682 = arith.addf %add3A_680, %mul3A_681 : vector<16xf32>
      %iota3A_683 = tpu.iota {dimensions = array<i32: 0>} : vector<16xi32>
      %xor3A_684 = arith.constant 8 : i32
      %xor3A_685 = vector.broadcast %xor3A_684 : i32 to vector<16xi32>
      %xor3A_686 = arith.xori %iota3A_683, %xor3A_685 : vector<16xi32>
      %lt3A_687 = arith.constant 0 : i32
      %lt3A_688 = vector.broadcast %lt3A_687 : i32 to vector<16xi32>
      %lt3A_689 = arith.cmpi slt, %xor3A_686, %lt3A_688 : vector<16xi32>
      %add3A_690 = arith.constant 16 : i32
      %add3A_691 = vector.broadcast %add3A_690 : i32 to vector<16xi32>
      %add3A_692 = arith.addi %xor3A_686, %add3A_691 : vector<16xi32>
      %select_n3A_693 = arith.select %lt3A_689, %add3A_692, %xor3A_686 : vector<16xi1>, vector<16xi32>
      %broadcast_in_dim3A_694 = vector.shape_cast %select_n3A_693 : vector<16xi32> to vector<16x1xi32>
      %gather3A_695 = vector.shape_cast %broadcast_in_dim3A_694 : vector<16x1xi32> to vector<16xi32>
      %gather3A_696 = tpu.dynamic_gather %add3A_682[%gather3A_695] in [0] : vector<16xf32>, vector<16xi32> -> vector<16xf32>
      %add3A_697 = arith.addf %add3A_682, %gather3A_696 : vector<16xf32>
      %xor3A_698 = arith.constant 4 : i32
      %xor3A_699 = vector.broadcast %xor3A_698 : i32 to vector<16xi32>
      %xor3A_700 = arith.xori %iota3A_683, %xor3A_699 : vector<16xi32>
      %lt3A_701 = arith.constant 0 : i32
      %lt3A_702 = vector.broadcast %lt3A_701 : i32 to vector<16xi32>
      %lt3A_703 = arith.cmpi slt, %xor3A_700, %lt3A_702 : vector<16xi32>
      %add3A_704 = arith.constant 16 : i32
      %add3A_705 = vector.broadcast %add3A_704 : i32 to vector<16xi32>
      %add3A_706 = arith.addi %xor3A_700, %add3A_705 : vector<16xi32>
      %select_n3A_707 = arith.select %lt3A_703, %add3A_706, %xor3A_700 : vector<16xi1>, vector<16xi32>
      %broadcast_in_dim3A_708 = vector.shape_cast %select_n3A_707 : vector<16xi32> to vector<16x1xi32>
      %gather3A_709 = vector.shape_cast %broadcast_in_dim3A_708 : vector<16x1xi32> to vector<16xi32>
      %gather3A_710 = tpu.dynamic_gather %add3A_697[%gather3A_709] in [0] : vector<16xf32>, vector<16xi32> -> vector<16xf32>
      %add3A_711 = arith.addf %add3A_697, %gather3A_710 : vector<16xf32>
      %xor3A_712 = arith.constant 2 : i32
      %xor3A_713 = vector.broadcast %xor3A_712 : i32 to vector<16xi32>
      %xor3A_714 = arith.xori %iota3A_683, %xor3A_713 : vector<16xi32>
      %lt3A_715 = arith.constant 0 : i32
      %lt3A_716 = vector.broadcast %lt3A_715 : i32 to vector<16xi32>
      %lt3A_717 = arith.cmpi slt, %xor3A_714, %lt3A_716 : vector<16xi32>
      %add3A_718 = arith.constant 16 : i32
      %add3A_719 = vector.broadcast %add3A_718 : i32 to vector<16xi32>
      %add3A_720 = arith.addi %xor3A_714, %add3A_719 : vector<16xi32>
      %select_n3A_721 = arith.select %lt3A_717, %add3A_720, %xor3A_714 : vector<16xi1>, vector<16xi32>
      %broadcast_in_dim3A_722 = vector.shape_cast %select_n3A_721 : vector<16xi32> to vector<16x1xi32>
      %gather3A_723 = vector.shape_cast %broadcast_in_dim3A_722 : vector<16x1xi32> to vector<16xi32>
      %gather3A_724 = tpu.dynamic_gather %add3A_711[%gather3A_723] in [0] : vector<16xf32>, vector<16xi32> -> vector<16xf32>
      %add3A_725 = arith.addf %add3A_711, %gather3A_724 : vector<16xf32>
      %xor3A_726 = arith.constant 1 : i32
      %xor3A_727 = vector.broadcast %xor3A_726 : i32 to vector<16xi32>
      %xor3A_728 = arith.xori %iota3A_683, %xor3A_727 : vector<16xi32>
      %lt3A_729 = arith.constant 0 : i32
      %lt3A_730 = vector.broadcast %lt3A_729 : i32 to vector<16xi32>
      %lt3A_731 = arith.cmpi slt, %xor3A_728, %lt3A_730 : vector<16xi32>
      %add3A_732 = arith.constant 16 : i32
      %add3A_733 = vector.broadcast %add3A_732 : i32 to vector<16xi32>
      %add3A_734 = arith.addi %xor3A_728, %add3A_733 : vector<16xi32>
      %select_n3A_735 = arith.select %lt3A_731, %add3A_734, %xor3A_728 : vector<16xi1>, vector<16xi32>
      %broadcast_in_dim3A_736 = vector.shape_cast %select_n3A_735 : vector<16xi32> to vector<16x1xi32>
      %gather3A_737 = vector.shape_cast %broadcast_in_dim3A_736 : vector<16x1xi32> to vector<16xi32>
      %gather3A_738 = tpu.dynamic_gather %add3A_725[%gather3A_737] in [0] : vector<16xf32>, vector<16xi32> -> vector<16xf32>
      %add3A_739 = arith.addf %add3A_725, %gather3A_738 : vector<16xf32>
      %gt3A = arith.constant 0.000000e+00 : f32
      %gt3A_740 = vector.broadcast %gt3A : f32 to vector<16xf32>
      %gt3A_741 = arith.cmpf ogt, %add3A_563, %gt3A_740 : vector<16xf32>
      %bitcast_convert_type3A = tpu.bitcast %add3A_563 : vector<16xf32> -> vector<16xi32>
      %shift_right_logical3A = arith.constant 1 : i32
      %shift_right_logical3A_742 = vector.broadcast %shift_right_logical3A : i32 to vector<16xi32>
      %shift_right_logical3A_743 = arith.shrui %bitcast_convert_type3A, %shift_right_logical3A_742 : vector<16xi32>
      %sub3A = arith.constant 1597463007 : i32
      %sub3A_744 = vector.broadcast %sub3A : i32 to vector<16xi32>
      %sub3A_745 = arith.subi %sub3A_744, %shift_right_logical3A_743 : vector<16xi32>
      %bitcast_convert_type3A_746 = tpu.bitcast %sub3A_745 : vector<16xi32> -> vector<16xf32>
      %mul3A_747 = arith.constant 5.000000e-01 : f32
      %mul3A_748 = vector.broadcast %mul3A_747 : f32 to vector<16xf32>
      %mul3A_749 = arith.mulf %mul3A_748, %add3A_563 : vector<16xf32>
      %mul3A_750 = arith.mulf %mul3A_749, %bitcast_convert_type3A_746 : vector<16xf32>
      %mul3A_751 = arith.mulf %mul3A_750, %bitcast_convert_type3A_746 : vector<16xf32>
      %sub3A_752 = arith.constant 1.500000e+00 : f32
      %sub3A_753 = vector.broadcast %sub3A_752 : f32 to vector<16xf32>
      %sub3A_754 = arith.subf %sub3A_753, %mul3A_751 : vector<16xf32>
      %mul3A_755 = arith.mulf %bitcast_convert_type3A_746, %sub3A_754 : vector<16xf32>
      %mul3A_756 = arith.constant 5.000000e-01 : f32
      %mul3A_757 = vector.broadcast %mul3A_756 : f32 to vector<16xf32>
      %mul3A_758 = arith.mulf %mul3A_757, %add3A_563 : vector<16xf32>
      %mul3A_759 = arith.mulf %mul3A_758, %mul3A_755 : vector<16xf32>
      %mul3A_760 = arith.mulf %mul3A_759, %mul3A_755 : vector<16xf32>
      %sub3A_761 = arith.constant 1.500000e+00 : f32
      %sub3A_762 = vector.broadcast %sub3A_761 : f32 to vector<16xf32>
      %sub3A_763 = arith.subf %sub3A_762, %mul3A_760 : vector<16xf32>
      %mul3A_764 = arith.mulf %mul3A_755, %sub3A_763 : vector<16xf32>
      %mul3A_765 = arith.constant 5.000000e-01 : f32
      %mul3A_766 = vector.broadcast %mul3A_765 : f32 to vector<16xf32>
      %mul3A_767 = arith.mulf %mul3A_766, %add3A_563 : vector<16xf32>
      %mul3A_768 = arith.mulf %mul3A_767, %mul3A_764 : vector<16xf32>
      %mul3A_769 = arith.mulf %mul3A_768, %mul3A_764 : vector<16xf32>
      %sub3A_770 = arith.constant 1.500000e+00 : f32
      %sub3A_771 = vector.broadcast %sub3A_770 : f32 to vector<16xf32>
      %sub3A_772 = arith.subf %sub3A_771, %mul3A_769 : vector<16xf32>
      %mul3A_773 = arith.mulf %mul3A_764, %sub3A_772 : vector<16xf32>
      %mul3A_774 = arith.constant 5.000000e-01 : f32
      %mul3A_775 = vector.broadcast %mul3A_774 : f32 to vector<16xf32>
      %mul3A_776 = arith.mulf %mul3A_775, %add3A_563 : vector<16xf32>
      %mul3A_777 = arith.mulf %mul3A_776, %mul3A_773 : vector<16xf32>
      %mul3A_778 = arith.mulf %mul3A_777, %mul3A_773 : vector<16xf32>
      %sub3A_779 = arith.constant 1.500000e+00 : f32
      %sub3A_780 = vector.broadcast %sub3A_779 : f32 to vector<16xf32>
      %sub3A_781 = arith.subf %sub3A_780, %mul3A_778 : vector<16xf32>
      %mul3A_782 = arith.mulf %mul3A_773, %sub3A_781 : vector<16xf32>
      %mul3A_783 = arith.mulf %add3A_563, %mul3A_782 : vector<16xf32>
      %jit3A = arith.constant 0.000000e+00 : f32
      %broadcast_in_dim3A_784 = vector.broadcast %jit3A : f32 to vector<16xf32>
      %select_n3A_785 = arith.select %gt3A_741, %mul3A_783, %broadcast_in_dim3A_784 : vector<16xi1>, vector<16xf32>
      %gt3A_786 = arith.constant 0.000000e+00 : f32
      %gt3A_787 = vector.broadcast %gt3A_786 : f32 to vector<16xf32>
      %gt3A_788 = arith.cmpf ogt, %add3A_651, %gt3A_787 : vector<16xf32>
      %bitcast_convert_type3A_789 = tpu.bitcast %add3A_651 : vector<16xf32> -> vector<16xi32>
      %shift_right_logical3A_790 = arith.constant 1 : i32
      %shift_right_logical3A_791 = vector.broadcast %shift_right_logical3A_790 : i32 to vector<16xi32>
      %shift_right_logical3A_792 = arith.shrui %bitcast_convert_type3A_789, %shift_right_logical3A_791 : vector<16xi32>
      %sub3A_793 = arith.constant 1597463007 : i32
      %sub3A_794 = vector.broadcast %sub3A_793 : i32 to vector<16xi32>
      %sub3A_795 = arith.subi %sub3A_794, %shift_right_logical3A_792 : vector<16xi32>
      %bitcast_convert_type3A_796 = tpu.bitcast %sub3A_795 : vector<16xi32> -> vector<16xf32>
      %mul3A_797 = arith.constant 5.000000e-01 : f32
      %mul3A_798 = vector.broadcast %mul3A_797 : f32 to vector<16xf32>
      %mul3A_799 = arith.mulf %mul3A_798, %add3A_651 : vector<16xf32>
      %mul3A_800 = arith.mulf %mul3A_799, %bitcast_convert_type3A_796 : vector<16xf32>
      %mul3A_801 = arith.mulf %mul3A_800, %bitcast_convert_type3A_796 : vector<16xf32>
      %sub3A_802 = arith.constant 1.500000e+00 : f32
      %sub3A_803 = vector.broadcast %sub3A_802 : f32 to vector<16xf32>
      %sub3A_804 = arith.subf %sub3A_803, %mul3A_801 : vector<16xf32>
      %mul3A_805 = arith.mulf %bitcast_convert_type3A_796, %sub3A_804 : vector<16xf32>
      %mul3A_806 = arith.constant 5.000000e-01 : f32
      %mul3A_807 = vector.broadcast %mul3A_806 : f32 to vector<16xf32>
      %mul3A_808 = arith.mulf %mul3A_807, %add3A_651 : vector<16xf32>
      %mul3A_809 = arith.mulf %mul3A_808, %mul3A_805 : vector<16xf32>
      %mul3A_810 = arith.mulf %mul3A_809, %mul3A_805 : vector<16xf32>
      %sub3A_811 = arith.constant 1.500000e+00 : f32
      %sub3A_812 = vector.broadcast %sub3A_811 : f32 to vector<16xf32>
      %sub3A_813 = arith.subf %sub3A_812, %mul3A_810 : vector<16xf32>
      %mul3A_814 = arith.mulf %mul3A_805, %sub3A_813 : vector<16xf32>
      %mul3A_815 = arith.constant 5.000000e-01 : f32
      %mul3A_816 = vector.broadcast %mul3A_815 : f32 to vector<16xf32>
      %mul3A_817 = arith.mulf %mul3A_816, %add3A_651 : vector<16xf32>
      %mul3A_818 = arith.mulf %mul3A_817, %mul3A_814 : vector<16xf32>
      %mul3A_819 = arith.mulf %mul3A_818, %mul3A_814 : vector<16xf32>
      %sub3A_820 = arith.constant 1.500000e+00 : f32
      %sub3A_821 = vector.broadcast %sub3A_820 : f32 to vector<16xf32>
      %sub3A_822 = arith.subf %sub3A_821, %mul3A_819 : vector<16xf32>
      %mul3A_823 = arith.mulf %mul3A_814, %sub3A_822 : vector<16xf32>
      %mul3A_824 = arith.constant 5.000000e-01 : f32
      %mul3A_825 = vector.broadcast %mul3A_824 : f32 to vector<16xf32>
      %mul3A_826 = arith.mulf %mul3A_825, %add3A_651 : vector<16xf32>
      %mul3A_827 = arith.mulf %mul3A_826, %mul3A_823 : vector<16xf32>
      %mul3A_828 = arith.mulf %mul3A_827, %mul3A_823 : vector<16xf32>
      %sub3A_829 = arith.constant 1.500000e+00 : f32
      %sub3A_830 = vector.broadcast %sub3A_829 : f32 to vector<16xf32>
      %sub3A_831 = arith.subf %sub3A_830, %mul3A_828 : vector<16xf32>
      %mul3A_832 = arith.mulf %mul3A_823, %sub3A_831 : vector<16xf32>
      %mul3A_833 = arith.mulf %add3A_651, %mul3A_832 : vector<16xf32>
      %jit3A_834 = arith.constant 0.000000e+00 : f32
      %broadcast_in_dim3A_835 = vector.broadcast %jit3A_834 : f32 to vector<16xf32>
      %select_n3A_836 = arith.select %gt3A_788, %mul3A_833, %broadcast_in_dim3A_835 : vector<16xi1>, vector<16xf32>
      %gt3A_837 = arith.constant 0.000000e+00 : f32
      %gt3A_838 = vector.broadcast %gt3A_837 : f32 to vector<16xf32>
      %gt3A_839 = arith.cmpf ogt, %add3A_739, %gt3A_838 : vector<16xf32>
      %bitcast_convert_type3A_840 = tpu.bitcast %add3A_739 : vector<16xf32> -> vector<16xi32>
      %shift_right_logical3A_841 = arith.constant 1 : i32
      %shift_right_logical3A_842 = vector.broadcast %shift_right_logical3A_841 : i32 to vector<16xi32>
      %shift_right_logical3A_843 = arith.shrui %bitcast_convert_type3A_840, %shift_right_logical3A_842 : vector<16xi32>
      %sub3A_844 = arith.constant 1597463007 : i32
      %sub3A_845 = vector.broadcast %sub3A_844 : i32 to vector<16xi32>
      %sub3A_846 = arith.subi %sub3A_845, %shift_right_logical3A_843 : vector<16xi32>
      %bitcast_convert_type3A_847 = tpu.bitcast %sub3A_846 : vector<16xi32> -> vector<16xf32>
      %mul3A_848 = arith.constant 5.000000e-01 : f32
      %mul3A_849 = vector.broadcast %mul3A_848 : f32 to vector<16xf32>
      %mul3A_850 = arith.mulf %mul3A_849, %add3A_739 : vector<16xf32>
      %mul3A_851 = arith.mulf %mul3A_850, %bitcast_convert_type3A_847 : vector<16xf32>
      %mul3A_852 = arith.mulf %mul3A_851, %bitcast_convert_type3A_847 : vector<16xf32>
      %sub3A_853 = arith.constant 1.500000e+00 : f32
      %sub3A_854 = vector.broadcast %sub3A_853 : f32 to vector<16xf32>
      %sub3A_855 = arith.subf %sub3A_854, %mul3A_852 : vector<16xf32>
      %mul3A_856 = arith.mulf %bitcast_convert_type3A_847, %sub3A_855 : vector<16xf32>
      %mul3A_857 = arith.constant 5.000000e-01 : f32
      %mul3A_858 = vector.broadcast %mul3A_857 : f32 to vector<16xf32>
      %mul3A_859 = arith.mulf %mul3A_858, %add3A_739 : vector<16xf32>
      %mul3A_860 = arith.mulf %mul3A_859, %mul3A_856 : vector<16xf32>
      %mul3A_861 = arith.mulf %mul3A_860, %mul3A_856 : vector<16xf32>
      %sub3A_862 = arith.constant 1.500000e+00 : f32
      %sub3A_863 = vector.broadcast %sub3A_862 : f32 to vector<16xf32>
      %sub3A_864 = arith.subf %sub3A_863, %mul3A_861 : vector<16xf32>
      %mul3A_865 = arith.mulf %mul3A_856, %sub3A_864 : vector<16xf32>
      %mul3A_866 = arith.constant 5.000000e-01 : f32
      %mul3A_867 = vector.broadcast %mul3A_866 : f32 to vector<16xf32>
      %mul3A_868 = arith.mulf %mul3A_867, %add3A_739 : vector<16xf32>
      %mul3A_869 = arith.mulf %mul3A_868, %mul3A_865 : vector<16xf32>
      %mul3A_870 = arith.mulf %mul3A_869, %mul3A_865 : vector<16xf32>
      %sub3A_871 = arith.constant 1.500000e+00 : f32
      %sub3A_872 = vector.broadcast %sub3A_871 : f32 to vector<16xf32>
      %sub3A_873 = arith.subf %sub3A_872, %mul3A_870 : vector<16xf32>
      %mul3A_874 = arith.mulf %mul3A_865, %sub3A_873 : vector<16xf32>
      %mul3A_875 = arith.constant 5.000000e-01 : f32
      %mul3A_876 = vector.broadcast %mul3A_875 : f32 to vector<16xf32>
      %mul3A_877 = arith.mulf %mul3A_876, %add3A_739 : vector<16xf32>
      %mul3A_878 = arith.mulf %mul3A_877, %mul3A_874 : vector<16xf32>
      %mul3A_879 = arith.mulf %mul3A_878, %mul3A_874 : vector<16xf32>
      %sub3A_880 = arith.constant 1.500000e+00 : f32
      %sub3A_881 = vector.broadcast %sub3A_880 : f32 to vector<16xf32>
      %sub3A_882 = arith.subf %sub3A_881, %mul3A_879 : vector<16xf32>
      %mul3A_883 = arith.mulf %mul3A_874, %sub3A_882 : vector<16xf32>
      %mul3A_884 = arith.mulf %add3A_739, %mul3A_883 : vector<16xf32>
      %jit3A_885 = arith.constant 0.000000e+00 : f32
      %broadcast_in_dim3A_886 = vector.broadcast %jit3A_885 : f32 to vector<16xf32>
      %select_n3A_887 = arith.select %gt3A_839, %mul3A_884, %broadcast_in_dim3A_886 : vector<16xi1>, vector<16xf32>
      %mul3A_888 = arith.mulf %select_n3A_785, %select_n3A_887 : vector<16xf32>
      %max3A = arith.constant 9.99999993E-9 : f32
      %max3A_889 = vector.broadcast %max3A : f32 to vector<16xf32>
      %max3A_890 = arith.maximumf %mul3A_888, %max3A_889 : vector<16xf32>
      %mul3A_891 = arith.mulf %select_n3A_785, %select_n3A_836 : vector<16xf32>
      %max3A_892 = arith.constant 9.99999993E-9 : f32
      %max3A_893 = vector.broadcast %max3A_892 : f32 to vector<16xf32>
      %max3A_894 = arith.maximumf %mul3A_891, %max3A_893 : vector<16xf32>
      %div3A = arith.divf %add3A_387, %max3A_890 : vector<16xf32>
      %div3A_895 = arith.divf %add3A_475, %max3A_894 : vector<16xf32>
      %sub3A_896 = arith.subf %div3A, %div3A_895 : vector<16xf32>
      %add3A_897 = arith.constant 1.000000e-01 : f32
      %add3A_898 = vector.broadcast %add3A_897 : f32 to vector<16xf32>
      %add3A_899 = arith.addf %sub3A_896, %add3A_898 : vector<16xf32>
      %max3A_900 = arith.constant 0.000000e+00 : f32
      %max3A_901 = vector.broadcast %max3A_900 : f32 to vector<16xf32>
      %max3A_902 = arith.maximumf %add3A_899, %max3A_901 : vector<16xf32>
      %swap3A = arith.constant 0 : index
      %swap3A_903 = tpu.vector_load %arg12[%swap3A] {strides = array<i32>} : memref<16xf32, #tpu.memory_space<vmem>>, vector<16xf32>,
      %swap3A_904 = vector.shape_cast %swap3A_903 : vector<16xf32> to vector<16xf32>
      %swap3A_905 = vector.shape_cast %max3A_902 : vector<16xf32> to vector<16xf32>
      tpu.vector_store %arg12[%swap3A], %swap3A_905 {strides = array<i32>} : memref<16xf32, #tpu.memory_space<vmem>>, vector<16xf32>,
      "tpu.region"() ({
        %run_scoped3A = tpu.sem_alloc : memref<!tpu.dma_semaphore, #tpu.memory_space<semaphore_mem>>
        tpu.enqueue_dma source(%arg12 : memref<16xf32, #tpu.memory_space<vmem>>) target(%arg7 : memref<16xf32, #tpu.memory_space<hbm>>) target_semaphore(%run_scoped3A : memref<!tpu.dma_semaphore, #tpu.memory_space<semaphore_mem>>)
        tpu.wait_dma2 semaphore(%run_scoped3A : memref<!tpu.dma_semaphore, #tpu.memory_space<semaphore_mem>>) src(%arg12 : memref<16xf32, #tpu.memory_space<vmem>>) dst(%arg7 : memref<16xf32, #tpu.memory_space<hbm>>)
        tpu.yield
      }) : () -> ()
    } else {
    }
    return
  }
}

</mosaic_0001>

<sc_bundles>
// kernel: kernel.3.cloned.1.call-start
scs
__scs_entry_jumppad:
0x0: {  	(pc) =	sbr.rel $0x88, $3  }
0x1: {  	(tag) =	ssettag $0x0;
	lr =	simm.s32 $0x1  }
0x2: {  	[smem:$0x3F9C] =	sst lr;
	_ =	strace $0xD0000000  }
0x3: {  	_ = 	snop  }
0x4: {  	_ = 	snop  }
0x5: {  	_ = 	snop  }
0x6: {  	_ = 	snop  }
0x7: {  	_ = 	snop  }
__scs_overlays_trampoline_lowered:
0x8: {  	[smem:$0x3FAB] =	sst s0  }
0x9: {  	[smem:$0x3FAC] =	sst s1  }
0xa: {  	[smem:$0x3FAD] =	sst s2  }
0xb: {  	[smem:$0x3FAE] =	sst s3  }
0xc: {  	[smem:$0x3FAF] =	sst s4  }
0xd: {  	[smem:$0x3FB0] =	sst s5  }
0xe: {  	[smem:$0x3FB1] =	sst s6  }
0xf: {  	[smem:$0x3FB2] =	sst s7  }
0x10: {  	[smem:$0x3FB3] =	sst s8  }
0x11: {  	[smem:$0x3FB4] =	sst s9;
	s0 =	simm.s32 @!p0 $0x0  }
0x12: {  	s1 =	sld [smem:$0x3F9A];
	s0 =	simm.s32 @p0 $0x1  }
0x13: {  	[smem:$0x3FB5] =	sst s0;
	s0 =	simm.s32 @!p1 $0x0  }
0x14: {  	s2 =	sld [smem:$0x3F99];
	s0 =	simm.s32 @p1 $0x1  }
0x15: {  	[smem:$0x3FB6] =	sst s0;
	s0 =	simm.s32 @!p2 $0x0  }
0x16: {  	s3 =	sld [smem:$0x3FDB];
	s0 =	simm.s32 @p2 $0x1  }
0x17: {  	s4 =	simm.s32 $0x1BF5;
	[smem:$0x3FB8] =	sst s0  }
0x18: {  	s0 =	sld [smem:$0x3F9B];
	_ =	swait.ge [sflag:s4], $0x0  }
0x19: {  	s7 =	sld [smem:$0x3F9C]  }
0x1a: {  	s8 =	sadd.s32 $0xFFFFE003, lr  }
0x1b: {  	s9 =	sadd.s32 $0xFFFFFEF7, lr;
	s5 =	simm.s32 $0xFFFFFFFF;
	p2 =	slt.u32 s8, $0xFFFFF086  }
0x1c: {  	p1 =	slt.u32 s9, $0xF7A;
	s5 =	simm.s32 @!p2 $0x0  }
0x1d: {  	s5 =	simm.s32 @p1 $0x1;
	p0 =	seq.s32 s7, s2  }
0x1e: {  	s7 =	smul.u32 @!p0 $0xF7A, s2;
	p2 =	seq.s32 @!p0 s5, $0x0  }
0x1f: {  	s9 =	smul.u32 $0xF7A, s1;
	s8 =	simm.s32 @!p0 $0x1BF5;
	p2 =	por !p2, p0  }
0x20: {  	[sflag:s8] =	ssyncset.s32 @!p0 $0xFFFFF086;
	s6 =	sadd.s32 @!p0 s3, s7;
	s7 =	simm.s32 @!p0 $0x108  }
0x21: {  	s3 =	sadd.s32 s3, s9;
	s6 =	sadd.s32 @!p0 $0x88, s6;
	s7 =	simm.s32 @p2 $0x1082  }
0x22: {  	[simem:s7], [sflag:s8] =	dma.local @!p0 [hbm:s6], $0xF7A  }
0x23: {  	s9 =	sor.u32 $0xD0000000, s2;
	s6 =	simm.s32 $0x108;
	_ =	swait.ge @!p0 [sflag:s8], $0x0  }
0x24: {  	s3 =	sadd.s32 $0x88, s3;
	s6 =	simm.s32 @!p1 $0x1082;
	[sflag:s4] =	ssyncset.s32 $0xFFFFF086  }
0x25: {  	[simem:s6], [sflag:s4] =	dma.local [hbm:s3], $0xF7A  }
0x26: {  	[smem:$0x3F9C] =	sst s1;
	(tag) =	ssettag s2;
	_ =	strace s9  }
0x27: {  	s1 =	sld [smem:$0x3FAC]  }
0x28: {  	s2 =	sld [smem:$0x3FAD]  }
0x29: {  	s4 =	sld [smem:$0x3FAF]  }
0x2a: {  	p0 =	seq.s32 s5, $0x0;
	s5 =	sld [smem:$0x3FB0]  }
0x2b: {  	s6 =	sld [smem:$0x3FB1]  }
0x2c: {  	s7 =	sld [smem:$0x3FB2]  }
0x2d: {  	s3 =	simm.s32 $0x108;
	s8 =	sld [smem:$0x3FB3]  }
0x2e: {  	s3 =	simm.s32 @!p0 $0x1082;
	s9 =	sld [smem:$0x3FB4]  }
0x2f: {  	lr =	sadd.s32 s0, s3;
	s0 =	sld [smem:$0x3FAB]  }
0x30: {  	s3 =	sld [smem:$0x3FAE]  }
0x31: {  	[smem:$0x3FB7] =	sst s10  }
0x32: {  	s10 =	sld [smem:$0x3FB5];
	_ =	sdelay $0x3  }
0x33: {  	p0 =	seq.s32 s10, $0x1;
	s10 =	sld [smem:$0x3FB7];
	_ =	sdelay $0x3  }
0x34: {  	[smem:$0x3FB7] =	sst s10  }
0x35: {  	s10 =	sld [smem:$0x3FB6];
	_ =	sdelay $0x3  }
0x36: {  	p1 =	seq.s32 s10, $0x1;
	s10 =	sld [smem:$0x3FB7];
	_ =	sdelay $0x3  }
0x37: {  	[smem:$0x3FB7] =	sst s10  }
0x38: {  	s10 =	sld [smem:$0x3FB8]  }
0x39: {  	_ = 	snop;
	(pc) =	sbr.ind lr, $3  }
0x3a: {  	_ = 	snop  }
0x3b: {  	_ = 	snop  }
0x3c: {  	p2 =	seq.s32 s10, $0x1;
	s10 =	sld [smem:$0x3FB7]  }
0x3d: {  	_ =	shalt  }
0x3e: {  	_ =	shalt  }
0x3f: {  	_ =	shalt  }
0x40: {  	_ =	shalt  }
0x41: {  	_ =	shalt  }
0x42: {  	_ =	shalt  }
0x43: {  	_ =	shalt  }
0x44: {  	_ =	shalt  }
0x45: {  	_ =	shalt  }
0x46: {  	_ =	shalt  }
0x47: {  	_ =	shalt  }
0x48: {  	_ =	shalt  }
0x49: {  	_ =	shalt  }
0x4a: {  	_ =	shalt  }
0x4b: {  	_ =	shalt  }
0x4c: {  	_ =	shalt  }
0x4d: {  	_ =	shalt  }
0x4e: {  	_ =	shalt  }
0x4f: {  	_ =	shalt  }
0x50: {  	_ =	shalt  }
0x51: {  	_ =	shalt  }
0x52: {  	_ =	shalt  }
0x53: {  	_ =	shalt  }
0x54: {  	_ =	shalt  }
0x55: {  	_ =	shalt  }
0x56: {  	_ =	shalt  }
0x57: {  	_ =	shalt  }
0x58: {  	_ =	shalt  }
0x59: {  	_ =	shalt  }
0x5a: {  	_ =	shalt  }
0x5b: {  	_ =	shalt  }
0x5c: {  	_ =	shalt  }
0x5d: {  	_ =	shalt  }
0x5e: {  	_ =	shalt  }
0x5f: {  	_ =	shalt  }
0x60: {  	_ =	shalt  }
0x61: {  	_ =	shalt  }
0x62: {  	_ =	shalt  }
0x63: {  	_ =	shalt  }
0x64: {  	_ =	shalt  }
0x65: {  	_ =	shalt  }
0x66: {  	_ =	shalt  }
0x67: {  	_ =	shalt  }
0x68: {  	_ =	shalt  }
0x69: {  	_ =	shalt  }
0x6a: {  	_ =	shalt  }
0x6b: {  	_ =	shalt  }
0x6c: {  	_ =	shalt  }
0x6d: {  	_ =	shalt  }
0x6e: {  	_ =	shalt  }
0x6f: {  	_ =	shalt  }
0x70: {  	_ =	shalt  }
0x71: {  	_ =	shalt  }
0x72: {  	_ =	shalt  }
0x73: {  	_ =	shalt  }
0x74: {  	_ =	shalt  }
0x75: {  	_ =	shalt  }
0x76: {  	_ =	shalt  }
0x77: {  	_ =	shalt  }
0x78: {  	_ =	shalt  }
0x79: {  	_ =	shalt  }
0x7a: {  	_ =	shalt  }
0x7b: {  	_ =	shalt  }
0x7c: {  	_ =	shalt  }
0x7d: {  	_ =	shalt  }
0x7e: {  	_ =	shalt  }
0x7f: {  	_ =	shalt  }
0x80: {  	_ =	shalt  }
0x81: {  	_ =	shalt  }
0x82: {  	_ =	shalt  }
0x83: {  	_ =	shalt  }
0x84: {  	_ =	shalt  }
0x85: {  	_ =	shalt  }
0x86: {  	_ =	shalt  }
0x87: {  	_ =	shalt  }
.Lfunc_end0:
.L_simem_size_0:
called_computation_lowered:
.L_overlay_start_0:
0x88: {  	s0 =	sld [smem:$0x3FD9]  }
0x89: {  	s1 =	sld [smem:$0x3FFE];
	_ =	sdelay $0x3  }
0x8a: {  	s0 =	sadd.s32 s1, s0  }
0x8b: {  	[smem:$0x3FC3] =	sst s0  }
0x8c: {  	_ = 	snop  }
0x8d: {  	s0 =	sld [smem:$0x3FC9]  }
0x8e: {  	s17 =	sld [smem:$0x3FC8]  }
0x8f: {  	s2 =	sld [smem:$0x3FC7]  }
0x90: {  	s3 =	sld [smem:$0x3FC6]  }
0x91: {  	s4 =	sld [smem:$0x3FC5]  }
0x92: {  	s5 =	sld [smem:$0x3FD0];
	(tm) =	ssettm $0x1  }
0x93: {  	s6 =	sld [smem:$0x3FFB];
	_ =	sdelay $0x3  }
0x94: {  	_ =	strace s6  }
0x95: {  	s6 =	sld [smem:$0x3FFC];
	_ =	sdelay $0x3  }
0x96: {  	_ =	strace s6  }
0x97: {  	s6 =	sld [smem:$0x3FFD];
	_ =	sdelay $0x3  }
0x98: {  	_ =	strace s6  }
0x99: {  	_ =	strace $0x8FFFFFFF  }
0x9a: {  	s18 =	sld [smem:$0x3FDB];
	_ =	sdelay $0x1  }
0x9b: {  	s7 =	simm.s32 $_scs_section_size  }
0x9c: {  	s8 =	simm.s32 $_size__tile_overlayer_lowered;
	s9 =	simm.s32 $_tile_overlayer_lowered  }
0x9d: {  	s21 =	simm.s32 $0x1BFF;
	s20 =	sshll.u32 s9, $0x1;
	s6 =	sadd.s32 s7, s18  }
0x9e: {  	s10 =	simm.s32 $0x0;
	s19 =	sshll.u32 s8, $0x1;
	s8 =	sadd.s32 s20, s6  }
0x9f: {  	[timem:s10], [sflag:s21] =	dma.local [hbm:s8], s19  }
0xa0: {  	_ =	swait.ge [sflag:s21], s19  }
0xa1: {  	s7 =	ssub.s32 $0x0, s19;
	[sflag:s21] =	ssyncset.done $0x0  }
0xa2: {  	[sflag:s21] =	ssyncadd.s32 s7;
	_ =	sdelay $0x1  }
0xa3: {  	s22 =	simm.s32 $0x1B8B  }
0xa4: {  	_ =	swait.ge [sflag:s22], $0x1  }
0xa5: {  	[sflag:s22] =	ssyncset.done $0x0  }
0xa6: {  	s23 =	simm.s32 $0x1B8E;
	[sflag:s22] =	ssyncadd.s32 $0xFFFFFFFF  }
0xa7: {  	s24 =	simm.s32 $execute0_lowered;
	[smem:$0x3FD2] =	sst s23  }
0xa8: {  	s7 =	sshll.u32 s24, $0x1;
	_ =	strace $0x80000046;
	[dreg:$0x1] =	wrdreg $0xFFFFFFFF  }
0xa9: {  	s25 =	simm.s32 $_size_execute0_lowered;
	s6 =	sadd.s32 s6, s7;
	[dreg:$0x0] =	wrdreg $0x0  }
0xaa: {  	s7 =	sshll.u32 s25, $0x1;
	[dreg:$0x2] =	wrdreg s6  }
0xab: {  	[dreg:$0x3] =	wrdreg s7  }
0xac: {  	[dreg:$0x4] =	wrdreg $0xC0  }
0xad: {  	_ =	task [dreg:s10], $0x5FFFF  }
0xae: {  	[dreg:$0x1] =	wrdreg $0xFFFFFFFF  }
0xaf: {  	[dreg:$0x0] =	wrdreg $0x60  }
0xb0: {  	[dreg:$0x2] =	wrdreg s0  }
0xb1: {  	[dreg:$0x3] =	wrdreg s17  }
0xb2: {  	[dreg:$0x4] =	wrdreg s2  }
0xb3: {  	[dreg:$0x5] =	wrdreg s3  }
0xb4: {  	[dreg:$0x6] =	wrdreg s4  }
0xb5: {  	[dreg:$0x7] =	wrdreg s5  }
0xb6: {  	[dreg:$0x8] =	wrdreg $0x32000  }
0xb7: {  	[dreg:$0x9] =	wrdreg $0x9  }
0xb8: {  	_ =	task.clear_ibuf [dreg:s10], $0xAFFFF;
	_ =	strace $0x90000046  }
0xb9: {  	s26 =	simm.s32 $0x9;
	_ =	strace $0x80000048  }
0xba: {  	_ =	swait.ge [sflag:s26], $0x1  }
0xbb: {  	[sflag:s26] =	ssyncadd.s32 $0xFFFFFFFF  }
0xbc: {  	_ =	strace $0x90000048  }
0xbd: {  	_ =	sfence  }
0xbe: {  	s28 =	sld [smem:$0x0];
	_ =	sdelay $0x1  }
0xbf: {  	s29 =	srdreg.scid  }
0xc0: {  	s30 =	sshll.u32 s29, $0xD;
	s31 =	sshrl.u32 s29, $0x2  }
0xc1: {  	s1 =	sand.u32 $0x1, s29;
	s2 =	sand.u32 $0x4000, s30;
	s0 =	sadd.s32 s31, s28  }
0xc2: {  	s1 =	sor.u32 s2, s1;
	s0 =	sshll.u32 s0, $0x11  }
0xc3: {  	s0 =	sor.u32 s0, s1  }
0xc4: {  	s0 =	sadd.s32 $0x8F2B, s0  }
0xc5: {  	[sflag:s0] =	ssyncadd.remote.s32 $0x1  }
0xc6: {  	_ =	sfence.sel $0xFFFF  }
0xc7: {  	[dreg:$0x0] =	wrdreg $0xFFFFFFFF;
	(pc) =	sbr.abs _section_cstart, $3  }
0xc8: {  	[dreg:$0x1] =	wrdreg $0xFFFFFFFF  }
0xc9: {  	_ =	task.clear_ibuf [dreg:s10], $0x2FFFF;
	_ =	strace $0x9FFFFFFF  }
0xca: {  	(tm) =	ssettm $0x7FFFFFFF  }
0xcb: {  	_ =	shalt  }
tec
execute0_lowered:
.L_overlay_start_1:
0x0: {  	(tag) =	ssettag $0x1  }
0x1: {  	s10 =	rddreg [dreg:$0x0]  }
0x2: {  	s9 =	rddreg [dreg:$0x1]  }
0x3: {  	s8 =	rddreg [dreg:$0x2];
	s1 =	stileid.u32  }
0x4: {  	s6 =	rddreg [dreg:$0x3];
	p0 =	sgt.u32 s1, $0xC  }
.Ltmp0:
0x5: {  	s5 =	rddreg [dreg:$0x4];
	(pc) =	sbr.rel @p0 .LBB2_10-.Ltmp0, $4  }
0x6: {  	s2 =	rddreg [dreg:$0x5]  }
0x7: {  	s3 =	rddreg [dreg:$0x6];
	s7 =	simm.s32 $0x0;
	s4 =	sshll.u32 s1, $0x7  }
0x8: {  	[smem:$0x7FF] =	sst s7;
	s4 =	sand.u32 $0x380, s4  }
0x9: {  	s0 =	rddreg [dreg:$0x7];
	_ =	strace $0x80000047;
	s4 =	sadd.s32 s4, s3  }
0xa: {  	p0 =	seq.s32 s1, $0xC;
	s5 =	sshll.u32 s1, $0x1  }
0xb: {  	s5 =	simm.s32 @p0 $0x17  }
0xc: {  	s25 =	simm.s32 $0x2;
	s5 =	sadd.s32 s10, s5  }
0xd: {  	[tilespmem:s7], [sflag:$0x2] =	stream.linear.gather [hbm4b:s5+s7], $0x10, $0x38;
	[tilespmem:$0x3300] =	vst v63  }
0xe: {  	_ =	swait.ge [sflag:s25], $0x10  }
0xf: {  	[sflag:s25] =	ssyncset.done $0x0  }
0x10: {  	[sflag:s25] =	ssyncadd.s32 $0xFFFFFFF0  }
0x11: {  	v0 =	vld [tilespmem:$0x0];
	_ =	sdelay $0x4  }
0x12: {  	v1 =	vshll.u32 v0, $0x1  }
0x13: {  	v2 =	vlaneseq.u32;
	v0 =	vand.u32 $0x7, v0;
	v1 =	vand.u32 $0xFFFFFFF0, v1  }
0x14: {  	v3 =	vshrl.u32 v2, $0x3;
	v0 =	vor.u32 v0, v1;
	v1 =	vand.u32 $0x7, v2  }
0x15: {  	v3 =	vmul.u32 $0x8, v3;
	v1 =	vperm.xlane v0, v1  }
0x16: {  	v2 =	vor.u32 $0x8, v2  }
0x17: {  	v0 =	vperm.xlane v0, v2;
	v1 =	vadd.s32 v3, v1;
	_ =	sdelay $0x1  }
0x18: {  	v0 =	vadd.s32 v3, v0;
	_ =	sdelay $0x1  }
0x19: {  	vm0 =	vmmov $0xffff;
	s26 =	simm.s32 $0x80  }
0x1a: {  	[tilespmem:s26], [sflag:$0x1] =	stream.indirect_vreg.gather [hbm4b:s6+s7], $0x80, v1, vm0, $0xb8;
	[tilespmem:$0x3300] =	vst v63  }
0x1b: {  	s28 =	simm.s32 $0x880  }
0x1c: {  	[tilespmem:s28], [sflag:$0x1] =	stream.indirect_vreg.gather [hbm4b:s6+s7], $0x80, v0, vm0, $0xb8;
	[tilespmem:$0x3300] =	vst v63  }
0x1d: {  	s7 =	simm.s32 $0x8  }
0x1e: {  	s7 =	simm.s32 @!p0 $0x0  }
0x1f: {  	s31 =	sshll.u32 s7, $0x8  }
0x20: {  	p1 =	seq.s32 s31, $0xF00  }
.Ltmp1:
0x21: {  	s29 =	simm.s32 $0x1;
	s30 =	sshll.u32 s1, $0x8;
	(pc) =	sbr.rel @p1 .LBB2_2-.Ltmp1, $4  }
0x22: {  	s6 =	sand.u32 $0x800, s30;
	_ =	swait.ge [sflag:s29], $0x1000  }
0x23: {  	s4 =	sadd.s32 s6, s4;
	[sflag:s29] =	ssyncset.done $0x0  }
0x24: {  	p0 =	por $0x0, $0x0;
	s6 =	sshll.u32 s7, $0x7;
	[sflag:s29] =	ssyncadd.s32 $0xFFFFF000  }
0x25: {  	v0 =	vimm.f32 $0.0e+00;
	s7 =	sand.u32 $0x800, s31;
	s9 =	sand.u32 $0x380, s6;
	s8 =	sadd.s32 $0x100, s31  }
0x26: {  	s5 =	sor.u32 s9, s7  }
0x27: {  	v1 =	vld [tilespmem:s5+$0x4F0]  }
0x28: {  	v2 =	vld [tilespmem:s5+$0x80]  }
0x29: {  	v3 =	vld [tilespmem:s5+$0x90]  }
0x2a: {  	v4 =	vld [tilespmem:s5+$0xA0]  }
0x2b: {  	v5 =	vld [tilespmem:s5+$0xB0]  }
0x2c: {  	v6 =	vld [tilespmem:s5+$0xC0]  }
0x2d: {  	v7 =	vld [tilespmem:s5+$0xD0]  }
0x2e: {  	v8 =	vld [tilespmem:s5+$0xE0]  }
0x2f: {  	v9 =	vld [tilespmem:s5+$0xF0]  }
0x30: {  	p1 =	seq.s32 s8, $0xF00;
	v11 =	vimm.f32 $0.0e+00;
	v10 =	vld [tilespmem:s5+$0x480]  }
.Ltmp2:
0x31: {  	v12 =	vimm.f32 $0.0e+00;
	v17 =	vld [tilespmem:s5+$0x490];
	v1 =	vadd.f32 v1, v0;
	v2 =	vadd.f32 v2, v0;
	(pc) =	sbr.rel @p1 .LBB2_4-.Ltmp2, $4  }
0x32: {  	v13 =	vimm.f32 $0.0e+00;
	v18 =	vld [tilespmem:s5+$0x4A0];
	v3 =	vadd.f32 v3, v0;
	v4 =	vadd.f32 v4, v0  }
0x33: {  	v14 =	vimm.f32 $0.0e+00;
	v19 =	vld [tilespmem:s5+$0x4B0];
	v5 =	vadd.f32 v5, v0;
	v6 =	vadd.f32 v6, v0  }
0x34: {  	s6 =	sadd.s32 $0x80, s6;
	s7 =	sand.u32 $0x800, s8;
	v15 =	vimm.f32 $0.0e+00;
	v20 =	vld [tilespmem:s5+$0x4C0];
	v7 =	vadd.f32 v7, v0;
	v8 =	vadd.f32 v8, v0  }
0x35: {  	s8 =	sadd.s32 $0x100, s8;
	p0 =	por $0x1, $0x1;
	v16 =	vimm.f32 $0.0e+00;
	s9 =	sand.u32 $0x380, s6;
	v21 =	vld [tilespmem:s5+$0x4D0];
	v9 =	vadd.f32 v9, v0;
	v10 =	vadd.f32 v10, v0  }
.LBB2_5:
0x36: {  	p1 =	seq.s32 s8, $0xF00;
	v11 =	vadd.f32 v17, v11;
	v17 =	vld [tilespmem:s5+$0x4E0];
	s5 =	sor.u32 s9, s7  }
0x37: {  	v22 =	vld [tilespmem:s5+$0x4F0];
	v12 =	vadd.f32 v18, v12  }
0x38: {  	v18 =	vld [tilespmem:s5+$0x80];
	v13 =	vadd.f32 v19, v13  }
0x39: {  	v19 =	vld [tilespmem:s5+$0x90];
	v14 =	vadd.f32 v20, v14  }
0x3a: {  	v20 =	vld [tilespmem:s5+$0xA0];
	v15 =	vadd.f32 v21, v15  }
0x3b: {  	v21 =	vld [tilespmem:s5+$0xB0];
	v16 =	vadd.f32 v17, v16  }
0x3c: {  	v17 =	vld [tilespmem:s5+$0xC0];
	v1 =	vadd.f32 v22, v1  }
0x3d: {  	v2 =	vadd.f32 v18, v2;
	v18 =	vld [tilespmem:s5+$0xD0]  }
0x3e: {  	v3 =	vadd.f32 v19, v3;
	v19 =	vld [tilespmem:s5+$0xE0]  }
0x3f: {  	v4 =	vadd.f32 v20, v4;
	v20 =	vld [tilespmem:s5+$0xF0]  }
0x40: {  	v5 =	vadd.f32 v21, v5;
	v21 =	vld [tilespmem:s5+$0x480]  }
.Ltmp3:
0x41: {  	v6 =	vadd.f32 v17, v6;
	v17 =	vld [tilespmem:s5+$0x490];
	(pc) =	sbr.rel @!p1 .LBB2_5-.Ltmp3, $4  }
0x42: {  	v7 =	vadd.f32 v18, v7;
	v18 =	vld [tilespmem:s5+$0x4A0]  }
0x43: {  	v8 =	vadd.f32 v19, v8;
	v19 =	vld [tilespmem:s5+$0x4B0]  }
0x44: {  	s6 =	sadd.s32 $0x80, s6;
	v9 =	vadd.f32 v20, v9;
	v20 =	vld [tilespmem:s5+$0x4C0]  }
0x45: {  	s7 =	sand.u32 $0x800, s8;
	s8 =	sadd.s32 $0x100, s8;
	s9 =	sand.u32 $0x380, s6;
	v10 =	vadd.f32 v21, v10;
	v21 =	vld [tilespmem:s5+$0x4D0]  }
.LBB2_6:
0x46: {  	s6 =	sor.u32 s9, s7;
	v22 =	vld @p0 [tilespmem:s5+$0x4E0]  }
0x47: {  	v23 =	vld [tilespmem:s6+$0x4F0]  }
0x48: {  	v24 =	vld [tilespmem:s6+$0x80]  }
0x49: {  	v25 =	vld [tilespmem:s6+$0x90]  }
0x4a: {  	v26 =	vld [tilespmem:s6+$0xA0]  }
0x4b: {  	v27 =	vld [tilespmem:s6+$0xB0]  }
0x4c: {  	v28 =	vld [tilespmem:s6+$0xC0]  }
0x4d: {  	v29 =	vld [tilespmem:s6+$0xD0]  }
0x4e: {  	v30 =	vld [tilespmem:s6+$0xE0]  }
0x4f: {  	v31 =	vld [tilespmem:s6+$0xF0]  }
0x50: {  	v53 =	vld [tilespmem:s6+$0x480]  }
0x51: {  	v54 =	vld [tilespmem:s6+$0x490]  }
0x52: {  	v55 =	vld [tilespmem:s6+$0x4A0]  }
0x53: {  	v56 =	vld [tilespmem:s6+$0x4B0]  }
0x54: {  	v57 =	vld [tilespmem:s6+$0x4C0];
	v2 =	vadd.f32 v24, v2  }
0x55: {  	v58 =	vld [tilespmem:s6+$0x4D0];
	v3 =	vadd.f32 v25, v3  }
0x56: {  	v59 =	vld [tilespmem:s6+$0x4E0];
	v4 =	vadd.f32 v26, v4;
	[tilespmem:$0x2080] =	vst v2  }
0x57: {  	v5 =	vadd.f32 v27, v5;
	[tilespmem:$0x2090] =	vst v3  }
0x58: {  	v6 =	vadd.f32 v28, v6;
	[tilespmem:$0x20A0] =	vst v4  }
0x59: {  	v7 =	vadd.f32 v29, v7;
	[tilespmem:$0x20B0] =	vst v5  }
0x5a: {  	v11 =	vadd.f32 @p0 v17, v11;
	v8 =	vadd.f32 v30, v8;
	[tilespmem:$0x20C0] =	vst v6  }
0x5b: {  	v12 =	vadd.f32 @p0 v18, v12;
	v9 =	vadd.f32 v31, v9;
	[tilespmem:$0x20D0] =	vst v7  }
0x5c: {  	v13 =	vadd.f32 @p0 v19, v13;
	v11 =	vpsel p0, v11, v0;
	v10 =	vadd.f32 v53, v10;
	[tilespmem:$0x20E0] =	vst v8  }
0x5d: {  	v14 =	vadd.f32 @p0 v20, v14;
	v12 =	vpsel p0, v12, v0;
	v11 =	vadd.f32 v54, v11;
	[tilespmem:$0x20F0] =	vst v9  }
0x5e: {  	v13 =	vpsel p0, v13, v0;
	v12 =	vadd.f32 v55, v12;
	[tilespmem:$0x2100] =	vst v10  }
0x5f: {  	v15 =	vadd.f32 @p0 v21, v15;
	v14 =	vpsel p0, v14, v0;
	v60 =	vadd.f32 v56, v13;
	[tilespmem:$0x2110] =	vst v11  }
0x60: {  	v16 =	vadd.f32 @p0 v22, v16;
	v61 =	vadd.f32 v57, v14;
	[tilespmem:$0x2120] =	vst v12  }
0x61: {  	v1 =	vadd.f32 v23, v1;
	v15 =	vpsel p0, v15, v0;
	[tilespmem:$0x2130] =	vst v60  }
0x62: {  	v16 =	vpsel p0, v16, v0;
	v62 =	vadd.f32 v58, v15;
	[tilespmem:$0x2140] =	vst v61  }
0x63: {  	v63 =	vadd.f32 v59, v16;
	[tilespmem:$0x2170] =	vst v1  }
0x64: {  	[tilespmem:$0x2150] =	vst v62  }
0x65: {  	s29 =	simm.s32 $0x80;
	s30 =	simm.s32 $0x400;
	s31 =	simm.s32 $0x2080;
	[tilespmem:$0x2160] =	vst v63  }
0x66: {  	[spmem:s4] =	stream.strided.scatter [tilespmem:s31], [sflag:$0x2], $0x100, s30, s29, $0x38;
	[tilespmem:$0x3300] =	vst v63  }
0x67: {  	s4 =	simm.s32 $0x2  }
0x68: {  	_ =	swait.ge [sflag:s4], $0x100  }
0x69: {  	[sflag:s4] =	ssyncset.done $0x0  }
0x6a: {  	[sflag:s4] =	ssyncadd.s32 $0xFFFFFF00  }
0x6b: {  	p0 =	sne.s32 s1, $0x0;
	[bflag:$0x0] =	sbarrier.arrive $0xFFFF  }
0x6c: {  	_ =	sfence.sel @p0 $0x180000  }
0x6d: {  	[bflag:$0x0] =	sbarrier.arrive @p0 $0xFFFF  }
0x6e: {  	_ =	strace @p0 $0x90000047  }
0x6f: {  	[bflag:$0x2] =	sbarrier.arrive @p0 $0xFFFF  }
0x70: {  	_ =	shalt @p0  }
.LBB2_7:
0x71: {  	s5 =	simm.s32 $0x2180  }
0x72: {  	[tilespmem:s5], [sflag:$0x2] =	stream.linear.gather [spmem:s3], $0x1000, $0x38;
	[tilespmem:$0x3300] =	vst v63  }
0x73: {  	s29 =	simm.s32 $0x0;
	_ =	swait.ge [sflag:s4], $0x1000  }
0x74: {  	s30 =	sand.u32 $0x800, s29;
	s3 =	sand.u32 $0x380, s29;
	[sflag:s4] =	ssyncset.done $0x0  }
0x75: {  	s3 =	sor.u32 s3, s30;
	[sflag:s4] =	ssyncadd.s32 $0xFFFFF000  }
0x76: {  	v0 =	vld [tilespmem:s3+$0x25F0]  }
0x77: {  	v1 =	vld [tilespmem:s3+$0x2180]  }
0x78: {  	v2 =	vld [tilespmem:s3+$0x2190]  }
0x79: {  	v4 =	vld [tilespmem:s3+$0x21A0]  }
0x7a: {  	v5 =	vld [tilespmem:s3+$0x21B0]  }
0x7b: {  	v6 =	vld [tilespmem:s3+$0x21C0]  }
0x7c: {  	v7 =	vld [tilespmem:s3+$0x21D0]  }
0x7d: {  	v9 =	vld [tilespmem:s3+$0x21E0]  }
0x7e: {  	v10 =	vimm.f32 $0.0e+00;
	v11 =	vld [tilespmem:s3+$0x21F0]  }
0x7f: {  	v12 =	vld [tilespmem:s3+$0x2580];
	v0 =	vadd.f32 v0, v10  }
0x80: {  	v16 =	vld [tilespmem:s3+$0x2590];
	v8 =	vadd.f32 v1, v10;
	v3 =	vadd.f32 v2, v10  }
0x81: {  	v15 =	vimm.f32 $0.0e+00;
	v17 =	vld [tilespmem:s3+$0x25A0];
	v4 =	vadd.f32 v4, v10;
	v1 =	vadd.f32 v5, v10  }
0x82: {  	v13 =	vimm.f32 $0.0e+00;
	v18 =	vld [tilespmem:s3+$0x25B0];
	v5 =	vadd.f32 v6, v10;
	v2 =	vadd.f32 v7, v10  }
0x83: {  	s31 =	simm.s32 $0x100;
	v14 =	vimm.f32 $0.0e+00;
	s4 =	simm.s32 $0x80;
	v19 =	vld [tilespmem:s3+$0x25C0];
	v6 =	vadd.f32 v9, v10;
	v7 =	vadd.f32 v11, v10  }
0x84: {  	s6 =	sand.u32 $0x800, s31;
	s5 =	simm.s32 $0x200;
	s7 =	sand.u32 $0x380, s4;
	v20 =	vld [tilespmem:s3+$0x25D0];
	v9 =	vadd.f32 v12, v10;
	v12 =	vimm.f32 $0.0e+00;
	v11 =	vimm.f32 $0.0e+00  }
.LBB2_8:
0x85: {  	p0 =	sne.s32 s5, $0xC00;
	v10 =	vadd.f32 v16, v10;
	v16 =	vld [tilespmem:s3+$0x25E0];
	s3 =	sor.u32 s7, s6  }
0x86: {  	v21 =	vld [tilespmem:s3+$0x25F0];
	v12 =	vadd.f32 v17, v12  }
0x87: {  	v17 =	vld [tilespmem:s3+$0x2180];
	v11 =	vadd.f32 v18, v11  }
0x88: {  	v18 =	vld [tilespmem:s3+$0x2190];
	v15 =	vadd.f32 v19, v15  }
0x89: {  	v19 =	vld [tilespmem:s3+$0x21A0];
	v13 =	vadd.f32 v20, v13  }
0x8a: {  	v20 =	vld [tilespmem:s3+$0x21B0];
	v14 =	vadd.f32 v16, v14  }
0x8b: {  	v16 =	vld [tilespmem:s3+$0x21C0];
	v0 =	vadd.f32 v21, v0  }
0x8c: {  	v8 =	vadd.f32 v17, v8;
	v17 =	vld [tilespmem:s3+$0x21D0]  }
0x8d: {  	v3 =	vadd.f32 v18, v3;
	v18 =	vld [tilespmem:s3+$0x21E0]  }
0x8e: {  	v4 =	vadd.f32 v19, v4;
	v19 =	vld [tilespmem:s3+$0x21F0]  }
0x8f: {  	v1 =	vadd.f32 v20, v1;
	v20 =	vld [tilespmem:s3+$0x2580]  }
.Ltmp4:
0x90: {  	v5 =	vadd.f32 v16, v5;
	v16 =	vld [tilespmem:s3+$0x2590];
	(pc) =	sbr.rel @p0 .LBB2_8-.Ltmp4, $4  }
0x91: {  	v2 =	vadd.f32 v17, v2;
	v17 =	vld [tilespmem:s3+$0x25A0]  }
0x92: {  	v6 =	vadd.f32 v18, v6;
	v18 =	vld [tilespmem:s3+$0x25B0]  }
0x93: {  	s4 =	sadd.s32 $0x80, s4;
	v7 =	vadd.f32 v19, v7;
	v19 =	vld [tilespmem:s3+$0x25C0]  }
0x94: {  	s6 =	sand.u32 $0x800, s5;
	s5 =	sadd.s32 $0x100, s5;
	s7 =	sand.u32 $0x380, s4;
	v9 =	vadd.f32 v20, v9;
	v20 =	vld [tilespmem:s3+$0x25D0]  }
0x95: {  	v21 =	vld [tilespmem:s3+$0x25E0]  }
0x96: {  	v38 =	vld [tilespmem:$0x2C80]  }
0x97: {  	v39 =	vld [tilespmem:$0x2D00]  }
0x98: {  	v40 =	vld [tilespmem:$0x2C90]  }
0x99: {  	v41 =	vld [tilespmem:$0x2D10]  }
0x9a: {  	v42 =	vld [tilespmem:$0x2CA0]  }
0x9b: {  	v43 =	vld [tilespmem:$0x2D20]  }
0x9c: {  	v44 =	vld [tilespmem:$0x2CB0]  }
0x9d: {  	v45 =	vld [tilespmem:$0x2D30]  }
0x9e: {  	v46 =	vld [tilespmem:$0x2CC0]  }
0x9f: {  	v47 =	vld [tilespmem:$0x2D40]  }
0xa0: {  	v48 =	vld [tilespmem:$0x2CD0]  }
0xa1: {  	v49 =	vld [tilespmem:$0x2D50]  }
0xa2: {  	v50 =	vld [tilespmem:$0x2CE0]  }
0xa3: {  	v51 =	vld [tilespmem:$0x2D60]  }
0xa4: {  	v52 =	vld [tilespmem:$0x2CF0]  }
0xa5: {  	v53 =	vld [tilespmem:$0x2D70]  }
0xa6: {  	v55 =	vld [tilespmem:$0x3080]  }
0xa7: {  	v56 =	vld [tilespmem:$0x3100]  }
0xa8: {  	v58 =	vld [tilespmem:$0x30A0]  }
0xa9: {  	v59 =	vld [tilespmem:$0x3130]  }
0xaa: {  	s4 =	sor.u32 s7, s6;
	v60 =	vld [tilespmem:$0x30C0]  }
0xab: {  	v22 =	vld [tilespmem:s4+$0x25F0]  }
0xac: {  	v23 =	vld [tilespmem:s4+$0x2180]  }
0xad: {  	v24 =	vld [tilespmem:s4+$0x2190]  }
0xae: {  	v25 =	vld [tilespmem:s4+$0x21A0]  }
0xaf: {  	v26 =	vld [tilespmem:s4+$0x21B0]  }
0xb0: {  	v27 =	vld [tilespmem:s4+$0x21C0]  }
0xb1: {  	v28 =	vld [tilespmem:s4+$0x21D0]  }
0xb2: {  	v29 =	vld [tilespmem:s4+$0x21E0]  }
0xb3: {  	v30 =	vld [tilespmem:s4+$0x21F0]  }
0xb4: {  	v54 =	vadd.f32 v16, v10;
	v31 =	vld [tilespmem:s4+$0x2580]  }
0xb5: {  	v32 =	vld [tilespmem:s4+$0x2590];
	v12 =	vadd.f32 v17, v12;
	v18 =	vadd.f32 v18, v11  }
0xb6: {  	v33 =	vld [tilespmem:s4+$0x25A0];
	v19 =	vadd.f32 v19, v15;
	v57 =	vadd.f32 v20, v13  }
0xb7: {  	v34 =	vld [tilespmem:s4+$0x25B0];
	v14 =	vadd.f32 v21, v14;
	v0 =	vadd.f32 v22, v0  }
0xb8: {  	v35 =	vld [tilespmem:s4+$0x25C0];
	v20 =	vadd.f32 v23, v8;
	v17 =	vadd.f32 v24, v3  }
0xb9: {  	v36 =	vld [tilespmem:s4+$0x25D0];
	v16 =	vadd.f32 v25, v4;
	v15 =	vadd.f32 v26, v1  }
0xba: {  	v61 =	vld [tilespmem:$0x3140];
	v13 =	vadd.f32 v27, v5;
	v11 =	vadd.f32 v28, v2  }
0xbb: {  	v62 =	vld [tilespmem:$0x30D0];
	v10 =	vadd.f32 v29, v6;
	v8 =	vadd.f32 v30, v7  }
0xbc: {  	v63 =	vld [tilespmem:$0x3150];
	v7 =	vadd.f32 v31, v9;
	v6 =	vadd.f32 v32, v54  }
0xbd: {  	v37 =	vld [tilespmem:s4+$0x25E0];
	v5 =	vadd.f32 v33, v12;
	v4 =	vadd.f32 v34, v18  }
0xbe: {  	v21 =	vld [tilespmem:$0x3090];
	v3 =	vadd.f32 v35, v19;
	v2 =	vadd.f32 v36, v57  }
0xbf: {  	v22 =	vld [tilespmem:$0x3110];
	v30 =	vadd.f32 v39, v38;
	v31 =	vadd.f32 v41, v40  }
0xc0: {  	v27 =	vld [tilespmem:$0x3120];
	v33 =	vadd.f32 v43, v42;
	v35 =	vadd.f32 v45, v44  }
0xc1: {  	v28 =	vld [tilespmem:$0x30B0];
	v36 =	vadd.f32 v47, v46;
	v32 =	vadd.f32 v49, v48  }
0xc2: {  	v45 =	vld [tilespmem:$0x30E0];
	v26 =	vadd.f32 v51, v50;
	v24 =	vadd.f32 v53, v52;
	v50 =	vmul.f32 v20, v20  }
0xc3: {  	v47 =	vld [tilespmem:$0x3160];
	v25 =	vadd.f32 v56, v55;
	v51 =	vmul.f32 v17, v17;
	v52 =	vmul.f32 v30, v20  }
0xc4: {  	v48 =	vld [tilespmem:$0x30F0];
	v19 =	vadd.f32 v61, v60;
	v53 =	vmul.f32 v31, v17;
	v54 =	vmul.f32 v16, v16  }
0xc5: {  	v49 =	vld [tilespmem:$0x3170];
	v18 =	vadd.f32 v63, v62;
	v56 =	vmul.f32 v15, v15;
	v57 =	vmul.f32 v33, v16  }
0xc6: {  	v55 =	vimm.s32 $0xFEDCBA98;
	v60 =	vmul.f32 v13, v13;
	v61 =	vmul.f32 v35, v15  }
0xc7: {  	v1 =	vadd.f32 v37, v14;
	v62 =	vmul.f32 v11, v11;
	v63 =	vmul.f32 v36, v13  }
0xc8: {  	v34 =	vld [tilespmem:$0x2C00];
	v31 =	vmul.f32 v31, v31;
	v9 =	vadd.f32 v51, v50;
	v23 =	vadd.f32 v22, v21  }
0xc9: {  	v33 =	vmul.f32 v33, v33;
	v22 =	vadd.f32 v27, v58;
	v21 =	vadd.f32 v59, v28  }
0xca: {  	v35 =	vmul.f32 v35, v35;
	v14 =	vadd.f32 v47, v45;
	v12 =	vadd.f32 v49, v48  }
0xcb: {  	v36 =	vmul.f32 v36, v36;
	v28 =	vadd.f32 v53, v52;
	v9 =	vadd.f32 v54, v9  }
0xcc: {  	v58 =	vimm.s32 $0x76543210;
	v59 =	vunpack.c.l.s4.s8 v55;
	v48 =	vmul.f32 v10, v10  }
0xcd: {  	v27 =	vld [tilespmem:$0x2C10];
	v49 =	vmul.f32 v30, v30;
	v50 =	vmul.f32 v34, v34;
	v9 =	vadd.f32 v56, v9  }
0xce: {  	v52 =	vmul.f32 v8, v8;
	v53 =	vimm.s32 $0xBA98FEDC;
	v55 =	vmul.f32 v7, v7  }
0xcf: {  	v20 =	vmul.f32 v34, v20;
	v37 =	vadd.f32 v57, v28;
	v28 =	vld [tilespmem:$0x2C20];
	v29 =	vadd.f32 v60, v9  }
0xd0: {  	v30 =	vld [tilespmem:$0x2C40];
	v38 =	vunpack.c.l.s4.s8 v58;
	v58 =	vmul.f32 v6, v6;
	v39 =	vunpack.c.0.s8.s32 v59  }
0xd1: {  	v59 =	vmul.f32 v32, v32;
	v37 =	vadd.f32 v61, v37;
	v43 =	vadd.f32 v62, v29;
	v29 =	vld [tilespmem:$0x2C30]  }
0xd2: {  	v32 =	vmul.f32 v32, v11;
	v38 =	vunpack.c.0.s8.s32 v38;
	v51 =	vmul.f32 v27, v27  }
0xd3: {  	v42 =	vand.u32 $0xF, v39;
	v46 =	vadd.f32 v63, v37;
	v37 =	vadd.f32 v31, v49  }
0xd4: {  	v9 =	vcombine.low v42, v38;
	v39 =	vadd.f32 v51, v50;
	v54 =	vmul.f32 v28, v28  }
0xd5: {  	v42 =	vunpack.c.l.s4.s8 v53;
	v57 =	vmul.f32 v30, v30;
	v31 =	vld [tilespmem:$0x2C50];
	v37 =	vadd.f32 v33, v37  }
0xd6: {  	v53 =	vmul.f32 v25, v25;
	v39 =	vadd.f32 v54, v39;
	v56 =	vmul.f32 v29, v29  }
0xd7: {  	v25 =	vmul.f32 v25, v7;
	v33 =	vld [tilespmem:$0x2C60];
	v38 =	vadd.f32 v48, v43;
	v37 =	vadd.f32 v35, v37  }
0xd8: {  	v17 =	vmul.f32 v27, v17;
	v13 =	vmul.f32 v30, v13;
	v39 =	vadd.f32 v56, v39  }
0xd9: {  	v63 =	vmul.f32 v5, v5;
	v35 =	vld [tilespmem:$0x2C70];
	v38 =	vadd.f32 v52, v38;
	v37 =	vadd.f32 v36, v37  }
0xda: {  	v49 =	vimm.s32 $0x32107654;
	v60 =	vmul.f32 v31, v31;
	v39 =	vadd.f32 v57, v39  }
0xdb: {  	v62 =	vmul.f32 v26, v26;
	v36 =	vld [tilespmem:$0x3000];
	v38 =	vadd.f32 v55, v38;
	v61 =	vadd.f32 v59, v37  }
0xdc: {  	v44 =	vunpack.c.0.s8.s32 v42;
	v48 =	vmul.f32 v33, v33;
	v39 =	vadd.f32 v60, v39  }
0xdd: {  	v50 =	vmul.f32 v24, v24;
	v37 =	vld [tilespmem:$0x3010];
	v38 =	vadd.f32 v58, v38;
	v41 =	vadd.f32 v62, v61  }
0xde: {  	v45 =	vunpack.c.l.s4.s8 v49;
	v51 =	vmul.f32 v35, v35;
	v39 =	vadd.f32 v48, v39  }
0xdf: {  	v24 =	vmul.f32 v24, v8;
	v43 =	vadd.f32 v63, v38;
	v38 =	vld [tilespmem:$0x3020];
	v41 =	vadd.f32 v50, v41  }
0xe0: {  	v17 =	vadd.f32 v17, v20;
	v54 =	vmul.f32 v36, v36;
	v40 =	vadd.f32 v51, v39  }
0xe1: {  	v52 =	vmul.f32 v4, v4;
	v55 =	vmul.f32 v23, v23;
	v41 =	vadd.f32 v53, v41;
	v39 =	vld [tilespmem:$0x3030]  }
0xe2: {  	v56 =	vmul.f32 v3, v3;
	v57 =	vmul.f32 v37, v37;
	v48 =	vadd.f32 v54, v40  }
0xe3: {  	v58 =	vmul.f32 v22, v22;
	v61 =	vmul.f32 v2, v2;
	v42 =	vadd.f32 v55, v41;
	v40 =	vld [tilespmem:$0x3040]  }
0xe4: {  	v43 =	vadd.f32 v52, v43;
	v60 =	vmul.f32 v38, v38;
	v59 =	vadd.f32 v57, v48  }
0xe5: {  	v62 =	vmul.f32 v21, v21;
	v63 =	vimm.s32 $0xDCFE98BA;
	v41 =	vld [tilespmem:$0x3050];
	v50 =	vadd.f32 v58, v42  }
0xe6: {  	v43 =	vadd.f32 v56, v43;
	v56 =	vmul.f32 v39, v39;
	v47 =	vadd.f32 v60, v59  }
0xe7: {  	v52 =	vunpack.c.l.s4.s8 v63;
	v42 =	vld [tilespmem:$0x3060];
	v50 =	vadd.f32 v62, v50;
	v57 =	vmul.f32 v19, v19  }
0xe8: {  	v49 =	vadd.f32 v61, v43;
	v59 =	vmul.f32 v40, v40;
	v47 =	vadd.f32 v56, v47  }
0xe9: {  	v43 =	vld [tilespmem:$0x3070];
	v58 =	vmul.f32 v1, v1;
	v50 =	vadd.f32 v57, v50;
	v60 =	vmul.f32 v18, v18  }
0xea: {  	v63 =	vmul.f32 v14, v14;
	v61 =	vmul.f32 v41, v41;
	v47 =	vadd.f32 v59, v47  }
0xeb: {  	v49 =	vadd.f32 v58, v49;
	v62 =	vmul.f32 v0, v0;
	v50 =	vadd.f32 v60, v50  }
0xec: {  	v45 =	vunpack.c.0.s8.s32 v45;
	v58 =	vmul.f32 v42, v42;
	v47 =	vadd.f32 v61, v47  }
0xed: {  	v49 =	vadd.f32 v62, v49;
	v50 =	vadd.f32 v63, v50;
	v59 =	vmul.f32 v12, v12  }
0xee: {  	v57 =	vimm.s32 $0x54761032;
	v61 =	vmul.f32 v43, v43;
	v47 =	vadd.f32 v58, v47  }
0xef: {  	v60 =	vunpack.c.l.s4.s8 v57;
	v62 =	vperm.xlane v49, v9;
	v50 =	vadd.f32 v59, v50  }
0xf0: {  	v44 =	vcombine.low v45, v44;
	v63 =	vunpack.c.0.s8.s32 v52;
	v47 =	vadd.f32 v61, v47  }
0xf1: {  	v56 =	vunpack.c.0.s8.s32 v60;
	v57 =	vadd.f32 v62, v49;
	v58 =	vperm.xlane v50, v9  }
0xf2: {  	v44 =	vand.u32 $0xF, v44;
	v60 =	vimm.s32 $0xEFCDAB89;
	v61 =	vperm.xlane v47, v9  }
0xf3: {  	v59 =	vcombine.low v56, v63;
	v63 =	vperm.xlane v57, v44;
	v50 =	vadd.f32 v58, v50  }
0xf4: {  	v62 =	vimm.s32 $0x67452301;
	v51 =	vunpack.c.l.s4.s8 v60;
	v47 =	vadd.f32 v61, v47  }
0xf5: {  	v53 =	vunpack.c.l.s4.s8 v62;
	v48 =	vadd.f32 v63, v57;
	v57 =	vperm.xlane v50, v44  }
0xf6: {  	v16 =	vmul.f32 v28, v16;
	v45 =	vand.u32 $0xF, v59;
	v59 =	vperm.xlane v47, v44  }
0xf7: {  	v51 =	vunpack.c.0.s8.s32 v51;
	v58 =	vunpack.c.0.s8.s32 v53;
	v49 =	vadd.f32 v57, v50  }
0xf8: {  	v20 =	vmul.f32 v21, v4;
	v54 =	vperm.xlane v48, v45;
	v47 =	vadd.f32 v59, v47  }
0xf9: {  	v60 =	vcombine.low v58, v51;
	v62 =	vperm.xlane v49, v45  }
0xfa: {  	v32 =	vadd.f32 v32, v46;
	v61 =	vadd.f32 v54, v48;
	v56 =	vperm.xlane v47, v45  }
0xfb: {  	v63 =	vmul.f32 v26, v10;
	v26 =	vand.u32 $0xF, v60;
	v48 =	vadd.f32 v62, v49  }
0xfc: {  	v16 =	vadd.f32 v16, v17;
	v57 =	vperm.xlane v61, v26;
	v47 =	vadd.f32 v56, v47  }
0xfd: {  	v11 =	vmul.f32 v31, v11;
	v32 =	vadd.f32 v63, v32;
	v49 =	vperm.xlane v48, v26  }
0xfe: {  	v15 =	vmul.f32 v29, v15;
	v46 =	vadd.f32 v57, v61;
	v58 =	vperm.xlane v47, v26  }
0xff: {  	v23 =	vmul.f32 v23, v6;
	v24 =	vadd.f32 v24, v32;
	v48 =	vadd.f32 v49, v48  }
0x100: {  	v59 =	vshrl.u32 v46, $0x1;
	v50 =	vmul.f32 $5.000000000e-01, v46;
	v32 =	vadd.f32 v58, v47  }
0x101: {  	v34 =	vsub.s32 $0x5F3759DF, v59;
	v61 =	vshrl.u32 v48, $0x1;
	v51 =	vmul.f32 $5.000000000e-01, v48  }
0x102: {  	v49 =	vsub.s32 $0x5F3759DF, v61;
	v62 =	vshrl.u32 v32, $0x1;
	v53 =	vmul.f32 $5.000000000e-01, v32  }
0x103: {  	v60 =	vmul.f32 v34, v50;
	v63 =	vmul.f32 v49, v51;
	v27 =	vsub.s32 $0x5F3759DF, v62  }
0x104: {  	v15 =	vadd.f32 v15, v16;
	v22 =	vmul.f32 v22, v5;
	v57 =	vmul.f32 v27, v53  }
0x105: {  	v56 =	vmul.f32 v34, v60;
	v58 =	vmul.f32 v49, v63  }
0x106: {  	v13 =	vadd.f32 v13, v15;
	v24 =	vadd.f32 v25, v24;
	v59 =	vmul.f32 v27, v57  }
0x107: {  	v8 =	vmul.f32 v35, v8;
	v25 =	vsub.f32 $1.500000000e+00, v56;
	v60 =	vsub.f32 $1.500000000e+00, v58  }
0x108: {  	v11 =	vadd.f32 v11, v13;
	v10 =	vmul.f32 v33, v10;
	v62 =	vsub.f32 $1.500000000e+00, v59  }
0x109: {  	v61 =	vmul.f32 v34, v25;
	v63 =	vmul.f32 v49, v60  }
0x10a: {  	v7 =	vmul.f32 v36, v7;
	v10 =	vadd.f32 v10, v11;
	v30 =	vmul.f32 v27, v62  }
0x10b: {  	v29 =	vmul.f32 v61, v50;
	v34 =	vmul.f32 v63, v51  }
0x10c: {  	v6 =	vmul.f32 v37, v6;
	v8 =	vadd.f32 v8, v10;
	v49 =	vmul.f32 v30, v53  }
0x10d: {  	v47 =	vmul.f32 v29, v61;
	v52 =	vmul.f32 v34, v63  }
0x10e: {  	v7 =	vadd.f32 v7, v8;
	v28 =	vadd.f32 v23, v24;
	v56 =	vmul.f32 v49, v30  }
0x10f: {  	v5 =	vmul.f32 v38, v5;
	v55 =	vsub.f32 $1.500000000e+00, v47;
	v57 =	vsub.f32 $1.500000000e+00, v52  }
0x110: {  	v4 =	vmul.f32 v39, v4;
	v17 =	vadd.f32 v22, v28;
	v60 =	vsub.f32 $1.500000000e+00, v56  }
0x111: {  	v59 =	vmul.f32 v55, v61;
	v61 =	vmul.f32 v57, v63  }
0x112: {  	v6 =	vadd.f32 v6, v7;
	v62 =	vadd.f32 v20, v17;
	v20 =	vmul.f32 v60, v30  }
0x113: {  	v63 =	vmul.f32 v59, v50;
	v21 =	vmul.f32 v61, v51  }
0x114: {  	v54 =	vmul.f32 v19, v3;
	v5 =	vadd.f32 v5, v6;
	v23 =	vmul.f32 v20, v53  }
0x115: {  	v22 =	vmul.f32 v63, v59;
	v24 =	vmul.f32 v21, v61  }
0x116: {  	v3 =	vmul.f32 v40, v3;
	v4 =	vadd.f32 v4, v5;
	v28 =	vmul.f32 v23, v20  }
0x117: {  	v25 =	vmul.f32 v14, v1;
	v27 =	vsub.f32 $1.500000000e+00, v22;
	v29 =	vsub.f32 $1.500000000e+00, v24  }
0x118: {  	v58 =	vmul.f32 v18, v2;
	v2 =	vmul.f32 v41, v2;
	v33 =	vsub.f32 $1.500000000e+00, v28  }
0x119: {  	v3 =	vadd.f32 v3, v4;
	v31 =	vmul.f32 v27, v59;
	v34 =	vmul.f32 v29, v61  }
0x11a: {  	v1 =	vmul.f32 v42, v1;
	v11 =	vadd.f32 v54, v62;
	v37 =	vmul.f32 v33, v20  }
0x11b: {  	v2 =	vadd.f32 v2, v3;
	v36 =	vmul.f32 v31, v50;
	v38 =	vmul.f32 v34, v51  }
0x11c: {  	v35 =	vadd.f32 v58, v11;
	v30 =	vmul.f32 v12, v0;
	v40 =	vmul.f32 v37, v53  }
0x11d: {  	v1 =	vadd.f32 v1, v2;
	v39 =	vmul.f32 v36, v31;
	v41 =	vmul.f32 v38, v34  }
0x11e: {  	v6 =	vadd.f32 v25, v35;
	v0 =	vmul.f32 v43, v0;
	v49 =	vmul.f32 v40, v37  }
0x11f: {  	v47 =	vsub.f32 $1.500000000e+00, v39;
	v50 =	vsub.f32 $1.500000000e+00, v41  }
0x120: {  	v0 =	vadd.f32 v0, v1;
	v52 =	vsub.f32 $1.500000000e+00, v49  }
0x121: {  	vm0 =	vgt.f32 v46, $0.0e+00;
	v51 =	vmul.f32 v47, v31;
	v54 =	vmul.f32 v50, v34  }
0x122: {  	v42 =	vadd.f32 v30, v6;
	v57 =	vperm.xlane v0, v9;
	v56 =	vmul.f32 v52, v37  }
0x123: {  	vm14 =	vgt.f32 v48, $0.0e+00;
	v55 =	vmul.f32 v51, v46;
	v1 =	vmul.f32 v54, v48  }
0x124: {  	vm15 =	vgt.f32 v32, $0.0e+00;
	v53 =	vperm.xlane v42, v9;
	v3 =	vmul.f32 v56, v32  }
0x125: {  	v0 =	vadd.f32 v57, v0;
	v2 =	vnsel vm0, $0x0, v55;
	v1 =	vnsel vm14, $0x0, v1  }
0x126: {  	v4 =	vadd.f32 v42, v53;
	v1 =	vmul.f32 v1, v2;
	v3 =	vnsel vm15, $0x0, v3  }
0x127: {  	v2 =	vmul.f32 v3, v2  }
0x128: {  	v5 =	vperm.xlane v0, v44;
	v58 =	vperm.xlane v4, v44;
	v1 =	vmax.f32 v1, $9.999999930e-09  }
0x129: {  	(erf) = vrcp.f32 v1;
	v2 =	vmax.f32 v2, $9.999999930e-09  }
0x12a: {  	v0 =	vadd.f32 v5, v0;
	v59 =	vadd.f32 v4, v58;
	(erf) = vrcp.f32 v2;
	_ =	sdelay $0x1  }
0x12b: {  	v61 =	vperm.xlane v0, v45;
	v60 =	vperm.xlane v59, v45;
	_ =	sdelay $0x1  }
0x12c: {  	v0 =	vadd.f32 v61, v0;
	v1 =	vadd.f32 v59, v60;
	_ =	sdelay $0x1  }
0x12d: {  	v3 =	vperm.xlane v0, v26;
	v2 =	vperm.xlane v1, v26;
	_ =	sdelay $0x1  }
0x12e: {  	v0 =	vadd.f32 v3, v0;
	v1 =	vadd.f32 v1, v2;
	v62 =	vpop (erf)  }
0x12f: {  	v63 =	vpop (erf)  }
0x130: {  	v1 =	vmul.f32 v62, v1;
	v0 =	vmul.f32 v63, v0;
	_ =	sdelay $0x1  }
0x131: {  	v0 =	vsub.f32 v1, v0;
	_ =	sdelay $0x1  }
0x132: {  	v0 =	vadd.f32 $1.000000010e-01, v0;
	_ =	sdelay $0x1  }
0x133: {  	s29 =	simm.s32 $0x0;
	v0 =	vmax.f32 v0, $0.0e+00  }
.Ltmp5:
0x134: {  	s30 =	simm.s32 $0x3180;
	s31 =	simm.s32 $0x2;
	[tilespmem:$0x3180] =	vst v0;
	(pc) =	sbr.rel .LBB2_17-.Ltmp5, $4  }
0x135: {  	[hbm4b:s2+s29] =	stream.linear.scatter [tilespmem:s30], [sflag:$0x2], $0x80, $0x38;
	[tilespmem:$0x3300] =	vst v63  }
0x136: {  	_ =	swait.ge [sflag:s31], $0x80  }
0x137: {  	[sflag:s31] =	ssyncset.done $0x0  }
0x138: {  	[sflag:s31] =	ssyncadd.s32 $0xFFFFFF80  }
.LBB2_10:
0x139: {  	p0 =	sne.s32 s1, $0xD  }
.Ltmp6:
0x13a: {  	_ = 	snop;
	(pc) =	sbr.rel @p0 .LBB2_14-.Ltmp6, $1  }
0x13b: {  	_ =	sdelay $0x3  }
0x13c: {  	s2 =	simm.s32 $0x0;
	s4 =	simm.s32 $0x2  }
0x13d: {  	[tilespmem:s2], [sflag:$0x2] =	stream.linear.gather [hbm4b:s9+s2], $0x14, $0x38;
	[tilespmem:$0x3300] =	vst v63  }
0x13e: {  	_ =	swait.ge [sflag:s4], $0x14  }
0x13f: {  	[sflag:s4] =	ssyncset.done $0x0  }
0x140: {  	[sflag:s4] =	ssyncadd.s32 $0xFFFFFFEC  }
0x141: {  	v0 =	vld [tilespmem:$0x0];
	_ =	sdelay $0x4  }
0x142: {  	v1 =	vshll.u32 v0, $0x1  }
0x143: {  	v2 =	vlaneseq.u32;
	v0 =	vand.u32 $0x7, v0;
	v1 =	vand.u32 $0xFFFFFFF0, v1  }
0x144: {  	v4 =	vshrl.u32 v2, $0x3;
	v3 =	vld [tilespmem:$0x10];
	v0 =	vor.u32 v0, v1;
	v1 =	vand.u32 $0x7, v2  }
0x145: {  	v5 =	vimm.s32 $0x3020100;
	v4 =	vmul.u32 $0x8, v4;
	v6 =	vperm.xlane v0, v1  }
0x146: {  	v5 =	vunpack.c.0.s8.s32 v5;
	v2 =	vor.u32 $0x8, v2  }
0x147: {  	vm0 =	vcmask $0x1300;
	v0 =	vperm.xlane v0, v2;
	v6 =	vadd.s32 v4, v6  }
0x148: {  	v5 =	vnsel vm0, $0x0, v5  }
0x149: {  	v3 =	vperm.xlane v3, v5;
	v0 =	vadd.s32 v4, v0;
	_ =	sdelay $0x1  }
0x14a: {  	vm15 =	vmmov $0xffff;
	s24 =	simm.s32 $0x80;
	[tilespmem:$0x10] =	vst v3  }
0x14b: {  	[tilespmem:s24], [sflag:$0x1] =	stream.indirect_vreg.gather [hbm4b:s5+s2], $0x80, v6, vm15, $0xb8;
	[tilespmem:$0x3300] =	vst v63  }
0x14c: {  	s25 =	simm.s32 $0x880  }
0x14d: {  	[tilespmem:s25], [sflag:$0x1] =	stream.indirect_vreg.gather [hbm4b:s5+s2], $0x80, v0, vm15, $0xb8;
	[tilespmem:$0x3300] =	vst v63  }
0x14e: {  	v0 =	vld [tilespmem:$0x10];
	_ =	sdelay $0x4  }
0x14f: {  	v3 =	vshll.u32 v0, $0x1  }
0x150: {  	v0 =	vand.u32 $0x7, v0;
	v3 =	vand.u32 $0xFFFFFFF0, v3  }
0x151: {  	v0 =	vor.u32 v0, v3  }
0x152: {  	v1 =	vperm.xlane v0, v1;
	_ =	sdelay $0x1  }
0x153: {  	v0 =	vperm.xlane v0, v2;
	v1 =	vadd.s32 v4, v1;
	_ =	sdelay $0x1  }
0x154: {  	v0 =	vadd.s32 v4, v0;
	_ =	sdelay $0x1  }
0x155: {  	s26 =	simm.s32 $0x1080  }
0x156: {  	[tilespmem:s26], [sflag:$0x1] =	stream.indirect_vreg.gather [hbm4b:s5+s2], $0x80, v1, vm15, $0xb8;
	[tilespmem:$0x3300] =	vst v63  }
0x157: {  	s28 =	simm.s32 $0x1880;
	s29 =	simm.s32 $0x1  }
0x158: {  	[tilespmem:s28], [sflag:$0x1] =	stream.indirect_vreg.gather [hbm4b:s5+s2], $0x80, v0, vm15, $0xb8;
	[tilespmem:$0x3300] =	vst v63  }
0x159: {  	_ =	swait.ge [sflag:s29], $0x2000  }
0x15a: {  	s30 =	sand.u32 $0x1800, s2;
	s2 =	sand.u32 $0x380, s2;
	[sflag:s29] =	ssyncset.done $0x0  }
0x15b: {  	s4 =	sor.u32 s2, s30;
	[sflag:s29] =	ssyncadd.s32 $0xFFFFE000  }
0x15c: {  	v0 =	vld [tilespmem:s4+$0x4F0]  }
0x15d: {  	v2 =	vld [tilespmem:s4+$0x80]  }
0x15e: {  	v3 =	vld [tilespmem:s4+$0x90]  }
0x15f: {  	v4 =	vld [tilespmem:s4+$0xA0]  }
0x160: {  	v5 =	vld [tilespmem:s4+$0xB0]  }
0x161: {  	v6 =	vld [tilespmem:s4+$0xC0]  }
0x162: {  	v7 =	vld [tilespmem:s4+$0xD0]  }
0x163: {  	v10 =	vld [tilespmem:s4+$0xE0]  }
0x164: {  	v1 =	vimm.f32 $0.0e+00;
	v12 =	vld [tilespmem:s4+$0xF0]  }
0x165: {  	v13 =	vld [tilespmem:s4+$0x480];
	v0 =	vadd.f32 v0, v1  }
0x166: {  	v15 =	vadd.f32 v2, v1;
	v14 =	vadd.f32 v3, v1  }
0x167: {  	v19 =	vld [tilespmem:s4+$0x490];
	v11 =	vadd.f32 v4, v1;
	v8 =	vadd.f32 v5, v1  }
0x168: {  	v17 =	vld [tilespmem:s4+$0x4A0];
	v9 =	vadd.f32 v6, v1;
	v4 =	vadd.f32 v7, v1  }
0x169: {  	v16 =	vld [tilespmem:s4+$0x4B0];
	v5 =	vadd.f32 v10, v1;
	v3 =	vadd.f32 v12, v1  }
0x16a: {  	s31 =	simm.s32 $0x100;
	s2 =	sadd.s32 $0xA80, s3;
	s3 =	simm.s32 $0x80;
	v18 =	vld [tilespmem:s4+$0x4C0];
	v10 =	vadd.f32 v13, v1;
	v12 =	vimm.f32 $0.0e+00;
	v6 =	vimm.f32 $0.0e+00  }
0x16b: {  	s6 =	sand.u32 $0x1800, s31;
	s5 =	simm.s32 $0x200;
	s7 =	sand.u32 $0x380, s3;
	v20 =	vld [tilespmem:s4+$0x4D0];
	v13 =	vimm.f32 $0.0e+00;
	v7 =	vimm.f32 $0.0e+00;
	v2 =	vimm.f32 $0.0e+00  }
.LBB2_12:
0x16c: {  	p0 =	sne.s32 s5, $0x1300;
	v1 =	vadd.f32 v19, v1;
	v19 =	vld [tilespmem:s4+$0x4E0];
	s4 =	sor.u32 s7, s6  }
0x16d: {  	v21 =	vld [tilespmem:s4+$0x4F0];
	v12 =	vadd.f32 v17, v12  }
0x16e: {  	v17 =	vld [tilespmem:s4+$0x80];
	v6 =	vadd.f32 v16, v6  }
0x16f: {  	v16 =	vld [tilespmem:s4+$0x90];
	v13 =	vadd.f32 v18, v13  }
0x170: {  	v18 =	vld [tilespmem:s4+$0xA0];
	v7 =	vadd.f32 v20, v7  }
0x171: {  	v20 =	vld [tilespmem:s4+$0xB0];
	v2 =	vadd.f32 v19, v2  }
0x172: {  	v19 =	vld [tilespmem:s4+$0xC0];
	v0 =	vadd.f32 v21, v0  }
0x173: {  	v15 =	vadd.f32 v17, v15;
	v17 =	vld [tilespmem:s4+$0xD0]  }
0x174: {  	v14 =	vadd.f32 v16, v14;
	v16 =	vld [tilespmem:s4+$0xE0]  }
0x175: {  	v11 =	vadd.f32 v18, v11;
	v18 =	vld [tilespmem:s4+$0xF0]  }
0x176: {  	v8 =	vadd.f32 v20, v8;
	v20 =	vld [tilespmem:s4+$0x480]  }
.Ltmp7:
0x177: {  	v9 =	vadd.f32 v19, v9;
	v19 =	vld [tilespmem:s4+$0x490];
	(pc) =	sbr.rel @p0 .LBB2_12-.Ltmp7, $4  }
0x178: {  	v4 =	vadd.f32 v17, v4;
	v17 =	vld [tilespmem:s4+$0x4A0]  }
0x179: {  	v5 =	vadd.f32 v16, v5;
	v16 =	vld [tilespmem:s4+$0x4B0]  }
0x17a: {  	s3 =	sadd.s32 $0x80, s3;
	v3 =	vadd.f32 v18, v3;
	v18 =	vld [tilespmem:s4+$0x4C0]  }
0x17b: {  	s6 =	sand.u32 $0x1800, s5;
	s5 =	sadd.s32 $0x100, s5;
	s7 =	sand.u32 $0x380, s3;
	v10 =	vadd.f32 v20, v10;
	v20 =	vld [tilespmem:s4+$0x4D0]  }
0x17c: {  	s3 =	sor.u32 s7, s6;
	v21 =	vld [tilespmem:s4+$0x4E0]  }
0x17d: {  	v22 =	vld [tilespmem:s3+$0x4F0]  }
0x17e: {  	v23 =	vld [tilespmem:s3+$0x80]  }
0x17f: {  	v24 =	vld [tilespmem:s3+$0x90]  }
0x180: {  	v25 =	vld [tilespmem:s3+$0xA0]  }
0x181: {  	v26 =	vld [tilespmem:s3+$0xB0]  }
0x182: {  	v27 =	vld [tilespmem:s3+$0xC0]  }
0x183: {  	v28 =	vld [tilespmem:s3+$0xD0]  }
0x184: {  	v29 =	vld [tilespmem:s3+$0xE0]  }
0x185: {  	v30 =	vld [tilespmem:s3+$0xF0]  }
0x186: {  	v31 =	vld [tilespmem:s3+$0x480]  }
0x187: {  	v32 =	vld [tilespmem:s3+$0x490]  }
0x188: {  	v33 =	vld [tilespmem:s3+$0x4A0]  }
0x189: {  	v34 =	vld [tilespmem:s3+$0x4B0]  }
0x18a: {  	v35 =	vld [tilespmem:s3+$0x4C0];
	v15 =	vadd.f32 v23, v15  }
0x18b: {  	v54 =	vld [tilespmem:s3+$0x4D0];
	v14 =	vadd.f32 v24, v14  }
0x18c: {  	v55 =	vld [tilespmem:s3+$0x4E0];
	v11 =	vadd.f32 v25, v11;
	[tilespmem:$0x2080] =	vst v15  }
0x18d: {  	v8 =	vadd.f32 v26, v8;
	[tilespmem:$0x2090] =	vst v14  }
0x18e: {  	v9 =	vadd.f32 v27, v9;
	[tilespmem:$0x20A0] =	vst v11  }
0x18f: {  	v4 =	vadd.f32 v28, v4;
	[tilespmem:$0x20B0] =	vst v8  }
0x190: {  	v5 =	vadd.f32 v29, v5;
	[tilespmem:$0x20C0] =	vst v9  }
0x191: {  	v1 =	vadd.f32 v19, v1;
	v3 =	vadd.f32 v30, v3;
	[tilespmem:$0x20D0] =	vst v4  }
0x192: {  	v59 =	vadd.f32 v18, v13;
	v57 =	vadd.f32 v31, v10;
	[tilespmem:$0x20E0] =	vst v5  }
0x193: {  	v60 =	vadd.f32 v20, v7;
	v1 =	vadd.f32 v32, v1;
	[tilespmem:$0x20F0] =	vst v3  }
0x194: {  	v62 =	vadd.f32 v35, v59;
	[tilespmem:$0x2100] =	vst v57  }
0x195: {  	v56 =	vadd.f32 v17, v12;
	v63 =	vadd.f32 v54, v60;
	[tilespmem:$0x2110] =	vst v1  }
0x196: {  	v58 =	vadd.f32 v16, v6;
	v0 =	vadd.f32 v22, v0;
	[tilespmem:$0x2140] =	vst v62  }
0x197: {  	v61 =	vadd.f32 v21, v2;
	v4 =	vadd.f32 v33, v56;
	[tilespmem:$0x2150] =	vst v63  }
0x198: {  	v5 =	vadd.f32 v34, v58;
	[tilespmem:$0x2170] =	vst v0  }
0x199: {  	v1 =	vadd.f32 v55, v61;
	[tilespmem:$0x2120] =	vst v4  }
0x19a: {  	s29 =	simm.s32 $0x80;
	[tilespmem:$0x2130] =	vst v5  }
0x19b: {  	s30 =	simm.s32 $0x400;
	s5 =	simm.s32 $0x2080;
	s31 =	simm.s32 $0x2;
	[tilespmem:$0x2160] =	vst v1  }
0x19c: {  	[spmem:s2] =	stream.strided.scatter [tilespmem:s5], [sflag:$0x2], $0x100, s30, s29, $0x38;
	[tilespmem:$0x3300] =	vst v63  }
.Ltmp8:
0x19d: {  	_ =	swait.ge [sflag:s31], $0x100;
	(pc) =	sbr.rel .LBB2_17-.Ltmp8, $3  }
0x19e: {  	[sflag:s31] =	ssyncset.done $0x0  }
0x19f: {  	[sflag:s31] =	ssyncadd.s32 $0xFFFFFF00  }
0x1a0: {  	[bflag:$0x0] =	sbarrier.arrive $0xFFFF;
	_ =	sdelay $0x1  }
.LBB2_14:
0x1a1: {  	s2 =	sshll.u32 s1, $0x4  }
0x1a2: {  	s2 =	sadd.s32 $0xFFFFFF20, s2  }
0x1a3: {  	s2 =	sshrl.u32 s2, $0x3  }
0x1a4: {  	s3 =	simm.s32 $0x0;
	s25 =	simm.s32 $0x2;
	s2 =	sadd.s32 s8, s2  }
0x1a5: {  	[tilespmem:s3], [sflag:$0x2] =	stream.linear.gather [hbm4b:s2+s3], $0x10, $0x38;
	[tilespmem:$0x3300] =	vst v63  }
0x1a6: {  	_ =	swait.ge [sflag:s25], $0x10  }
0x1a7: {  	[sflag:s25] =	ssyncset.done $0x0  }
0x1a8: {  	[sflag:s25] =	ssyncadd.s32 $0xFFFFFFF0  }
0x1a9: {  	v0 =	vld [tilespmem:$0x0];
	_ =	sdelay $0x4  }
0x1aa: {  	v1 =	vshll.u32 v0, $0x1  }
0x1ab: {  	v2 =	vlaneseq.u32;
	v0 =	vand.u32 $0x7, v0;
	v1 =	vand.u32 $0xFFFFFFF0, v1  }
0x1ac: {  	v3 =	vshrl.u32 v2, $0x3;
	v0 =	vor.u32 v0, v1;
	v1 =	vand.u32 $0x7, v2  }
0x1ad: {  	v3 =	vmul.u32 $0x8, v3;
	v1 =	vperm.xlane v0, v1  }
0x1ae: {  	v2 =	vor.u32 $0x8, v2  }
0x1af: {  	v0 =	vperm.xlane v0, v2;
	v1 =	vadd.s32 v3, v1;
	_ =	sdelay $0x1  }
0x1b0: {  	v0 =	vadd.s32 v3, v0;
	_ =	sdelay $0x1  }
0x1b1: {  	vm0 =	vmmov $0xffff;
	s26 =	simm.s32 $0x80  }
0x1b2: {  	[tilespmem:s26], [sflag:$0x1] =	stream.indirect_vreg.gather [hbm4b:s5+s3], $0x80, v1, vm0, $0xb8;
	[tilespmem:$0x3300] =	vst v63  }
0x1b3: {  	s28 =	simm.s32 $0x880;
	s29 =	simm.s32 $0x1  }
0x1b4: {  	[tilespmem:s28], [sflag:$0x1] =	stream.indirect_vreg.gather [hbm4b:s5+s3], $0x80, v0, vm0, $0xb8;
	[tilespmem:$0x3300] =	vst v63  }
0x1b5: {  	_ =	swait.ge [sflag:s29], $0x1000  }
0x1b6: {  	s30 =	sand.u32 $0x800, s3;
	s3 =	sand.u32 $0x380, s3;
	[sflag:s29] =	ssyncset.done $0x0  }
0x1b7: {  	s3 =	sor.u32 s3, s30;
	[sflag:s29] =	ssyncadd.s32 $0xFFFFF000  }
0x1b8: {  	v0 =	vld [tilespmem:s3+$0x4F0]  }
0x1b9: {  	v2 =	vld [tilespmem:s3+$0x80]  }
0x1ba: {  	v3 =	vld [tilespmem:s3+$0x90]  }
0x1bb: {  	v4 =	vld [tilespmem:s3+$0xA0]  }
0x1bc: {  	v5 =	vld [tilespmem:s3+$0xB0]  }
0x1bd: {  	v6 =	vld [tilespmem:s3+$0xC0]  }
0x1be: {  	v7 =	vld [tilespmem:s3+$0xD0]  }
0x1bf: {  	v10 =	vld [tilespmem:s3+$0xE0]  }
0x1c0: {  	v1 =	vimm.f32 $0.0e+00;
	v12 =	vld [tilespmem:s3+$0xF0]  }
0x1c1: {  	v13 =	vld [tilespmem:s3+$0x480];
	v0 =	vadd.f32 v0, v1  }
0x1c2: {  	v15 =	vadd.f32 v2, v1;
	v14 =	vadd.f32 v3, v1  }
0x1c3: {  	v19 =	vld [tilespmem:s3+$0x490];
	v11 =	vadd.f32 v4, v1;
	v8 =	vadd.f32 v5, v1  }
0x1c4: {  	v17 =	vld [tilespmem:s3+$0x4A0];
	v9 =	vadd.f32 v6, v1;
	v4 =	vadd.f32 v7, v1  }
0x1c5: {  	v16 =	vld [tilespmem:s3+$0x4B0];
	v5 =	vadd.f32 v10, v1;
	v3 =	vadd.f32 v12, v1  }
0x1c6: {  	s31 =	simm.s32 $0x100;
	s2 =	sadd.s32 $0x800, s4;
	s4 =	simm.s32 $0x80;
	v18 =	vld [tilespmem:s3+$0x4C0];
	v10 =	vadd.f32 v13, v1;
	v12 =	vimm.f32 $0.0e+00;
	v6 =	vimm.f32 $0.0e+00  }
0x1c7: {  	s6 =	sand.u32 $0x800, s31;
	s7 =	sand.u32 $0x380, s4;
	s5 =	simm.s32 $0x200;
	v20 =	vld [tilespmem:s3+$0x4D0];
	v13 =	vimm.f32 $0.0e+00;
	v7 =	vimm.f32 $0.0e+00;
	v2 =	vimm.f32 $0.0e+00  }
.LBB2_15:
0x1c8: {  	p0 =	sne.s32 s5, $0xF00;
	v1 =	vadd.f32 v19, v1;
	v19 =	vld [tilespmem:s3+$0x4E0];
	s3 =	sor.u32 s7, s6  }
0x1c9: {  	v21 =	vld [tilespmem:s3+$0x4F0];
	v12 =	vadd.f32 v17, v12  }
0x1ca: {  	v17 =	vld [tilespmem:s3+$0x80];
	v6 =	vadd.f32 v16, v6  }
0x1cb: {  	v16 =	vld [tilespmem:s3+$0x90];
	v13 =	vadd.f32 v18, v13  }
0x1cc: {  	v18 =	vld [tilespmem:s3+$0xA0];
	v7 =	vadd.f32 v20, v7  }
0x1cd: {  	v20 =	vld [tilespmem:s3+$0xB0];
	v2 =	vadd.f32 v19, v2  }
0x1ce: {  	v19 =	vld [tilespmem:s3+$0xC0];
	v0 =	vadd.f32 v21, v0  }
0x1cf: {  	v15 =	vadd.f32 v17, v15;
	v17 =	vld [tilespmem:s3+$0xD0]  }
0x1d0: {  	v14 =	vadd.f32 v16, v14;
	v16 =	vld [tilespmem:s3+$0xE0]  }
0x1d1: {  	v11 =	vadd.f32 v18, v11;
	v18 =	vld [tilespmem:s3+$0xF0]  }
0x1d2: {  	v8 =	vadd.f32 v20, v8;
	v20 =	vld [tilespmem:s3+$0x480]  }
.Ltmp9:
0x1d3: {  	v9 =	vadd.f32 v19, v9;
	v19 =	vld [tilespmem:s3+$0x490];
	(pc) =	sbr.rel @p0 .LBB2_15-.Ltmp9, $4  }
0x1d4: {  	v4 =	vadd.f32 v17, v4;
	v17 =	vld [tilespmem:s3+$0x4A0]  }
0x1d5: {  	v5 =	vadd.f32 v16, v5;
	v16 =	vld [tilespmem:s3+$0x4B0]  }
0x1d6: {  	s4 =	sadd.s32 $0x80, s4;
	v3 =	vadd.f32 v18, v3;
	v18 =	vld [tilespmem:s3+$0x4C0]  }
0x1d7: {  	s6 =	sand.u32 $0x800, s5;
	s5 =	sadd.s32 $0x100, s5;
	s7 =	sand.u32 $0x380, s4;
	v10 =	vadd.f32 v20, v10;
	v20 =	vld [tilespmem:s3+$0x4D0]  }
0x1d8: {  	s4 =	sor.u32 s7, s6;
	v21 =	vld [tilespmem:s3+$0x4E0]  }
0x1d9: {  	v22 =	vld [tilespmem:s4+$0x4F0]  }
0x1da: {  	v23 =	vld [tilespmem:s4+$0x80]  }
0x1db: {  	v24 =	vld [tilespmem:s4+$0x90]  }
0x1dc: {  	v25 =	vld [tilespmem:s4+$0xA0]  }
0x1dd: {  	v26 =	vld [tilespmem:s4+$0xB0]  }
0x1de: {  	v27 =	vld [tilespmem:s4+$0xC0]  }
0x1df: {  	v28 =	vld [tilespmem:s4+$0xD0]  }
0x1e0: {  	v29 =	vld [tilespmem:s4+$0xE0]  }
0x1e1: {  	v30 =	vld [tilespmem:s4+$0xF0]  }
0x1e2: {  	v31 =	vld [tilespmem:s4+$0x480]  }
0x1e3: {  	v32 =	vld [tilespmem:s4+$0x490]  }
0x1e4: {  	v33 =	vld [tilespmem:s4+$0x4A0]  }
0x1e5: {  	v34 =	vld [tilespmem:s4+$0x4B0]  }
0x1e6: {  	v35 =	vld [tilespmem:s4+$0x4C0];
	v15 =	vadd.f32 v23, v15  }
0x1e7: {  	v54 =	vld [tilespmem:s4+$0x4D0];
	v14 =	vadd.f32 v24, v14  }
0x1e8: {  	v55 =	vld [tilespmem:s4+$0x4E0];
	v11 =	vadd.f32 v25, v11;
	[tilespmem:$0x2080] =	vst v15  }
0x1e9: {  	v8 =	vadd.f32 v26, v8;
	[tilespmem:$0x2090] =	vst v14  }
0x1ea: {  	v9 =	vadd.f32 v27, v9;
	[tilespmem:$0x20A0] =	vst v11  }
0x1eb: {  	v4 =	vadd.f32 v28, v4;
	[tilespmem:$0x20B0] =	vst v8  }
0x1ec: {  	v5 =	vadd.f32 v29, v5;
	[tilespmem:$0x20C0] =	vst v9  }
0x1ed: {  	v1 =	vadd.f32 v19, v1;
	v3 =	vadd.f32 v30, v3;
	[tilespmem:$0x20D0] =	vst v4  }
0x1ee: {  	v59 =	vadd.f32 v18, v13;
	v57 =	vadd.f32 v31, v10;
	[tilespmem:$0x20E0] =	vst v5  }
0x1ef: {  	v60 =	vadd.f32 v20, v7;
	v1 =	vadd.f32 v32, v1;
	[tilespmem:$0x20F0] =	vst v3  }
0x1f0: {  	v62 =	vadd.f32 v35, v59;
	[tilespmem:$0x2100] =	vst v57  }
0x1f1: {  	v56 =	vadd.f32 v17, v12;
	v63 =	vadd.f32 v54, v60;
	[tilespmem:$0x2110] =	vst v1  }
0x1f2: {  	v58 =	vadd.f32 v16, v6;
	v0 =	vadd.f32 v22, v0;
	[tilespmem:$0x2140] =	vst v62  }
0x1f3: {  	v61 =	vadd.f32 v21, v2;
	v4 =	vadd.f32 v33, v56;
	[tilespmem:$0x2150] =	vst v63  }
0x1f4: {  	v5 =	vadd.f32 v34, v58;
	[tilespmem:$0x2170] =	vst v0  }
0x1f5: {  	v1 =	vadd.f32 v55, v61;
	[tilespmem:$0x2120] =	vst v4  }
0x1f6: {  	s29 =	simm.s32 $0x80;
	[tilespmem:$0x2130] =	vst v5  }
0x1f7: {  	s30 =	simm.s32 $0x400;
	s5 =	simm.s32 $0x2080;
	s31 =	simm.s32 $0x2;
	[tilespmem:$0x2160] =	vst v1  }
0x1f8: {  	[spmem:s2] =	stream.strided.scatter [tilespmem:s5], [sflag:$0x2], $0x100, s30, s29, $0x38;
	[tilespmem:$0x3300] =	vst v63  }
0x1f9: {  	_ =	swait.ge [sflag:s31], $0x100  }
0x1fa: {  	[sflag:s31] =	ssyncset.done $0x0  }
0x1fb: {  	[sflag:s31] =	ssyncadd.s32 $0xFFFFFF00  }
0x1fc: {  	[bflag:$0x0] =	sbarrier.arrive $0xFFFF  }
.LBB2_17:
0x1fd: {  	_ =	sfence.sel $0x180000  }
0x1fe: {  	[bflag:$0x0] =	sbarrier.arrive $0xFFFF  }
0x1ff: {  	p0 =	sne.s32 s1, $0x0;
	_ =	strace $0x90000047  }
0x200: {  	s0 =	sadd.s32 @!p0 $0x100000, s0;
	[bflag:$0x2] =	sbarrier.arrive $0xFFFF  }
0x201: {  	[sflag:s0] =	ssyncadd.tile.s32 @!p0 $0x1;
	_ =	shalt  }
.LBB2_2:
0x202: {  	v11 =	vimm.f32 $0.0e+00  }
.Ltmp10:
0x203: {  	v12 =	vimm.f32 $0.0e+00;
	v13 =	vimm.f32 $0.0e+00;
	v14 =	vimm.f32 $0.0e+00;
	(pc) =	sbr.rel .LBB2_6-.Ltmp10, $4  }
0x204: {  	v15 =	vimm.f32 $0.0e+00;
	v16 =	vimm.f32 $0.0e+00;
	v1 =	vimm.f32 $0.0e+00  }
0x205: {  	v2 =	vimm.f32 $0.0e+00;
	v3 =	vimm.f32 $0.0e+00;
	v4 =	vimm.f32 $0.0e+00  }
0x206: {  	v5 =	vimm.f32 $0.0e+00;
	v6 =	vimm.f32 $0.0e+00;
	v7 =	vimm.f32 $0.0e+00  }
0x207: {  	v8 =	vimm.f32 $0.0e+00;
	v9 =	vimm.f32 $0.0e+00;
	v10 =	vimm.f32 $0.0e+00  }
.LBB2_4:
.Ltmp11:
0x208: {  	(pc) =	sbr.rel .LBB2_6-.Ltmp11, $3  }
0x209: {  	_ =	sdelay $0x1  }
0x20a: {  	v11 =	vimm.f32 $0.0e+00;
	v12 =	vimm.f32 $0.0e+00;
	v13 =	vimm.f32 $0.0e+00  }
0x20b: {  	v14 =	vimm.f32 $0.0e+00;
	v15 =	vimm.f32 $0.0e+00;
	v16 =	vimm.f32 $0.0e+00  }
.Lfunc_end2:
_tile_overlayer_lowered:
.L_overlay_start_2:
0x20c: {  	(tag) =	ssettag $0x2  }
0x20d: {  	s0 =	rddreg [dreg:$0x0];
	s2 =	stileid.u32  }
0x20e: {  	s1 =	rddreg [dreg:$0x1];
	p0 =	sne.s32 s2, $0x0  }
0x20f: {  	s3 =	rddreg [dreg:$0x2];
	[bflag:$0x3] =	sbarrier.arrive $0xFFFF;
	s2 =	simm.s32 @!p0 $0x1C02  }
0x210: {  	[timem:s3], [sflag:s2] =	dma.local @!p0 [hbm:s0], s1  }
0x211: {  	s0 =	simm.s32 @!p0 $0x2  }
0x212: {  	_ =	swait.ge @!p0 [sflag:s0], s1  }
0x213: {  	s1 =	ssub.s32 @!p0 $0x0, s1;
	[sflag:s0] =	ssyncset.done @!p0 $0x0  }
0x214: {  	[sflag:s0] =	ssyncadd.s32 @!p0 s1  }
0x215: {  	[bflag:$0x3] =	sbarrier.arrive $0xFFFF  }
0x216: {  	_ =	shalt  }

</sc_bundles>
